<compile_context>
chip_gen: v7x
topology: tpu7x:2x2x1
jax: 0.10.2.dev20260603
libtpu: 0.0.44.dev20260713+nightly
codegen_flags: <defaults>
</compile_context>

<pallas_src>
import jax
import jax.numpy as jnp
from jax import lax
from jax.experimental import pallas as pl
from jax.experimental.pallas import tpu as pltpu
from jax.experimental.pallas import tpu_sc as plsc

N_NODES = 10000
N_EDGES = 160000
D_FEAT = 256
D_HID = 512
N_GRAPHS = 64

NC = 2
NT = 16
LCHUNK = 128
NCHUNK = D_HID // LCHUNK
EB = 128
EROWS = N_EDGES // EB
TBF = 80
TBL = EROWS - 15 * TBF

ROWS_PER_TILE = 632
SP_ROWS = NT * ROWS_PER_TILE

NB = 5
BN = N_NODES // NB


def _encoder_body(x_ref, w_ref, b_ref, o_ref):
    y = jnp.dot(x_ref[...], w_ref[...], preferred_element_type=jnp.float32)
    y = jnp.maximum(y + b_ref[...], 0.0)
    for c in range(NCHUNK):
        o_ref[c] = y[:, c * LCHUNK:(c + 1) * LCHUNK]


def _encode(x, W_enc, b_enc):
    return pl.pallas_call(
        _encoder_body,
        grid=(NB,),
        in_specs=[
            pl.BlockSpec((BN, D_FEAT), lambda i: (i, 0)),
            pl.BlockSpec((D_FEAT, D_HID), lambda i: (0, 0)),
            pl.BlockSpec((1, D_HID), lambda i: (0, 0)),
        ],
        out_specs=pl.BlockSpec((NCHUNK, BN, LCHUNK), lambda i: (0, i, 0)),
        out_shape=jax.ShapeDtypeStruct((NCHUNK, N_NODES, LCHUNK), jnp.float32),
    )(x, W_enc, b_enc.reshape(1, D_HID))


HB = TBF // 2


def _agg_body(h_ref, ei_ref, out_ref,
              spmem, zbuf, gbufa, gbufb, srcv, dstv, sema, semb):
    core = lax.axis_index("c")
    sub = lax.axis_index("s")

    def _z(i, _):
        for j in range(8):
            zbuf[i, pl.ds(j * 16, 16)] = jnp.zeros((16,), jnp.float32)
        return 0
    lax.fori_loop(0, 32, _z, 0)

    def _zero_own_rows():
        for k in range(19):
            pltpu.sync_copy(zbuf, spmem.at[pl.ds(sub * ROWS_PER_TILE + k * 32, 32)])
        pltpu.sync_copy(zbuf.at[pl.ds(0, 24)],
                        spmem.at[pl.ds(sub * ROWS_PER_TILE + 608, 24)])

    def _stage_half(half, sync):
        row0 = sub * TBF + half * HB
        if half == 0:
            pltpu.async_copy(ei_ref.at[0].at[pl.ds(row0, HB)], srcv, sema)
            pltpu.async_copy(ei_ref.at[1].at[pl.ds(row0, HB)], dstv, semb)
        else:
            @pl.when(sub < NT - 1)
            def _stage_full():
                pltpu.async_copy(ei_ref.at[0].at[pl.ds(row0, HB)], srcv, sema)
                pltpu.async_copy(ei_ref.at[1].at[pl.ds(row0, HB)], dstv, semb)

            last0 = (NT - 1) * TBF + HB

            @pl.when(sub == NT - 1)
            def _stage_last():
                pltpu.async_copy(ei_ref.at[0].at[pl.ds(last0, TBL - HB)],
                                 srcv.at[pl.ds(0, TBL - HB)], sema)
                pltpu.async_copy(ei_ref.at[1].at[pl.ds(last0, TBL - HB)],
                                 dstv.at[pl.ds(0, TBL - HB)], semb)
        if sync:
            _stage_wait(half)

    def _stage_wait(half):
        if half == 0:
            pltpu.make_async_copy(ei_ref.at[0].at[pl.ds(0, HB)], srcv, sema).wait()
            pltpu.make_async_copy(ei_ref.at[1].at[pl.ds(0, HB)], dstv, semb).wait()
        else:
            @pl.when(sub < NT - 1)
            def _wait_full():
                pltpu.make_async_copy(ei_ref.at[0].at[pl.ds(0, HB)], srcv,
                                      sema).wait()
                pltpu.make_async_copy(ei_ref.at[1].at[pl.ds(0, HB)], dstv,
                                      semb).wait()

            last0 = (NT - 1) * TBF + HB

            @pl.when(sub == NT - 1)
            def _wait_last():
                pltpu.make_async_copy(ei_ref.at[0].at[pl.ds(last0, TBL - HB)],
                                      srcv.at[pl.ds(0, TBL - HB)], sema).wait()
                pltpu.make_async_copy(ei_ref.at[1].at[pl.ds(last0, TBL - HB)],
                                      dstv.at[pl.ds(0, TBL - HB)], semb).wait()

    _stage_half(0, sync=False)
    _zero_own_rows()
    _stage_wait(0)
    plsc.subcore_barrier()

    for cc in range(2):
        c = core * 2 + cc

        halves = (0, 1) if cc == 0 else (1, 0)
        for hi, half in enumerate(halves):
            if hi == 1:
                _stage_half(half, sync=True)
            if half == 0:
                nb = HB
            else:
                nb = jnp.where(sub == NT - 1, TBL - HB, HB)

            def _gather(j, buf, sem):
                return pltpu.async_copy(h_ref.at[c].at[srcv.at[j]], buf, sem)

            def _gwait(buf, sem):
                pltpu.make_async_copy(h_ref.at[c].at[srcv.at[0]], buf, sem).wait()

            _gather(0, gbufa, sema)

            def _pair(k, _):
                j0 = 2 * k
                j1 = j0 + 1
                _gather(j1, gbufb, semb)
                _gwait(gbufa, sema)
                pltpu.sync_copy(gbufa, spmem.at[dstv.at[j0]], add=True)

                @pl.when(j1 + 1 < nb)
                def _next():
                    _gather(j1 + 1, gbufa, sema)

                _gwait(gbufb, semb)
                pltpu.sync_copy(gbufb, spmem.at[dstv.at[j1]], add=True)
                return 0

            lax.fori_loop(0, nb // 2, _pair, 0)
        plsc.subcore_barrier()

        base = sub * ROWS_PER_TILE
        pltpu.sync_copy(spmem.at[pl.ds(base, ROWS_PER_TILE)],
                        out_ref.at[c].at[pl.ds(base, ROWS_PER_TILE)])
        if cc == 0:
            plsc.subcore_barrier()


def _aggregate(h_chunks, ei3):
    k = pl.kernel(
        _agg_body,
        out_type=jax.ShapeDtypeStruct((NCHUNK, SP_ROWS, LCHUNK), jnp.float32),
        mesh=plsc.VectorSubcoreMesh(core_axis_name="c", subcore_axis_name="s"),
        scratch_types=[
            pltpu.VMEM_SHARED((SP_ROWS, LCHUNK), jnp.float32),
            pltpu.VMEM((32, 128), jnp.float32),
            pltpu.VMEM((EB, LCHUNK), jnp.float32),
            pltpu.VMEM((EB, LCHUNK), jnp.float32),
            pltpu.VMEM((HB, EB), jnp.int32),
            pltpu.VMEM((HB, EB), jnp.int32),
            pltpu.SemaphoreType.DMA,
            pltpu.SemaphoreType.DMA,
        ],
    )
    return k(h_chunks, ei3)


def _self_body(h_ref, ws_ref, b_ref, o_ref):
    acc = jnp.zeros((BN, D_HID), jnp.float32) + b_ref[...]
    for c in range(NCHUNK):
        acc += jnp.dot(h_ref[c], ws_ref[c], preferred_element_type=jnp.float32)
    o_ref[...] = acc


def _self_term(h_chunks, W_self, b_gnn):
    return pl.pallas_call(
        _self_body,
        grid=(NB,),
        in_specs=[
            pl.BlockSpec((NCHUNK, BN, LCHUNK), lambda i: (0, i, 0)),
            pl.BlockSpec((NCHUNK, LCHUNK, D_HID), lambda i: (0, 0, 0)),
            pl.BlockSpec((1, D_HID), lambda i: (0, 0)),
        ],
        out_specs=pl.BlockSpec((BN, D_HID), lambda i: (i, 0)),
        out_shape=jax.ShapeDtypeStruct((N_NODES, D_HID), jnp.float32),
    )(h_chunks, W_self.reshape(NCHUNK, LCHUNK, D_HID), b_gnn.reshape(1, D_HID))


def _gnn_pool_body(agg_ref, s_ref, wm_ref, batch_ref, out_ref, cnt_ref):
    i = pl.program_id(0)
    acc = s_ref[...]
    for c in range(NCHUNK):
        a = agg_ref[c] if c % 2 == 0 else agg_ref[c] - agg_ref[c - 1]
        acc += jnp.dot(a, wm_ref[c], preferred_element_type=jnp.float32)
    nf = jnp.maximum(acc, 0.0)

    bvec = batch_ref[0, 0, :]
    gids = lax.broadcasted_iota(jnp.int32, (N_GRAPHS, BN), 0)
    maskT = (gids == bvec[None, :]).astype(jnp.float32)
    contrib = jnp.dot(maskT, nf, preferred_element_type=jnp.float32)
    cnt = jnp.sum(maskT, axis=1)

    @pl.when(i == 0)
    def _init():
        out_ref[...] = jnp.zeros_like(out_ref)
        cnt_ref[...] = jnp.zeros_like(cnt_ref)

    out_ref[...] += contrib
    cnt_ref[...] += jnp.broadcast_to(cnt[:, None], (N_GRAPHS, 128))

    @pl.when(i == NB - 1)
    def _fin():
        out_ref[...] = out_ref[...] / jnp.maximum(cnt_ref[:, 0:1], 1.0)


def _gnn_pool(agg_chunks, s, W_msg, batch3):
    return pl.pallas_call(
        _gnn_pool_body,
        grid=(NB,),
        in_specs=[
            pl.BlockSpec((NCHUNK, BN, LCHUNK), lambda i: (0, i, 0)),
            pl.BlockSpec((BN, D_HID), lambda i: (i, 0)),
            pl.BlockSpec((NCHUNK, LCHUNK, D_HID), lambda i: (0, 0, 0)),
            pl.BlockSpec((1, 1, BN), lambda i: (i, 0, 0)),
        ],
        out_specs=pl.BlockSpec((N_GRAPHS, D_HID), lambda i: (0, 0)),
        out_shape=jax.ShapeDtypeStruct((N_GRAPHS, D_HID), jnp.float32),
        scratch_shapes=[pltpu.VMEM((N_GRAPHS, 128), jnp.float32)],
    )(agg_chunks, s, W_msg.reshape(NCHUNK, LCHUNK, D_HID), batch3)


@jax.jit
def kernel(x, edge_index, batch, W_enc, b_enc, W_msg, W_self, b_gnn):
    ei3 = edge_index.astype(jnp.int32).reshape(2, EROWS, EB)
    batch3 = batch.astype(jnp.int32).reshape(NB, 1, BN)

    h_chunks = _encode(x, W_enc, b_enc)
    agg_chunks = _aggregate(h_chunks, ei3)
    s = _self_term(h_chunks, W_self, b_gnn)
    return _gnn_pool(agg_chunks, s, W_msg, batch3)

# --- scband reference (transcript-rebuilt; emitter-appended) ---
"""Pipeline reference for scband-graph-level-encoder-8607114461358 (READ-ONLY COPY).

The authoritative reference and input builder live on the scoring server;
editing this copy changes nothing except your own understanding.
"""

import jax, jax.numpy as jnp
import numpy as np

N_NODES = 10000
N_EDGES = 160000
D_FEAT = 256
D_HID = 512
N_GRAPHS = 64

def setup_inputs(seed: int = 0) -> dict:
    key = jax.random.key(seed)
    k1, k2, k3, k4, k5, k6, k7, k8 = jax.random.split(key, 8)
    x = jax.random.normal(k1, (N_NODES, D_FEAT), dtype=jnp.float32)
    edge_index = jax.random.randint(k2, (2, N_EDGES), 0, N_NODES, dtype=jnp.int64)
    batch = jnp.sort(jax.random.randint(k3, (N_NODES,), 0, N_GRAPHS, dtype=jnp.int64))
    W_enc = jax.random.normal(k4, (D_FEAT, D_HID), dtype=jnp.float32) * (1.0 / np.sqrt(D_FEAT))
    b_enc = jnp.zeros((D_HID,), dtype=jnp.float32)
    W_msg = jax.random.normal(k5, (D_HID, D_HID), dtype=jnp.float32) * (1.0 / np.sqrt(D_HID))
    W_self = jax.random.normal(k6, (D_HID, D_HID), dtype=jnp.float32) * (1.0 / np.sqrt(D_HID))
    b_gnn = jnp.zeros((D_HID,), dtype=jnp.float32)
    return {"x": x, "edge_index": edge_index, "batch": batch, "W_enc": W_enc, "b_enc": b_enc, "W_msg": W_msg, "W_self": W_self, "b_gnn": b_gnn}

def reference(x, edge_index, batch, W_enc, b_enc, W_msg, W_self, b_gnn):
    # feature_encoder: node-wise linear + relu
    h = jnp.maximum(x @ W_enc + b_enc, 0.0)
    # backbone: one message-passing conv (sum aggregation over incoming edges)
    src = edge_index[0]
    dst = edge_index[1]
    msgs = jnp.take(h, src, axis=0)
    agg = jax.ops.segment_sum(msgs, dst, num_segments=N_NODES)
    node_features = jnp.maximum(agg @ W_msg + h @ W_self + b_gnn, 0.0)
    # global_mean_pool over batch segment ids
    seg_sum = jax.ops.segment_sum(node_features, batch, num_segments=N_GRAPHS)
    counts = jax.ops.segment_sum(jnp.ones((N_NODES,), dtype=jnp.float32), batch, num_segments=N_GRAPHS)
    counts = jnp.clip(counts, 1.0, None)
    graph_features = seg_sum / counts[:, None]
    return graph_features

if __name__ == "__main__":
    import jax
    _d = setup_inputs()
    print(jax.jit(kernel)(*tuple(_d.values())))

</pallas_src>

<mosaic_0001>
#map = affine_map<(d0, d1) -> (0, 0, 0)>
module attributes {stable_mosaic.version = 14 : i64} {
  func.func @_agg_body(%arg0: i32, %arg1: i32, %arg2: memref<4x10000x128xf32, #tpu.memory_space<hbm>>, %arg3: memref<2x1250x128xi32, #tpu.memory_space<hbm>>, %arg4: memref<4x10112x128xf32, #tpu.memory_space<hbm>>, %arg5: memref<10112x128xf32, #tpu.memory_space<vmem_shared>>, %arg6: memref<32x128xf32, #tpu.memory_space<vmem>>, %arg7: memref<128x128xf32, #tpu.memory_space<vmem>>, %arg8: memref<128x128xf32, #tpu.memory_space<vmem>>, %arg9: memref<40x128xi32, #tpu.memory_space<vmem>>, %arg10: memref<40x128xi32, #tpu.memory_space<vmem>>, %arg11: memref<!tpu.dma_semaphore, #tpu.memory_space<semaphore_mem>>, %arg12: memref<!tpu.dma_semaphore, #tpu.memory_space<semaphore_mem>>) attributes {dimension_semantics = [#tpu.dimension_semantics<core_parallel>, #tpu.dimension_semantics<subcore_parallel>], iteration_bounds = array<i64: 2, 16>, scalar_prefetch = 0 : i64, scratch_operands = 8 : i64, tpu.core_type = #tpu.core_type<sc_vector_subcore>, window_params = [{transform_indices = #map}, {transform_indices = #map}, {transform_indices = #map}]} {
    %scan3A = arith.constant 0 : i32
    %scan3A_0 = arith.constant 0 : i32
    %scan3A_1 = arith.constant 32 : i32
    %scan3A_2 = arith.addi %scan3A_0, %scan3A_1 : i32
    %scan3A_3 = arith.constant 1 : i32
    %scan3A_4 = scf.for %scan3A_368 = %scan3A_0 to %scan3A_2 step %scan3A_3 iter_args(%scan3A_369 = %scan3A) -> (i32)  : i32 {
      %broadcast_in_dim3A = arith.constant 0.000000e+00 : f32
      %broadcast_in_dim3A_370 = vector.broadcast %broadcast_in_dim3A : f32 to vector<16xf32>
      %swap3A = arith.index_cast %scan3A_368 : i32 to index
      %swap3A_371 = arith.constant 0 : index
      %swap3A_372 = tpu.vector_load %arg6[%swap3A, %swap3A_371] {strides = array<i32>} : memref<32x128xf32, #tpu.memory_space<vmem>>, vector<1x16xf32>,
      %swap3A_373 = vector.shape_cast %swap3A_372 : vector<1x16xf32> to vector<16xf32>
      %swap3A_374 = vector.shape_cast %broadcast_in_dim3A_370 : vector<16xf32> to vector<1x16xf32>
      tpu.vector_store %arg6[%swap3A, %swap3A_371], %swap3A_374 {strides = array<i32>} : memref<32x128xf32, #tpu.memory_space<vmem>>, vector<1x16xf32>,
      %broadcast_in_dim3A_375 = arith.constant 0.000000e+00 : f32
      %broadcast_in_dim3A_376 = vector.broadcast %broadcast_in_dim3A_375 : f32 to vector<16xf32>
      %swap3A_377 = arith.index_cast %scan3A_368 : i32 to index
      %swap3A_378 = arith.constant 16 : index
      %swap3A_379 = tpu.vector_load %arg6[%swap3A_377, %swap3A_378] {strides = array<i32>} : memref<32x128xf32, #tpu.memory_space<vmem>>, vector<1x16xf32>,
      %swap3A_380 = vector.shape_cast %swap3A_379 : vector<1x16xf32> to vector<16xf32>
      %swap3A_381 = vector.shape_cast %broadcast_in_dim3A_376 : vector<16xf32> to vector<1x16xf32>
      tpu.vector_store %arg6[%swap3A_377, %swap3A_378], %swap3A_381 {strides = array<i32>} : memref<32x128xf32, #tpu.memory_space<vmem>>, vector<1x16xf32>,
      %broadcast_in_dim3A_382 = arith.constant 0.000000e+00 : f32
      %broadcast_in_dim3A_383 = vector.broadcast %broadcast_in_dim3A_382 : f32 to vector<16xf32>
      %swap3A_384 = arith.index_cast %scan3A_368 : i32 to index
      %swap3A_385 = arith.constant 32 : index
      %swap3A_386 = tpu.vector_load %arg6[%swap3A_384, %swap3A_385] {strides = array<i32>} : memref<32x128xf32, #tpu.memory_space<vmem>>, vector<1x16xf32>,
      %swap3A_387 = vector.shape_cast %swap3A_386 : vector<1x16xf32> to vector<16xf32>
      %swap3A_388 = vector.shape_cast %broadcast_in_dim3A_383 : vector<16xf32> to vector<1x16xf32>
      tpu.vector_store %arg6[%swap3A_384, %swap3A_385], %swap3A_388 {strides = array<i32>} : memref<32x128xf32, #tpu.memory_space<vmem>>, vector<1x16xf32>,
      %broadcast_in_dim3A_389 = arith.constant 0.000000e+00 : f32
      %broadcast_in_dim3A_390 = vector.broadcast %broadcast_in_dim3A_389 : f32 to vector<16xf32>
      %swap3A_391 = arith.index_cast %scan3A_368 : i32 to index
      %swap3A_392 = arith.constant 48 : index
      %swap3A_393 = tpu.vector_load %arg6[%swap3A_391, %swap3A_392] {strides = array<i32>} : memref<32x128xf32, #tpu.memory_space<vmem>>, vector<1x16xf32>,
      %swap3A_394 = vector.shape_cast %swap3A_393 : vector<1x16xf32> to vector<16xf32>
      %swap3A_395 = vector.shape_cast %broadcast_in_dim3A_390 : vector<16xf32> to vector<1x16xf32>
      tpu.vector_store %arg6[%swap3A_391, %swap3A_392], %swap3A_395 {strides = array<i32>} : memref<32x128xf32, #tpu.memory_space<vmem>>, vector<1x16xf32>,
      %broadcast_in_dim3A_396 = arith.constant 0.000000e+00 : f32
      %broadcast_in_dim3A_397 = vector.broadcast %broadcast_in_dim3A_396 : f32 to vector<16xf32>
      %swap3A_398 = arith.index_cast %scan3A_368 : i32 to index
      %swap3A_399 = arith.constant 64 : index
      %swap3A_400 = tpu.vector_load %arg6[%swap3A_398, %swap3A_399] {strides = array<i32>} : memref<32x128xf32, #tpu.memory_space<vmem>>, vector<1x16xf32>,
      %swap3A_401 = vector.shape_cast %swap3A_400 : vector<1x16xf32> to vector<16xf32>
      %swap3A_402 = vector.shape_cast %broadcast_in_dim3A_397 : vector<16xf32> to vector<1x16xf32>
      tpu.vector_store %arg6[%swap3A_398, %swap3A_399], %swap3A_402 {strides = array<i32>} : memref<32x128xf32, #tpu.memory_space<vmem>>, vector<1x16xf32>,
      %broadcast_in_dim3A_403 = arith.constant 0.000000e+00 : f32
      %broadcast_in_dim3A_404 = vector.broadcast %broadcast_in_dim3A_403 : f32 to vector<16xf32>
      %swap3A_405 = arith.index_cast %scan3A_368 : i32 to index
      %swap3A_406 = arith.constant 80 : index
      %swap3A_407 = tpu.vector_load %arg6[%swap3A_405, %swap3A_406] {strides = array<i32>} : memref<32x128xf32, #tpu.memory_space<vmem>>, vector<1x16xf32>,
      %swap3A_408 = vector.shape_cast %swap3A_407 : vector<1x16xf32> to vector<16xf32>
      %swap3A_409 = vector.shape_cast %broadcast_in_dim3A_404 : vector<16xf32> to vector<1x16xf32>
      tpu.vector_store %arg6[%swap3A_405, %swap3A_406], %swap3A_409 {strides = array<i32>} : memref<32x128xf32, #tpu.memory_space<vmem>>, vector<1x16xf32>,
      %broadcast_in_dim3A_410 = arith.constant 0.000000e+00 : f32
      %broadcast_in_dim3A_411 = vector.broadcast %broadcast_in_dim3A_410 : f32 to vector<16xf32>
      %swap3A_412 = arith.index_cast %scan3A_368 : i32 to index
      %swap3A_413 = arith.constant 96 : index
      %swap3A_414 = tpu.vector_load %arg6[%swap3A_412, %swap3A_413] {strides = array<i32>} : memref<32x128xf32, #tpu.memory_space<vmem>>, vector<1x16xf32>,
      %swap3A_415 = vector.shape_cast %swap3A_414 : vector<1x16xf32> to vector<16xf32>
      %swap3A_416 = vector.shape_cast %broadcast_in_dim3A_411 : vector<16xf32> to vector<1x16xf32>
      tpu.vector_store %arg6[%swap3A_412, %swap3A_413], %swap3A_416 {strides = array<i32>} : memref<32x128xf32, #tpu.memory_space<vmem>>, vector<1x16xf32>,
      %broadcast_in_dim3A_417 = arith.constant 0.000000e+00 : f32
      %broadcast_in_dim3A_418 = vector.broadcast %broadcast_in_dim3A_417 : f32 to vector<16xf32>
      %swap3A_419 = arith.index_cast %scan3A_368 : i32 to index
      %swap3A_420 = arith.constant 112 : index
      %swap3A_421 = tpu.vector_load %arg6[%swap3A_419, %swap3A_420] {strides = array<i32>} : memref<32x128xf32, #tpu.memory_space<vmem>>, vector<1x16xf32>,
      %swap3A_422 = vector.shape_cast %swap3A_421 : vector<1x16xf32> to vector<16xf32>
      %swap3A_423 = vector.shape_cast %broadcast_in_dim3A_418 : vector<16xf32> to vector<1x16xf32>
      tpu.vector_store %arg6[%swap3A_419, %swap3A_420], %swap3A_423 {strides = array<i32>} : memref<32x128xf32, #tpu.memory_space<vmem>>, vector<1x16xf32>,
      %scan3A_424 = arith.constant 0 : i32
      scf.yield %scan3A_424 : i32
    }
    %scan3A_5 = arith.constant 32 : i32
    %mul3A = arith.constant 80 : i32
    %mul3A_6 = arith.muli %arg1, %mul3A : i32
    %add3A = arith.constant 0 : i32
    %add3A_7 = arith.addi %mul3A_6, %add3A : i32
    %dma_start3A = arith.constant 0 : i32
    %dma_start3A_8 = arith.constant 0 : i32
    %dma_start3A_9 = arith.constant 0 : i32
    %dma_start3A_10 = tpu.memref_slice %arg3[%dma_start3A, %dma_start3A_8, %dma_start3A_9] : memref<2x1250x128xi32, #tpu.memory_space<hbm>> -> memref<1x1250x128xi32, #tpu.memory_space<hbm>>
    %dma_start3A_11 = tpu.memref_squeeze %dma_start3A_10 : memref<1x1250x128xi32, #tpu.memory_space<hbm>> -> memref<1250x128xi32, #tpu.memory_space<hbm>>
    %dma_start3A_12 = arith.constant 0 : i32
    %dma_start3A_13 = tpu.memref_slice %dma_start3A_11[%add3A_7, %dma_start3A_12] : memref<1250x128xi32, #tpu.memory_space<hbm>> -> memref<40x128xi32, #tpu.memory_space<hbm>>
    %dma_start3A_14 = arith.constant 0 : i32
    %dma_start3A_15 = arith.constant 0 : i32
    %dma_start3A_16 = tpu.memref_slice %arg3[%dma_start3A, %dma_start3A_14, %dma_start3A_15] : memref<2x1250x128xi32, #tpu.memory_space<hbm>> -> memref<1x1250x128xi32, #tpu.memory_space<hbm>>
    %dma_start3A_17 = tpu.memref_squeeze %dma_start3A_16 : memref<1x1250x128xi32, #tpu.memory_space<hbm>> -> memref<1250x128xi32, #tpu.memory_space<hbm>>
    %dma_start3A_18 = arith.constant 0 : i32
    %dma_start3A_19 = tpu.memref_slice %dma_start3A_17[%add3A_7, %dma_start3A_18] : memref<1250x128xi32, #tpu.memory_space<hbm>> -> memref<40x128xi32, #tpu.memory_space<hbm>>
    tpu.enqueue_dma source(%dma_start3A_19 : memref<40x128xi32, #tpu.memory_space<hbm>>) target(%arg9 : memref<40x128xi32, #tpu.memory_space<vmem>>) target_semaphore(%arg11 : memref<!tpu.dma_semaphore, #tpu.memory_space<semaphore_mem>>)
    %dma_start3A_20 = arith.constant 1 : i32
    %dma_start3A_21 = arith.constant 0 : i32
    %dma_start3A_22 = arith.constant 0 : i32
    %dma_start3A_23 = tpu.memref_slice %arg3[%dma_start3A_20, %dma_start3A_21, %dma_start3A_22] : memref<2x1250x128xi32, #tpu.memory_space<hbm>> -> memref<1x1250x128xi32, #tpu.memory_space<hbm>>
    %dma_start3A_24 = tpu.memref_squeeze %dma_start3A_23 : memref<1x1250x128xi32, #tpu.memory_space<hbm>> -> memref<1250x128xi32, #tpu.memory_space<hbm>>
    %dma_start3A_25 = arith.constant 0 : i32
    %dma_start3A_26 = tpu.memref_slice %dma_start3A_24[%add3A_7, %dma_start3A_25] : memref<1250x128xi32, #tpu.memory_space<hbm>> -> memref<40x128xi32, #tpu.memory_space<hbm>>
    %dma_start3A_27 = arith.constant 0 : i32
    %dma_start3A_28 = arith.constant 0 : i32
    %dma_start3A_29 = tpu.memref_slice %arg3[%dma_start3A_20, %dma_start3A_27, %dma_start3A_28] : memref<2x1250x128xi32, #tpu.memory_space<hbm>> -> memref<1x1250x128xi32, #tpu.memory_space<hbm>>
    %dma_start3A_30 = tpu.memref_squeeze %dma_start3A_29 : memref<1x1250x128xi32, #tpu.memory_space<hbm>> -> memref<1250x128xi32, #tpu.memory_space<hbm>>
    %dma_start3A_31 = arith.constant 0 : i32
    %dma_start3A_32 = tpu.memref_slice %dma_start3A_30[%add3A_7, %dma_start3A_31] : memref<1250x128xi32, #tpu.memory_space<hbm>> -> memref<40x128xi32, #tpu.memory_space<hbm>>
    tpu.enqueue_dma source(%dma_start3A_32 : memref<40x128xi32, #tpu.memory_space<hbm>>) target(%arg10 : memref<40x128xi32, #tpu.memory_space<vmem>>) target_semaphore(%arg12 : memref<!tpu.dma_semaphore, #tpu.memory_space<semaphore_mem>>)
    %mul3A_33 = arith.constant 632 : i32
    %mul3A_34 = arith.muli %arg1, %mul3A_33 : i32
    %add3A_35 = arith.constant 0 : i32
    %add3A_36 = arith.addi %mul3A_34, %add3A_35 : i32
    "tpu.region"() ({
      %run_scoped3A = tpu.sem_alloc : memref<!tpu.dma_semaphore, #tpu.memory_space<semaphore_mem>>
      %dma_start3A_368 = arith.constant 0 : i32
      %dma_start3A_369 = tpu.memref_slice %arg5[%add3A_36, %dma_start3A_368] : memref<10112x128xf32, #tpu.memory_space<vmem_shared>> -> memref<32x128xf32, #tpu.memory_space<vmem_shared>>
      %dma_start3A_370 = arith.constant 0 : i32
      %dma_start3A_371 = tpu.memref_slice %arg5[%add3A_36, %dma_start3A_370] : memref<10112x128xf32, #tpu.memory_space<vmem_shared>> -> memref<32x128xf32, #tpu.memory_space<vmem_shared>>
      tpu.enqueue_dma source(%arg6 : memref<32x128xf32, #tpu.memory_space<vmem>>) target(%dma_start3A_371 : memref<32x128xf32, #tpu.memory_space<vmem_shared>>) target_semaphore(%run_scoped3A : memref<!tpu.dma_semaphore, #tpu.memory_space<semaphore_mem>>)
      %dma_wait3A_372 = arith.constant 0 : i32
      %dma_wait3A_373 = tpu.memref_slice %arg5[%add3A_36, %dma_wait3A_372] : memref<10112x128xf32, #tpu.memory_space<vmem_shared>> -> memref<32x128xf32, #tpu.memory_space<vmem_shared>>
      %dma_wait3A_374 = arith.constant 0 : i32
      %dma_wait3A_375 = tpu.memref_slice %arg5[%add3A_36, %dma_wait3A_374] : memref<10112x128xf32, #tpu.memory_space<vmem_shared>> -> memref<32x128xf32, #tpu.memory_space<vmem_shared>>
      tpu.wait_dma2 semaphore(%run_scoped3A : memref<!tpu.dma_semaphore, #tpu.memory_space<semaphore_mem>>) src(%arg6 : memref<32x128xf32, #tpu.memory_space<vmem>>) dst(%dma_wait3A_375 : memref<32x128xf32, #tpu.memory_space<vmem_shared>>)
      tpu.yield
    }) : () -> ()
    %mul3A_37 = arith.constant 632 : i32
    %mul3A_38 = arith.muli %arg1, %mul3A_37 : i32
    %add3A_39 = arith.constant 32 : i32
    %add3A_40 = arith.addi %mul3A_38, %add3A_39 : i32
    "tpu.region"() ({
      %run_scoped3A = tpu.sem_alloc : memref<!tpu.dma_semaphore, #tpu.memory_space<semaphore_mem>>
      %dma_start3A_368 = arith.constant 0 : i32
      %dma_start3A_369 = tpu.memref_slice %arg5[%add3A_40, %dma_start3A_368] : memref<10112x128xf32, #tpu.memory_space<vmem_shared>> -> memref<32x128xf32, #tpu.memory_space<vmem_shared>>
      %dma_start3A_370 = arith.constant 0 : i32
      %dma_start3A_371 = tpu.memref_slice %arg5[%add3A_40, %dma_start3A_370] : memref<10112x128xf32, #tpu.memory_space<vmem_shared>> -> memref<32x128xf32, #tpu.memory_space<vmem_shared>>
      tpu.enqueue_dma source(%arg6 : memref<32x128xf32, #tpu.memory_space<vmem>>) target(%dma_start3A_371 : memref<32x128xf32, #tpu.memory_space<vmem_shared>>) target_semaphore(%run_scoped3A : memref<!tpu.dma_semaphore, #tpu.memory_space<semaphore_mem>>)
      %dma_wait3A_372 = arith.constant 0 : i32
      %dma_wait3A_373 = tpu.memref_slice %arg5[%add3A_40, %dma_wait3A_372] : memref<10112x128xf32, #tpu.memory_space<vmem_shared>> -> memref<32x128xf32, #tpu.memory_space<vmem_shared>>
      %dma_wait3A_374 = arith.constant 0 : i32
      %dma_wait3A_375 = tpu.memref_slice %arg5[%add3A_40, %dma_wait3A_374] : memref<10112x128xf32, #tpu.memory_space<vmem_shared>> -> memref<32x128xf32, #tpu.memory_space<vmem_shared>>
      tpu.wait_dma2 semaphore(%run_scoped3A : memref<!tpu.dma_semaphore, #tpu.memory_space<semaphore_mem>>) src(%arg6 : memref<32x128xf32, #tpu.memory_space<vmem>>) dst(%dma_wait3A_375 : memref<32x128xf32, #tpu.memory_space<vmem_shared>>)
      tpu.yield
    }) : () -> ()
    %mul3A_41 = arith.constant 632 : i32
    %mul3A_42 = arith.muli %arg1, %mul3A_41 : i32
    %add3A_43 = arith.constant 64 : i32
    %add3A_44 = arith.addi %mul3A_42, %add3A_43 : i32
    "tpu.region"() ({
      %run_scoped3A = tpu.sem_alloc : memref<!tpu.dma_semaphore, #tpu.memory_space<semaphore_mem>>
      %dma_start3A_368 = arith.constant 0 : i32
      %dma_start3A_369 = tpu.memref_slice %arg5[%add3A_44, %dma_start3A_368] : memref<10112x128xf32, #tpu.memory_space<vmem_shared>> -> memref<32x128xf32, #tpu.memory_space<vmem_shared>>
      %dma_start3A_370 = arith.constant 0 : i32
      %dma_start3A_371 = tpu.memref_slice %arg5[%add3A_44, %dma_start3A_370] : memref<10112x128xf32, #tpu.memory_space<vmem_shared>> -> memref<32x128xf32, #tpu.memory_space<vmem_shared>>
      tpu.enqueue_dma source(%arg6 : memref<32x128xf32, #tpu.memory_space<vmem>>) target(%dma_start3A_371 : memref<32x128xf32, #tpu.memory_space<vmem_shared>>) target_semaphore(%run_scoped3A : memref<!tpu.dma_semaphore, #tpu.memory_space<semaphore_mem>>)
      %dma_wait3A_372 = arith.constant 0 : i32
      %dma_wait3A_373 = tpu.memref_slice %arg5[%add3A_44, %dma_wait3A_372] : memref<10112x128xf32, #tpu.memory_space<vmem_shared>> -> memref<32x128xf32, #tpu.memory_space<vmem_shared>>
      %dma_wait3A_374 = arith.constant 0 : i32
      %dma_wait3A_375 = tpu.memref_slice %arg5[%add3A_44, %dma_wait3A_374] : memref<10112x128xf32, #tpu.memory_space<vmem_shared>> -> memref<32x128xf32, #tpu.memory_space<vmem_shared>>
      tpu.wait_dma2 semaphore(%run_scoped3A : memref<!tpu.dma_semaphore, #tpu.memory_space<semaphore_mem>>) src(%arg6 : memref<32x128xf32, #tpu.memory_space<vmem>>) dst(%dma_wait3A_375 : memref<32x128xf32, #tpu.memory_space<vmem_shared>>)
      tpu.yield
    }) : () -> ()
    %mul3A_45 = arith.constant 632 : i32
    %mul3A_46 = arith.muli %arg1, %mul3A_45 : i32
    %add3A_47 = arith.constant 96 : i32
    %add3A_48 = arith.addi %mul3A_46, %add3A_47 : i32
    "tpu.region"() ({
      %run_scoped3A = tpu.sem_alloc : memref<!tpu.dma_semaphore, #tpu.memory_space<semaphore_mem>>
      %dma_start3A_368 = arith.constant 0 : i32
      %dma_start3A_369 = tpu.memref_slice %arg5[%add3A_48, %dma_start3A_368] : memref<10112x128xf32, #tpu.memory_space<vmem_shared>> -> memref<32x128xf32, #tpu.memory_space<vmem_shared>>
      %dma_start3A_370 = arith.constant 0 : i32
      %dma_start3A_371 = tpu.memref_slice %arg5[%add3A_48, %dma_start3A_370] : memref<10112x128xf32, #tpu.memory_space<vmem_shared>> -> memref<32x128xf32, #tpu.memory_space<vmem_shared>>
      tpu.enqueue_dma source(%arg6 : memref<32x128xf32, #tpu.memory_space<vmem>>) target(%dma_start3A_371 : memref<32x128xf32, #tpu.memory_space<vmem_shared>>) target_semaphore(%run_scoped3A : memref<!tpu.dma_semaphore, #tpu.memory_space<semaphore_mem>>)
      %dma_wait3A_372 = arith.constant 0 : i32
      %dma_wait3A_373 = tpu.memref_slice %arg5[%add3A_48, %dma_wait3A_372] : memref<10112x128xf32, #tpu.memory_space<vmem_shared>> -> memref<32x128xf32, #tpu.memory_space<vmem_shared>>
      %dma_wait3A_374 = arith.constant 0 : i32
      %dma_wait3A_375 = tpu.memref_slice %arg5[%add3A_48, %dma_wait3A_374] : memref<10112x128xf32, #tpu.memory_space<vmem_shared>> -> memref<32x128xf32, #tpu.memory_space<vmem_shared>>
      tpu.wait_dma2 semaphore(%run_scoped3A : memref<!tpu.dma_semaphore, #tpu.memory_space<semaphore_mem>>) src(%arg6 : memref<32x128xf32, #tpu.memory_space<vmem>>) dst(%dma_wait3A_375 : memref<32x128xf32, #tpu.memory_space<vmem_shared>>)
      tpu.yield
    }) : () -> ()
    %mul3A_49 = arith.constant 632 : i32
    %mul3A_50 = arith.muli %arg1, %mul3A_49 : i32
    %add3A_51 = arith.constant 128 : i32
    %add3A_52 = arith.addi %mul3A_50, %add3A_51 : i32
    "tpu.region"() ({
      %run_scoped3A = tpu.sem_alloc : memref<!tpu.dma_semaphore, #tpu.memory_space<semaphore_mem>>
      %dma_start3A_368 = arith.constant 0 : i32
      %dma_start3A_369 = tpu.memref_slice %arg5[%add3A_52, %dma_start3A_368] : memref<10112x128xf32, #tpu.memory_space<vmem_shared>> -> memref<32x128xf32, #tpu.memory_space<vmem_shared>>
      %dma_start3A_370 = arith.constant 0 : i32
      %dma_start3A_371 = tpu.memref_slice %arg5[%add3A_52, %dma_start3A_370] : memref<10112x128xf32, #tpu.memory_space<vmem_shared>> -> memref<32x128xf32, #tpu.memory_space<vmem_shared>>
      tpu.enqueue_dma source(%arg6 : memref<32x128xf32, #tpu.memory_space<vmem>>) target(%dma_start3A_371 : memref<32x128xf32, #tpu.memory_space<vmem_shared>>) target_semaphore(%run_scoped3A : memref<!tpu.dma_semaphore, #tpu.memory_space<semaphore_mem>>)
      %dma_wait3A_372 = arith.constant 0 : i32
      %dma_wait3A_373 = tpu.memref_slice %arg5[%add3A_52, %dma_wait3A_372] : memref<10112x128xf32, #tpu.memory_space<vmem_shared>> -> memref<32x128xf32, #tpu.memory_space<vmem_shared>>
      %dma_wait3A_374 = arith.constant 0 : i32
      %dma_wait3A_375 = tpu.memref_slice %arg5[%add3A_52, %dma_wait3A_374] : memref<10112x128xf32, #tpu.memory_space<vmem_shared>> -> memref<32x128xf32, #tpu.memory_space<vmem_shared>>
      tpu.wait_dma2 semaphore(%run_scoped3A : memref<!tpu.dma_semaphore, #tpu.memory_space<semaphore_mem>>) src(%arg6 : memref<32x128xf32, #tpu.memory_space<vmem>>) dst(%dma_wait3A_375 : memref<32x128xf32, #tpu.memory_space<vmem_shared>>)
      tpu.yield
    }) : () -> ()
    %mul3A_53 = arith.constant 632 : i32
    %mul3A_54 = arith.muli %arg1, %mul3A_53 : i32
    %add3A_55 = arith.constant 160 : i32
    %add3A_56 = arith.addi %mul3A_54, %add3A_55 : i32
    "tpu.region"() ({
      %run_scoped3A = tpu.sem_alloc : memref<!tpu.dma_semaphore, #tpu.memory_space<semaphore_mem>>
      %dma_start3A_368 = arith.constant 0 : i32
      %dma_start3A_369 = tpu.memref_slice %arg5[%add3A_56, %dma_start3A_368] : memref<10112x128xf32, #tpu.memory_space<vmem_shared>> -> memref<32x128xf32, #tpu.memory_space<vmem_shared>>
      %dma_start3A_370 = arith.constant 0 : i32
      %dma_start3A_371 = tpu.memref_slice %arg5[%add3A_56, %dma_start3A_370] : memref<10112x128xf32, #tpu.memory_space<vmem_shared>> -> memref<32x128xf32, #tpu.memory_space<vmem_shared>>
      tpu.enqueue_dma source(%arg6 : memref<32x128xf32, #tpu.memory_space<vmem>>) target(%dma_start3A_371 : memref<32x128xf32, #tpu.memory_space<vmem_shared>>) target_semaphore(%run_scoped3A : memref<!tpu.dma_semaphore, #tpu.memory_space<semaphore_mem>>)
      %dma_wait3A_372 = arith.constant 0 : i32
      %dma_wait3A_373 = tpu.memref_slice %arg5[%add3A_56, %dma_wait3A_372] : memref<10112x128xf32, #tpu.memory_space<vmem_shared>> -> memref<32x128xf32, #tpu.memory_space<vmem_shared>>
      %dma_wait3A_374 = arith.constant 0 : i32
      %dma_wait3A_375 = tpu.memref_slice %arg5[%add3A_56, %dma_wait3A_374] : memref<10112x128xf32, #tpu.memory_space<vmem_shared>> -> memref<32x128xf32, #tpu.memory_space<vmem_shared>>
      tpu.wait_dma2 semaphore(%run_scoped3A : memref<!tpu.dma_semaphore, #tpu.memory_space<semaphore_mem>>) src(%arg6 : memref<32x128xf32, #tpu.memory_space<vmem>>) dst(%dma_wait3A_375 : memref<32x128xf32, #tpu.memory_space<vmem_shared>>)
      tpu.yield
    }) : () -> ()
    %mul3A_57 = arith.constant 632 : i32
    %mul3A_58 = arith.muli %arg1, %mul3A_57 : i32
    %add3A_59 = arith.constant 192 : i32
    %add3A_60 = arith.addi %mul3A_58, %add3A_59 : i32
    "tpu.region"() ({
      %run_scoped3A = tpu.sem_alloc : memref<!tpu.dma_semaphore, #tpu.memory_space<semaphore_mem>>
      %dma_start3A_368 = arith.constant 0 : i32
      %dma_start3A_369 = tpu.memref_slice %arg5[%add3A_60, %dma_start3A_368] : memref<10112x128xf32, #tpu.memory_space<vmem_shared>> -> memref<32x128xf32, #tpu.memory_space<vmem_shared>>
      %dma_start3A_370 = arith.constant 0 : i32
      %dma_start3A_371 = tpu.memref_slice %arg5[%add3A_60, %dma_start3A_370] : memref<10112x128xf32, #tpu.memory_space<vmem_shared>> -> memref<32x128xf32, #tpu.memory_space<vmem_shared>>
      tpu.enqueue_dma source(%arg6 : memref<32x128xf32, #tpu.memory_space<vmem>>) target(%dma_start3A_371 : memref<32x128xf32, #tpu.memory_space<vmem_shared>>) target_semaphore(%run_scoped3A : memref<!tpu.dma_semaphore, #tpu.memory_space<semaphore_mem>>)
      %dma_wait3A_372 = arith.constant 0 : i32
      %dma_wait3A_373 = tpu.memref_slice %arg5[%add3A_60, %dma_wait3A_372] : memref<10112x128xf32, #tpu.memory_space<vmem_shared>> -> memref<32x128xf32, #tpu.memory_space<vmem_shared>>
      %dma_wait3A_374 = arith.constant 0 : i32
      %dma_wait3A_375 = tpu.memref_slice %arg5[%add3A_60, %dma_wait3A_374] : memref<10112x128xf32, #tpu.memory_space<vmem_shared>> -> memref<32x128xf32, #tpu.memory_space<vmem_shared>>
      tpu.wait_dma2 semaphore(%run_scoped3A : memref<!tpu.dma_semaphore, #tpu.memory_space<semaphore_mem>>) src(%arg6 : memref<32x128xf32, #tpu.memory_space<vmem>>) dst(%dma_wait3A_375 : memref<32x128xf32, #tpu.memory_space<vmem_shared>>)
      tpu.yield
    }) : () -> ()
    %mul3A_61 = arith.constant 632 : i32
    %mul3A_62 = arith.muli %arg1, %mul3A_61 : i32
    %add3A_63 = arith.constant 224 : i32
    %add3A_64 = arith.addi %mul3A_62, %add3A_63 : i32
    "tpu.region"() ({
      %run_scoped3A = tpu.sem_alloc : memref<!tpu.dma_semaphore, #tpu.memory_space<semaphore_mem>>
      %dma_start3A_368 = arith.constant 0 : i32
      %dma_start3A_369 = tpu.memref_slice %arg5[%add3A_64, %dma_start3A_368] : memref<10112x128xf32, #tpu.memory_space<vmem_shared>> -> memref<32x128xf32, #tpu.memory_space<vmem_shared>>
      %dma_start3A_370 = arith.constant 0 : i32
      %dma_start3A_371 = tpu.memref_slice %arg5[%add3A_64, %dma_start3A_370] : memref<10112x128xf32, #tpu.memory_space<vmem_shared>> -> memref<32x128xf32, #tpu.memory_space<vmem_shared>>
      tpu.enqueue_dma source(%arg6 : memref<32x128xf32, #tpu.memory_space<vmem>>) target(%dma_start3A_371 : memref<32x128xf32, #tpu.memory_space<vmem_shared>>) target_semaphore(%run_scoped3A : memref<!tpu.dma_semaphore, #tpu.memory_space<semaphore_mem>>)
      %dma_wait3A_372 = arith.constant 0 : i32
      %dma_wait3A_373 = tpu.memref_slice %arg5[%add3A_64, %dma_wait3A_372] : memref<10112x128xf32, #tpu.memory_space<vmem_shared>> -> memref<32x128xf32, #tpu.memory_space<vmem_shared>>
      %dma_wait3A_374 = arith.constant 0 : i32
      %dma_wait3A_375 = tpu.memref_slice %arg5[%add3A_64, %dma_wait3A_374] : memref<10112x128xf32, #tpu.memory_space<vmem_shared>> -> memref<32x128xf32, #tpu.memory_space<vmem_shared>>
      tpu.wait_dma2 semaphore(%run_scoped3A : memref<!tpu.dma_semaphore, #tpu.memory_space<semaphore_mem>>) src(%arg6 : memref<32x128xf32, #tpu.memory_space<vmem>>) dst(%dma_wait3A_375 : memref<32x128xf32, #tpu.memory_space<vmem_shared>>)
      tpu.yield
    }) : () -> ()
    %mul3A_65 = arith.constant 632 : i32
    %mul3A_66 = arith.muli %arg1, %mul3A_65 : i32
    %add3A_67 = arith.constant 256 : i32
    %add3A_68 = arith.addi %mul3A_66, %add3A_67 : i32
    "tpu.region"() ({
      %run_scoped3A = tpu.sem_alloc : memref<!tpu.dma_semaphore, #tpu.memory_space<semaphore_mem>>
      %dma_start3A_368 = arith.constant 0 : i32
      %dma_start3A_369 = tpu.memref_slice %arg5[%add3A_68, %dma_start3A_368] : memref<10112x128xf32, #tpu.memory_space<vmem_shared>> -> memref<32x128xf32, #tpu.memory_space<vmem_shared>>
      %dma_start3A_370 = arith.constant 0 : i32
      %dma_start3A_371 = tpu.memref_slice %arg5[%add3A_68, %dma_start3A_370] : memref<10112x128xf32, #tpu.memory_space<vmem_shared>> -> memref<32x128xf32, #tpu.memory_space<vmem_shared>>
      tpu.enqueue_dma source(%arg6 : memref<32x128xf32, #tpu.memory_space<vmem>>) target(%dma_start3A_371 : memref<32x128xf32, #tpu.memory_space<vmem_shared>>) target_semaphore(%run_scoped3A : memref<!tpu.dma_semaphore, #tpu.memory_space<semaphore_mem>>)
      %dma_wait3A_372 = arith.constant 0 : i32
      %dma_wait3A_373 = tpu.memref_slice %arg5[%add3A_68, %dma_wait3A_372] : memref<10112x128xf32, #tpu.memory_space<vmem_shared>> -> memref<32x128xf32, #tpu.memory_space<vmem_shared>>
      %dma_wait3A_374 = arith.constant 0 : i32
      %dma_wait3A_375 = tpu.memref_slice %arg5[%add3A_68, %dma_wait3A_374] : memref<10112x128xf32, #tpu.memory_space<vmem_shared>> -> memref<32x128xf32, #tpu.memory_space<vmem_shared>>
      tpu.wait_dma2 semaphore(%run_scoped3A : memref<!tpu.dma_semaphore, #tpu.memory_space<semaphore_mem>>) src(%arg6 : memref<32x128xf32, #tpu.memory_space<vmem>>) dst(%dma_wait3A_375 : memref<32x128xf32, #tpu.memory_space<vmem_shared>>)
      tpu.yield
    }) : () -> ()
    %mul3A_69 = arith.constant 632 : i32
    %mul3A_70 = arith.muli %arg1, %mul3A_69 : i32
    %add3A_71 = arith.constant 288 : i32
    %add3A_72 = arith.addi %mul3A_70, %add3A_71 : i32
    "tpu.region"() ({
      %run_scoped3A = tpu.sem_alloc : memref<!tpu.dma_semaphore, #tpu.memory_space<semaphore_mem>>
      %dma_start3A_368 = arith.constant 0 : i32
      %dma_start3A_369 = tpu.memref_slice %arg5[%add3A_72, %dma_start3A_368] : memref<10112x128xf32, #tpu.memory_space<vmem_shared>> -> memref<32x128xf32, #tpu.memory_space<vmem_shared>>
      %dma_start3A_370 = arith.constant 0 : i32
      %dma_start3A_371 = tpu.memref_slice %arg5[%add3A_72, %dma_start3A_370] : memref<10112x128xf32, #tpu.memory_space<vmem_shared>> -> memref<32x128xf32, #tpu.memory_space<vmem_shared>>
      tpu.enqueue_dma source(%arg6 : memref<32x128xf32, #tpu.memory_space<vmem>>) target(%dma_start3A_371 : memref<32x128xf32, #tpu.memory_space<vmem_shared>>) target_semaphore(%run_scoped3A : memref<!tpu.dma_semaphore, #tpu.memory_space<semaphore_mem>>)
      %dma_wait3A_372 = arith.constant 0 : i32
      %dma_wait3A_373 = tpu.memref_slice %arg5[%add3A_72, %dma_wait3A_372] : memref<10112x128xf32, #tpu.memory_space<vmem_shared>> -> memref<32x128xf32, #tpu.memory_space<vmem_shared>>
      %dma_wait3A_374 = arith.constant 0 : i32
      %dma_wait3A_375 = tpu.memref_slice %arg5[%add3A_72, %dma_wait3A_374] : memref<10112x128xf32, #tpu.memory_space<vmem_shared>> -> memref<32x128xf32, #tpu.memory_space<vmem_shared>>
      tpu.wait_dma2 semaphore(%run_scoped3A : memref<!tpu.dma_semaphore, #tpu.memory_space<semaphore_mem>>) src(%arg6 : memref<32x128xf32, #tpu.memory_space<vmem>>) dst(%dma_wait3A_375 : memref<32x128xf32, #tpu.memory_space<vmem_shared>>)
      tpu.yield
    }) : () -> ()
    %mul3A_73 = arith.constant 632 : i32
    %mul3A_74 = arith.muli %arg1, %mul3A_73 : i32
    %add3A_75 = arith.constant 320 : i32
    %add3A_76 = arith.addi %mul3A_74, %add3A_75 : i32
    "tpu.region"() ({
      %run_scoped3A = tpu.sem_alloc : memref<!tpu.dma_semaphore, #tpu.memory_space<semaphore_mem>>
      %dma_start3A_368 = arith.constant 0 : i32
      %dma_start3A_369 = tpu.memref_slice %arg5[%add3A_76, %dma_start3A_368] : memref<10112x128xf32, #tpu.memory_space<vmem_shared>> -> memref<32x128xf32, #tpu.memory_space<vmem_shared>>
      %dma_start3A_370 = arith.constant 0 : i32
      %dma_start3A_371 = tpu.memref_slice %arg5[%add3A_76, %dma_start3A_370] : memref<10112x128xf32, #tpu.memory_space<vmem_shared>> -> memref<32x128xf32, #tpu.memory_space<vmem_shared>>
      tpu.enqueue_dma source(%arg6 : memref<32x128xf32, #tpu.memory_space<vmem>>) target(%dma_start3A_371 : memref<32x128xf32, #tpu.memory_space<vmem_shared>>) target_semaphore(%run_scoped3A : memref<!tpu.dma_semaphore, #tpu.memory_space<semaphore_mem>>)
      %dma_wait3A_372 = arith.constant 0 : i32
      %dma_wait3A_373 = tpu.memref_slice %arg5[%add3A_76, %dma_wait3A_372] : memref<10112x128xf32, #tpu.memory_space<vmem_shared>> -> memref<32x128xf32, #tpu.memory_space<vmem_shared>>
      %dma_wait3A_374 = arith.constant 0 : i32
      %dma_wait3A_375 = tpu.memref_slice %arg5[%add3A_76, %dma_wait3A_374] : memref<10112x128xf32, #tpu.memory_space<vmem_shared>> -> memref<32x128xf32, #tpu.memory_space<vmem_shared>>
      tpu.wait_dma2 semaphore(%run_scoped3A : memref<!tpu.dma_semaphore, #tpu.memory_space<semaphore_mem>>) src(%arg6 : memref<32x128xf32, #tpu.memory_space<vmem>>) dst(%dma_wait3A_375 : memref<32x128xf32, #tpu.memory_space<vmem_shared>>)
      tpu.yield
    }) : () -> ()
    %mul3A_77 = arith.constant 632 : i32
    %mul3A_78 = arith.muli %arg1, %mul3A_77 : i32
    %add3A_79 = arith.constant 352 : i32
    %add3A_80 = arith.addi %mul3A_78, %add3A_79 : i32
    "tpu.region"() ({
      %run_scoped3A = tpu.sem_alloc : memref<!tpu.dma_semaphore, #tpu.memory_space<semaphore_mem>>
      %dma_start3A_368 = arith.constant 0 : i32
      %dma_start3A_369 = tpu.memref_slice %arg5[%add3A_80, %dma_start3A_368] : memref<10112x128xf32, #tpu.memory_space<vmem_shared>> -> memref<32x128xf32, #tpu.memory_space<vmem_shared>>
      %dma_start3A_370 = arith.constant 0 : i32
      %dma_start3A_371 = tpu.memref_slice %arg5[%add3A_80, %dma_start3A_370] : memref<10112x128xf32, #tpu.memory_space<vmem_shared>> -> memref<32x128xf32, #tpu.memory_space<vmem_shared>>
      tpu.enqueue_dma source(%arg6 : memref<32x128xf32, #tpu.memory_space<vmem>>) target(%dma_start3A_371 : memref<32x128xf32, #tpu.memory_space<vmem_shared>>) target_semaphore(%run_scoped3A : memref<!tpu.dma_semaphore, #tpu.memory_space<semaphore_mem>>)
      %dma_wait3A_372 = arith.constant 0 : i32
      %dma_wait3A_373 = tpu.memref_slice %arg5[%add3A_80, %dma_wait3A_372] : memref<10112x128xf32, #tpu.memory_space<vmem_shared>> -> memref<32x128xf32, #tpu.memory_space<vmem_shared>>
      %dma_wait3A_374 = arith.constant 0 : i32
      %dma_wait3A_375 = tpu.memref_slice %arg5[%add3A_80, %dma_wait3A_374] : memref<10112x128xf32, #tpu.memory_space<vmem_shared>> -> memref<32x128xf32, #tpu.memory_space<vmem_shared>>
      tpu.wait_dma2 semaphore(%run_scoped3A : memref<!tpu.dma_semaphore, #tpu.memory_space<semaphore_mem>>) src(%arg6 : memref<32x128xf32, #tpu.memory_space<vmem>>) dst(%dma_wait3A_375 : memref<32x128xf32, #tpu.memory_space<vmem_shared>>)
      tpu.yield
    }) : () -> ()
    %mul3A_81 = arith.constant 632 : i32
    %mul3A_82 = arith.muli %arg1, %mul3A_81 : i32
    %add3A_83 = arith.constant 384 : i32
    %add3A_84 = arith.addi %mul3A_82, %add3A_83 : i32
    "tpu.region"() ({
      %run_scoped3A = tpu.sem_alloc : memref<!tpu.dma_semaphore, #tpu.memory_space<semaphore_mem>>
      %dma_start3A_368 = arith.constant 0 : i32
      %dma_start3A_369 = tpu.memref_slice %arg5[%add3A_84, %dma_start3A_368] : memref<10112x128xf32, #tpu.memory_space<vmem_shared>> -> memref<32x128xf32, #tpu.memory_space<vmem_shared>>
      %dma_start3A_370 = arith.constant 0 : i32
      %dma_start3A_371 = tpu.memref_slice %arg5[%add3A_84, %dma_start3A_370] : memref<10112x128xf32, #tpu.memory_space<vmem_shared>> -> memref<32x128xf32, #tpu.memory_space<vmem_shared>>
      tpu.enqueue_dma source(%arg6 : memref<32x128xf32, #tpu.memory_space<vmem>>) target(%dma_start3A_371 : memref<32x128xf32, #tpu.memory_space<vmem_shared>>) target_semaphore(%run_scoped3A : memref<!tpu.dma_semaphore, #tpu.memory_space<semaphore_mem>>)
      %dma_wait3A_372 = arith.constant 0 : i32
      %dma_wait3A_373 = tpu.memref_slice %arg5[%add3A_84, %dma_wait3A_372] : memref<10112x128xf32, #tpu.memory_space<vmem_shared>> -> memref<32x128xf32, #tpu.memory_space<vmem_shared>>
      %dma_wait3A_374 = arith.constant 0 : i32
      %dma_wait3A_375 = tpu.memref_slice %arg5[%add3A_84, %dma_wait3A_374] : memref<10112x128xf32, #tpu.memory_space<vmem_shared>> -> memref<32x128xf32, #tpu.memory_space<vmem_shared>>
      tpu.wait_dma2 semaphore(%run_scoped3A : memref<!tpu.dma_semaphore, #tpu.memory_space<semaphore_mem>>) src(%arg6 : memref<32x128xf32, #tpu.memory_space<vmem>>) dst(%dma_wait3A_375 : memref<32x128xf32, #tpu.memory_space<vmem_shared>>)
      tpu.yield
    }) : () -> ()
    %mul3A_85 = arith.constant 632 : i32
    %mul3A_86 = arith.muli %arg1, %mul3A_85 : i32
    %add3A_87 = arith.constant 416 : i32
    %add3A_88 = arith.addi %mul3A_86, %add3A_87 : i32
    "tpu.region"() ({
      %run_scoped3A = tpu.sem_alloc : memref<!tpu.dma_semaphore, #tpu.memory_space<semaphore_mem>>
      %dma_start3A_368 = arith.constant 0 : i32
      %dma_start3A_369 = tpu.memref_slice %arg5[%add3A_88, %dma_start3A_368] : memref<10112x128xf32, #tpu.memory_space<vmem_shared>> -> memref<32x128xf32, #tpu.memory_space<vmem_shared>>
      %dma_start3A_370 = arith.constant 0 : i32
      %dma_start3A_371 = tpu.memref_slice %arg5[%add3A_88, %dma_start3A_370] : memref<10112x128xf32, #tpu.memory_space<vmem_shared>> -> memref<32x128xf32, #tpu.memory_space<vmem_shared>>
      tpu.enqueue_dma source(%arg6 : memref<32x128xf32, #tpu.memory_space<vmem>>) target(%dma_start3A_371 : memref<32x128xf32, #tpu.memory_space<vmem_shared>>) target_semaphore(%run_scoped3A : memref<!tpu.dma_semaphore, #tpu.memory_space<semaphore_mem>>)
      %dma_wait3A_372 = arith.constant 0 : i32
      %dma_wait3A_373 = tpu.memref_slice %arg5[%add3A_88, %dma_wait3A_372] : memref<10112x128xf32, #tpu.memory_space<vmem_shared>> -> memref<32x128xf32, #tpu.memory_space<vmem_shared>>
      %dma_wait3A_374 = arith.constant 0 : i32
      %dma_wait3A_375 = tpu.memref_slice %arg5[%add3A_88, %dma_wait3A_374] : memref<10112x128xf32, #tpu.memory_space<vmem_shared>> -> memref<32x128xf32, #tpu.memory_space<vmem_shared>>
      tpu.wait_dma2 semaphore(%run_scoped3A : memref<!tpu.dma_semaphore, #tpu.memory_space<semaphore_mem>>) src(%arg6 : memref<32x128xf32, #tpu.memory_space<vmem>>) dst(%dma_wait3A_375 : memref<32x128xf32, #tpu.memory_space<vmem_shared>>)
      tpu.yield
    }) : () -> ()
    %mul3A_89 = arith.constant 632 : i32
    %mul3A_90 = arith.muli %arg1, %mul3A_89 : i32
    %add3A_91 = arith.constant 448 : i32
    %add3A_92 = arith.addi %mul3A_90, %add3A_91 : i32
    "tpu.region"() ({
      %run_scoped3A = tpu.sem_alloc : memref<!tpu.dma_semaphore, #tpu.memory_space<semaphore_mem>>
      %dma_start3A_368 = arith.constant 0 : i32
      %dma_start3A_369 = tpu.memref_slice %arg5[%add3A_92, %dma_start3A_368] : memref<10112x128xf32, #tpu.memory_space<vmem_shared>> -> memref<32x128xf32, #tpu.memory_space<vmem_shared>>
      %dma_start3A_370 = arith.constant 0 : i32
      %dma_start3A_371 = tpu.memref_slice %arg5[%add3A_92, %dma_start3A_370] : memref<10112x128xf32, #tpu.memory_space<vmem_shared>> -> memref<32x128xf32, #tpu.memory_space<vmem_shared>>
      tpu.enqueue_dma source(%arg6 : memref<32x128xf32, #tpu.memory_space<vmem>>) target(%dma_start3A_371 : memref<32x128xf32, #tpu.memory_space<vmem_shared>>) target_semaphore(%run_scoped3A : memref<!tpu.dma_semaphore, #tpu.memory_space<semaphore_mem>>)
      %dma_wait3A_372 = arith.constant 0 : i32
      %dma_wait3A_373 = tpu.memref_slice %arg5[%add3A_92, %dma_wait3A_372] : memref<10112x128xf32, #tpu.memory_space<vmem_shared>> -> memref<32x128xf32, #tpu.memory_space<vmem_shared>>
      %dma_wait3A_374 = arith.constant 0 : i32
      %dma_wait3A_375 = tpu.memref_slice %arg5[%add3A_92, %dma_wait3A_374] : memref<10112x128xf32, #tpu.memory_space<vmem_shared>> -> memref<32x128xf32, #tpu.memory_space<vmem_shared>>
      tpu.wait_dma2 semaphore(%run_scoped3A : memref<!tpu.dma_semaphore, #tpu.memory_space<semaphore_mem>>) src(%arg6 : memref<32x128xf32, #tpu.memory_space<vmem>>) dst(%dma_wait3A_375 : memref<32x128xf32, #tpu.memory_space<vmem_shared>>)
      tpu.yield
    }) : () -> ()
    %mul3A_93 = arith.constant 632 : i32
    %mul3A_94 = arith.muli %arg1, %mul3A_93 : i32
    %add3A_95 = arith.constant 480 : i32
    %add3A_96 = arith.addi %mul3A_94, %add3A_95 : i32
    "tpu.region"() ({
      %run_scoped3A = tpu.sem_alloc : memref<!tpu.dma_semaphore, #tpu.memory_space<semaphore_mem>>
      %dma_start3A_368 = arith.constant 0 : i32
      %dma_start3A_369 = tpu.memref_slice %arg5[%add3A_96, %dma_start3A_368] : memref<10112x128xf32, #tpu.memory_space<vmem_shared>> -> memref<32x128xf32, #tpu.memory_space<vmem_shared>>
      %dma_start3A_370 = arith.constant 0 : i32
      %dma_start3A_371 = tpu.memref_slice %arg5[%add3A_96, %dma_start3A_370] : memref<10112x128xf32, #tpu.memory_space<vmem_shared>> -> memref<32x128xf32, #tpu.memory_space<vmem_shared>>
      tpu.enqueue_dma source(%arg6 : memref<32x128xf32, #tpu.memory_space<vmem>>) target(%dma_start3A_371 : memref<32x128xf32, #tpu.memory_space<vmem_shared>>) target_semaphore(%run_scoped3A : memref<!tpu.dma_semaphore, #tpu.memory_space<semaphore_mem>>)
      %dma_wait3A_372 = arith.constant 0 : i32
      %dma_wait3A_373 = tpu.memref_slice %arg5[%add3A_96, %dma_wait3A_372] : memref<10112x128xf32, #tpu.memory_space<vmem_shared>> -> memref<32x128xf32, #tpu.memory_space<vmem_shared>>
      %dma_wait3A_374 = arith.constant 0 : i32
      %dma_wait3A_375 = tpu.memref_slice %arg5[%add3A_96, %dma_wait3A_374] : memref<10112x128xf32, #tpu.memory_space<vmem_shared>> -> memref<32x128xf32, #tpu.memory_space<vmem_shared>>
      tpu.wait_dma2 semaphore(%run_scoped3A : memref<!tpu.dma_semaphore, #tpu.memory_space<semaphore_mem>>) src(%arg6 : memref<32x128xf32, #tpu.memory_space<vmem>>) dst(%dma_wait3A_375 : memref<32x128xf32, #tpu.memory_space<vmem_shared>>)
      tpu.yield
    }) : () -> ()
    %mul3A_97 = arith.constant 632 : i32
    %mul3A_98 = arith.muli %arg1, %mul3A_97 : i32
    %add3A_99 = arith.constant 512 : i32
    %add3A_100 = arith.addi %mul3A_98, %add3A_99 : i32
    "tpu.region"() ({
      %run_scoped3A = tpu.sem_alloc : memref<!tpu.dma_semaphore, #tpu.memory_space<semaphore_mem>>
      %dma_start3A_368 = arith.constant 0 : i32
      %dma_start3A_369 = tpu.memref_slice %arg5[%add3A_100, %dma_start3A_368] : memref<10112x128xf32, #tpu.memory_space<vmem_shared>> -> memref<32x128xf32, #tpu.memory_space<vmem_shared>>
      %dma_start3A_370 = arith.constant 0 : i32
      %dma_start3A_371 = tpu.memref_slice %arg5[%add3A_100, %dma_start3A_370] : memref<10112x128xf32, #tpu.memory_space<vmem_shared>> -> memref<32x128xf32, #tpu.memory_space<vmem_shared>>
      tpu.enqueue_dma source(%arg6 : memref<32x128xf32, #tpu.memory_space<vmem>>) target(%dma_start3A_371 : memref<32x128xf32, #tpu.memory_space<vmem_shared>>) target_semaphore(%run_scoped3A : memref<!tpu.dma_semaphore, #tpu.memory_space<semaphore_mem>>)
      %dma_wait3A_372 = arith.constant 0 : i32
      %dma_wait3A_373 = tpu.memref_slice %arg5[%add3A_100, %dma_wait3A_372] : memref<10112x128xf32, #tpu.memory_space<vmem_shared>> -> memref<32x128xf32, #tpu.memory_space<vmem_shared>>
      %dma_wait3A_374 = arith.constant 0 : i32
      %dma_wait3A_375 = tpu.memref_slice %arg5[%add3A_100, %dma_wait3A_374] : memref<10112x128xf32, #tpu.memory_space<vmem_shared>> -> memref<32x128xf32, #tpu.memory_space<vmem_shared>>
      tpu.wait_dma2 semaphore(%run_scoped3A : memref<!tpu.dma_semaphore, #tpu.memory_space<semaphore_mem>>) src(%arg6 : memref<32x128xf32, #tpu.memory_space<vmem>>) dst(%dma_wait3A_375 : memref<32x128xf32, #tpu.memory_space<vmem_shared>>)
      tpu.yield
    }) : () -> ()
    %mul3A_101 = arith.constant 632 : i32
    %mul3A_102 = arith.muli %arg1, %mul3A_101 : i32
    %add3A_103 = arith.constant 544 : i32
    %add3A_104 = arith.addi %mul3A_102, %add3A_103 : i32
    "tpu.region"() ({
      %run_scoped3A = tpu.sem_alloc : memref<!tpu.dma_semaphore, #tpu.memory_space<semaphore_mem>>
      %dma_start3A_368 = arith.constant 0 : i32
      %dma_start3A_369 = tpu.memref_slice %arg5[%add3A_104, %dma_start3A_368] : memref<10112x128xf32, #tpu.memory_space<vmem_shared>> -> memref<32x128xf32, #tpu.memory_space<vmem_shared>>
      %dma_start3A_370 = arith.constant 0 : i32
      %dma_start3A_371 = tpu.memref_slice %arg5[%add3A_104, %dma_start3A_370] : memref<10112x128xf32, #tpu.memory_space<vmem_shared>> -> memref<32x128xf32, #tpu.memory_space<vmem_shared>>
      tpu.enqueue_dma source(%arg6 : memref<32x128xf32, #tpu.memory_space<vmem>>) target(%dma_start3A_371 : memref<32x128xf32, #tpu.memory_space<vmem_shared>>) target_semaphore(%run_scoped3A : memref<!tpu.dma_semaphore, #tpu.memory_space<semaphore_mem>>)
      %dma_wait3A_372 = arith.constant 0 : i32
      %dma_wait3A_373 = tpu.memref_slice %arg5[%add3A_104, %dma_wait3A_372] : memref<10112x128xf32, #tpu.memory_space<vmem_shared>> -> memref<32x128xf32, #tpu.memory_space<vmem_shared>>
      %dma_wait3A_374 = arith.constant 0 : i32
      %dma_wait3A_375 = tpu.memref_slice %arg5[%add3A_104, %dma_wait3A_374] : memref<10112x128xf32, #tpu.memory_space<vmem_shared>> -> memref<32x128xf32, #tpu.memory_space<vmem_shared>>
      tpu.wait_dma2 semaphore(%run_scoped3A : memref<!tpu.dma_semaphore, #tpu.memory_space<semaphore_mem>>) src(%arg6 : memref<32x128xf32, #tpu.memory_space<vmem>>) dst(%dma_wait3A_375 : memref<32x128xf32, #tpu.memory_space<vmem_shared>>)
      tpu.yield
    }) : () -> ()
    %mul3A_105 = arith.constant 632 : i32
    %mul3A_106 = arith.muli %arg1, %mul3A_105 : i32
    %add3A_107 = arith.constant 576 : i32
    %add3A_108 = arith.addi %mul3A_106, %add3A_107 : i32
    "tpu.region"() ({
      %run_scoped3A = tpu.sem_alloc : memref<!tpu.dma_semaphore, #tpu.memory_space<semaphore_mem>>
      %dma_start3A_368 = arith.constant 0 : i32
      %dma_start3A_369 = tpu.memref_slice %arg5[%add3A_108, %dma_start3A_368] : memref<10112x128xf32, #tpu.memory_space<vmem_shared>> -> memref<32x128xf32, #tpu.memory_space<vmem_shared>>
      %dma_start3A_370 = arith.constant 0 : i32
      %dma_start3A_371 = tpu.memref_slice %arg5[%add3A_108, %dma_start3A_370] : memref<10112x128xf32, #tpu.memory_space<vmem_shared>> -> memref<32x128xf32, #tpu.memory_space<vmem_shared>>
      tpu.enqueue_dma source(%arg6 : memref<32x128xf32, #tpu.memory_space<vmem>>) target(%dma_start3A_371 : memref<32x128xf32, #tpu.memory_space<vmem_shared>>) target_semaphore(%run_scoped3A : memref<!tpu.dma_semaphore, #tpu.memory_space<semaphore_mem>>)
      %dma_wait3A_372 = arith.constant 0 : i32
      %dma_wait3A_373 = tpu.memref_slice %arg5[%add3A_108, %dma_wait3A_372] : memref<10112x128xf32, #tpu.memory_space<vmem_shared>> -> memref<32x128xf32, #tpu.memory_space<vmem_shared>>
      %dma_wait3A_374 = arith.constant 0 : i32
      %dma_wait3A_375 = tpu.memref_slice %arg5[%add3A_108, %dma_wait3A_374] : memref<10112x128xf32, #tpu.memory_space<vmem_shared>> -> memref<32x128xf32, #tpu.memory_space<vmem_shared>>
      tpu.wait_dma2 semaphore(%run_scoped3A : memref<!tpu.dma_semaphore, #tpu.memory_space<semaphore_mem>>) src(%arg6 : memref<32x128xf32, #tpu.memory_space<vmem>>) dst(%dma_wait3A_375 : memref<32x128xf32, #tpu.memory_space<vmem_shared>>)
      tpu.yield
    }) : () -> ()
    %mul3A_109 = arith.constant 632 : i32
    %mul3A_110 = arith.muli %arg1, %mul3A_109 : i32
    %add3A_111 = arith.constant 608 : i32
    %add3A_112 = arith.addi %mul3A_110, %add3A_111 : i32
    "tpu.region"() ({
      %run_scoped3A = tpu.sem_alloc : memref<!tpu.dma_semaphore, #tpu.memory_space<semaphore_mem>>
      %dma_start3A_368 = arith.constant 0 : i32
      %dma_start3A_369 = arith.constant 0 : i32
      %dma_start3A_370 = tpu.memref_slice %arg6[%dma_start3A_368, %dma_start3A_369] : memref<32x128xf32, #tpu.memory_space<vmem>> -> memref<24x128xf32, #tpu.memory_space<vmem>>
      %dma_start3A_371 = arith.constant 0 : i32
      %dma_start3A_372 = tpu.memref_slice %arg5[%add3A_112, %dma_start3A_371] : memref<10112x128xf32, #tpu.memory_space<vmem_shared>> -> memref<24x128xf32, #tpu.memory_space<vmem_shared>>
      %dma_start3A_373 = arith.constant 0 : i32
      %dma_start3A_374 = tpu.memref_slice %arg5[%add3A_112, %dma_start3A_373] : memref<10112x128xf32, #tpu.memory_space<vmem_shared>> -> memref<24x128xf32, #tpu.memory_space<vmem_shared>>
      %dma_start3A_375 = arith.constant 0 : i32
      %dma_start3A_376 = arith.constant 0 : i32
      %dma_start3A_377 = tpu.memref_slice %arg6[%dma_start3A_375, %dma_start3A_376] : memref<32x128xf32, #tpu.memory_space<vmem>> -> memref<24x128xf32, #tpu.memory_space<vmem>>
      tpu.enqueue_dma source(%dma_start3A_377 : memref<24x128xf32, #tpu.memory_space<vmem>>) target(%dma_start3A_374 : memref<24x128xf32, #tpu.memory_space<vmem_shared>>) target_semaphore(%run_scoped3A : memref<!tpu.dma_semaphore, #tpu.memory_space<semaphore_mem>>)
      %dma_wait3A_378 = arith.constant 0 : i32
      %dma_wait3A_379 = arith.constant 0 : i32
      %dma_wait3A_380 = tpu.memref_slice %arg6[%dma_wait3A_378, %dma_wait3A_379] : memref<32x128xf32, #tpu.memory_space<vmem>> -> memref<24x128xf32, #tpu.memory_space<vmem>>
      %dma_wait3A_381 = arith.constant 0 : i32
      %dma_wait3A_382 = tpu.memref_slice %arg5[%add3A_112, %dma_wait3A_381] : memref<10112x128xf32, #tpu.memory_space<vmem_shared>> -> memref<24x128xf32, #tpu.memory_space<vmem_shared>>
      %dma_wait3A_383 = arith.constant 0 : i32
      %dma_wait3A_384 = tpu.memref_slice %arg5[%add3A_112, %dma_wait3A_383] : memref<10112x128xf32, #tpu.memory_space<vmem_shared>> -> memref<24x128xf32, #tpu.memory_space<vmem_shared>>
      %dma_wait3A_385 = arith.constant 0 : i32
      %dma_wait3A_386 = arith.constant 0 : i32
      %dma_wait3A_387 = tpu.memref_slice %arg6[%dma_wait3A_385, %dma_wait3A_386] : memref<32x128xf32, #tpu.memory_space<vmem>> -> memref<24x128xf32, #tpu.memory_space<vmem>>
      tpu.wait_dma2 semaphore(%run_scoped3A : memref<!tpu.dma_semaphore, #tpu.memory_space<semaphore_mem>>) src(%dma_wait3A_387 : memref<24x128xf32, #tpu.memory_space<vmem>>) dst(%dma_wait3A_384 : memref<24x128xf32, #tpu.memory_space<vmem_shared>>)
      tpu.yield
    }) : () -> ()
    %dma_wait3A = arith.constant 0 : i32
    %dma_wait3A_113 = arith.constant 0 : i32
    %dma_wait3A_114 = arith.constant 0 : i32
    %dma_wait3A_115 = tpu.memref_slice %arg3[%dma_wait3A, %dma_wait3A_113, %dma_wait3A_114] : memref<2x1250x128xi32, #tpu.memory_space<hbm>> -> memref<1x1250x128xi32, #tpu.memory_space<hbm>>
    %dma_wait3A_116 = tpu.memref_squeeze %dma_wait3A_115 : memref<1x1250x128xi32, #tpu.memory_space<hbm>> -> memref<1250x128xi32, #tpu.memory_space<hbm>>
    %dma_wait3A_117 = arith.constant 0 : i32
    %dma_wait3A_118 = arith.constant 0 : i32
    %dma_wait3A_119 = tpu.memref_slice %dma_wait3A_116[%dma_wait3A_117, %dma_wait3A_118] : memref<1250x128xi32, #tpu.memory_space<hbm>> -> memref<40x128xi32, #tpu.memory_space<hbm>>
    %dma_wait3A_120 = arith.constant 0 : i32
    %dma_wait3A_121 = arith.constant 0 : i32
    %dma_wait3A_122 = tpu.memref_slice %arg3[%dma_wait3A, %dma_wait3A_120, %dma_wait3A_121] : memref<2x1250x128xi32, #tpu.memory_space<hbm>> -> memref<1x1250x128xi32, #tpu.memory_space<hbm>>
    %dma_wait3A_123 = tpu.memref_squeeze %dma_wait3A_122 : memref<1x1250x128xi32, #tpu.memory_space<hbm>> -> memref<1250x128xi32, #tpu.memory_space<hbm>>
    %dma_wait3A_124 = arith.constant 0 : i32
    %dma_wait3A_125 = arith.constant 0 : i32
    %dma_wait3A_126 = tpu.memref_slice %dma_wait3A_123[%dma_wait3A_124, %dma_wait3A_125] : memref<1250x128xi32, #tpu.memory_space<hbm>> -> memref<40x128xi32, #tpu.memory_space<hbm>>
    tpu.wait_dma2 semaphore(%arg11 : memref<!tpu.dma_semaphore, #tpu.memory_space<semaphore_mem>>) src(%dma_wait3A_126 : memref<40x128xi32, #tpu.memory_space<hbm>>) dst(%arg9 : memref<40x128xi32, #tpu.memory_space<vmem>>)
    %dma_wait3A_127 = arith.constant 1 : i32
    %dma_wait3A_128 = arith.constant 0 : i32
    %dma_wait3A_129 = arith.constant 0 : i32
    %dma_wait3A_130 = tpu.memref_slice %arg3[%dma_wait3A_127, %dma_wait3A_128, %dma_wait3A_129] : memref<2x1250x128xi32, #tpu.memory_space<hbm>> -> memref<1x1250x128xi32, #tpu.memory_space<hbm>>
    %dma_wait3A_131 = tpu.memref_squeeze %dma_wait3A_130 : memref<1x1250x128xi32, #tpu.memory_space<hbm>> -> memref<1250x128xi32, #tpu.memory_space<hbm>>
    %dma_wait3A_132 = arith.constant 0 : i32
    %dma_wait3A_133 = arith.constant 0 : i32
    %dma_wait3A_134 = tpu.memref_slice %dma_wait3A_131[%dma_wait3A_132, %dma_wait3A_133] : memref<1250x128xi32, #tpu.memory_space<hbm>> -> memref<40x128xi32, #tpu.memory_space<hbm>>
    %dma_wait3A_135 = arith.constant 0 : i32
    %dma_wait3A_136 = arith.constant 0 : i32
    %dma_wait3A_137 = tpu.memref_slice %arg3[%dma_wait3A_127, %dma_wait3A_135, %dma_wait3A_136] : memref<2x1250x128xi32, #tpu.memory_space<hbm>> -> memref<1x1250x128xi32, #tpu.memory_space<hbm>>
    %dma_wait3A_138 = tpu.memref_squeeze %dma_wait3A_137 : memref<1x1250x128xi32, #tpu.memory_space<hbm>> -> memref<1250x128xi32, #tpu.memory_space<hbm>>
    %dma_wait3A_139 = arith.constant 0 : i32
    %dma_wait3A_140 = arith.constant 0 : i32
    %dma_wait3A_141 = tpu.memref_slice %dma_wait3A_138[%dma_wait3A_139, %dma_wait3A_140] : memref<1250x128xi32, #tpu.memory_space<hbm>> -> memref<40x128xi32, #tpu.memory_space<hbm>>
    tpu.wait_dma2 semaphore(%arg12 : memref<!tpu.dma_semaphore, #tpu.memory_space<semaphore_mem>>) src(%dma_wait3A_141 : memref<40x128xi32, #tpu.memory_space<hbm>>) dst(%arg10 : memref<40x128xi32, #tpu.memory_space<vmem>>)
    %barrier3A = arith.constant 0 : index
    tpu.barrier barrier_id(%barrier3A)
    %mul3A_142 = arith.constant 2 : i32
    %mul3A_143 = arith.muli %arg0, %mul3A_142 : i32
    %add3A_144 = arith.constant 0 : i32
    %add3A_145 = arith.addi %mul3A_143, %add3A_144 : i32
    %dma_start3A_146 = arith.constant 0 : i32
    %dma_start3A_147 = arith.constant 0 : i32
    %dma_start3A_148 = tpu.memref_slice %arg9[%dma_start3A_146, %dma_start3A_147] : memref<40x128xi32, #tpu.memory_space<vmem>> -> memref<1x128xi32, #tpu.memory_space<vmem>>
    %dma_start3A_149 = tpu.memref_squeeze %dma_start3A_148 : memref<1x128xi32, #tpu.memory_space<vmem>> -> memref<128xi32, #tpu.memory_space<vmem>>
    %dma_start3A_150 = arith.constant 0 : i32
    %dma_start3A_151 = arith.constant 0 : i32
    %dma_start3A_152 = tpu.memref_slice %arg2[%add3A_145, %dma_start3A_150, %dma_start3A_151] : memref<4x10000x128xf32, #tpu.memory_space<hbm>> -> memref<1x10000x128xf32, #tpu.memory_space<hbm>>
    %dma_start3A_153 = tpu.memref_squeeze %dma_start3A_152 : memref<1x10000x128xf32, #tpu.memory_space<hbm>> -> memref<10000x128xf32, #tpu.memory_space<hbm>>
    %dma_start3A_154 = arith.constant 0 : i32
    %dma_start3A_155 = arith.constant 0 : i32
    %dma_start3A_156 = tpu.memref_slice %dma_start3A_153[%dma_start3A_154, %dma_start3A_155] : memref<10000x128xf32, #tpu.memory_space<hbm>> -> memref<10000x128xf32, #tpu.memory_space<hbm>>
    tpu.enqueue_indirect_dma source(%dma_start3A_156 : memref<10000x128xf32, #tpu.memory_space<hbm>>) target(%arg7 : memref<128x128xf32, #tpu.memory_space<vmem>>) offsets(%dma_start3A_149 : memref<128xi32, #tpu.memory_space<vmem>>) semaphore(%arg11 : memref<!tpu.dma_semaphore, #tpu.memory_space<semaphore_mem>>)
    %scan3A_157 = arith.constant 0 : i32
    %scan3A_158 = arith.constant 0 : i32
    %scan3A_159 = arith.constant 20 : i32
    %scan3A_160 = arith.addi %scan3A_158, %scan3A_159 : i32
    %scan3A_161 = arith.constant 1 : i32
    %scan3A_162 = scf.for %scan3A_368 = %scan3A_158 to %scan3A_160 step %scan3A_161 iter_args(%scan3A_369 = %scan3A_157) -> (i32)  : i32 {
      %mul3A_370 = arith.constant 2 : i32
      %mul3A_371 = arith.muli %mul3A_370, %scan3A_368 : i32
      %add3A_372 = arith.constant 1 : i32
      %add3A_373 = arith.addi %mul3A_371, %add3A_372 : i32
      %dma_start3A_374 = arith.constant 0 : i32
      %dma_start3A_375 = tpu.memref_slice %arg9[%add3A_373, %dma_start3A_374] : memref<40x128xi32, #tpu.memory_space<vmem>> -> memref<1x128xi32, #tpu.memory_space<vmem>>
      %dma_start3A_376 = tpu.memref_squeeze %dma_start3A_375 : memref<1x128xi32, #tpu.memory_space<vmem>> -> memref<128xi32, #tpu.memory_space<vmem>>
      %dma_start3A_377 = arith.constant 0 : i32
      %dma_start3A_378 = arith.constant 0 : i32
      %dma_start3A_379 = tpu.memref_slice %arg2[%add3A_145, %dma_start3A_377, %dma_start3A_378] : memref<4x10000x128xf32, #tpu.memory_space<hbm>> -> memref<1x10000x128xf32, #tpu.memory_space<hbm>>
      %dma_start3A_380 = tpu.memref_squeeze %dma_start3A_379 : memref<1x10000x128xf32, #tpu.memory_space<hbm>> -> memref<10000x128xf32, #tpu.memory_space<hbm>>
      %dma_start3A_381 = arith.constant 0 : i32
      %dma_start3A_382 = arith.constant 0 : i32
      %dma_start3A_383 = tpu.memref_slice %dma_start3A_380[%dma_start3A_381, %dma_start3A_382] : memref<10000x128xf32, #tpu.memory_space<hbm>> -> memref<10000x128xf32, #tpu.memory_space<hbm>>
      tpu.enqueue_indirect_dma source(%dma_start3A_383 : memref<10000x128xf32, #tpu.memory_space<hbm>>) target(%arg8 : memref<128x128xf32, #tpu.memory_space<vmem>>) offsets(%dma_start3A_376 : memref<128xi32, #tpu.memory_space<vmem>>) semaphore(%arg12 : memref<!tpu.dma_semaphore, #tpu.memory_space<semaphore_mem>>)
      %dma_wait3A_384 = arith.constant 0 : i32
      %dma_wait3A_385 = arith.constant 0 : i32
      %dma_wait3A_386 = tpu.memref_slice %arg9[%dma_wait3A_384, %dma_wait3A_385] : memref<40x128xi32, #tpu.memory_space<vmem>> -> memref<1x128xi32, #tpu.memory_space<vmem>>
      %dma_wait3A_387 = tpu.memref_squeeze %dma_wait3A_386 : memref<1x128xi32, #tpu.memory_space<vmem>> -> memref<128xi32, #tpu.memory_space<vmem>>
      %dma_wait3A_388 = arith.constant 0 : i32
      %dma_wait3A_389 = arith.constant 0 : i32
      %dma_wait3A_390 = tpu.memref_slice %arg2[%add3A_145, %dma_wait3A_388, %dma_wait3A_389] : memref<4x10000x128xf32, #tpu.memory_space<hbm>> -> memref<1x10000x128xf32, #tpu.memory_space<hbm>>
      %dma_wait3A_391 = tpu.memref_squeeze %dma_wait3A_390 : memref<1x10000x128xf32, #tpu.memory_space<hbm>> -> memref<10000x128xf32, #tpu.memory_space<hbm>>
      %dma_wait3A_392 = arith.constant 0 : i32
      %dma_wait3A_393 = arith.constant 0 : i32
      %dma_wait3A_394 = tpu.memref_slice %dma_wait3A_391[%dma_wait3A_392, %dma_wait3A_393] : memref<10000x128xf32, #tpu.memory_space<hbm>> -> memref<10000x128xf32, #tpu.memory_space<hbm>>
      tpu.wait_indirect_dma semaphore(%arg11 : memref<!tpu.dma_semaphore, #tpu.memory_space<semaphore_mem>>) src(%dma_wait3A_394 : memref<10000x128xf32, #tpu.memory_space<hbm>>) dst(%arg7 : memref<128x128xf32, #tpu.memory_space<vmem>>)
      "tpu.region"() ({
        %run_scoped3A = tpu.sem_alloc : memref<!tpu.dma_semaphore, #tpu.memory_space<semaphore_mem>>
        %dma_start3A_414 = arith.constant 0 : i32
        %dma_start3A_415 = tpu.memref_slice %arg10[%mul3A_371, %dma_start3A_414] : memref<40x128xi32, #tpu.memory_space<vmem>> -> memref<1x128xi32, #tpu.memory_space<vmem>>
        %dma_start3A_416 = tpu.memref_squeeze %dma_start3A_415 : memref<1x128xi32, #tpu.memory_space<vmem>> -> memref<128xi32, #tpu.memory_space<vmem>>
        %dma_start3A_417 = arith.constant 0 : i32
        %dma_start3A_418 = arith.constant 0 : i32
        %dma_start3A_419 = tpu.memref_slice %arg5[%dma_start3A_417, %dma_start3A_418] : memref<10112x128xf32, #tpu.memory_space<vmem_shared>> -> memref<10112x128xf32, #tpu.memory_space<vmem_shared>>
        tpu.enqueue_indirect_dma source(%arg7 : memref<128x128xf32, #tpu.memory_space<vmem>>) target(%dma_start3A_419 : memref<10112x128xf32, #tpu.memory_space<vmem_shared>>) offsets(%dma_start3A_416 : memref<128xi32, #tpu.memory_space<vmem>>) semaphore(%run_scoped3A : memref<!tpu.dma_semaphore, #tpu.memory_space<semaphore_mem>>) {add = true}
        %dma_wait3A_420 = arith.constant 0 : i32
        %dma_wait3A_421 = tpu.memref_slice %arg10[%mul3A_371, %dma_wait3A_420] : memref<40x128xi32, #tpu.memory_space<vmem>> -> memref<1x128xi32, #tpu.memory_space<vmem>>
        %dma_wait3A_422 = tpu.memref_squeeze %dma_wait3A_421 : memref<1x128xi32, #tpu.memory_space<vmem>> -> memref<128xi32, #tpu.memory_space<vmem>>
        %dma_wait3A_423 = arith.constant 0 : i32
        %dma_wait3A_424 = arith.constant 0 : i32
        %dma_wait3A_425 = tpu.memref_slice %arg5[%dma_wait3A_423, %dma_wait3A_424] : memref<10112x128xf32, #tpu.memory_space<vmem_shared>> -> memref<10112x128xf32, #tpu.memory_space<vmem_shared>>
        tpu.wait_indirect_dma semaphore(%run_scoped3A : memref<!tpu.dma_semaphore, #tpu.memory_space<semaphore_mem>>) src(%arg7 : memref<128x128xf32, #tpu.memory_space<vmem>>) dst(%dma_wait3A_425 : memref<10112x128xf32, #tpu.memory_space<vmem_shared>>)
        tpu.yield
      }) : () -> ()
      %add3A_395 = arith.constant 1 : i32
      %add3A_396 = arith.addi %add3A_373, %add3A_395 : i32
      %lt3A_397 = arith.constant 40 : i32
      %lt3A_398 = arith.cmpi slt, %add3A_396, %lt3A_397 : i32
      %convert_element_type3A_399 = arith.extui %lt3A_398 : i1 to i32
      %cond3A_400 = arith.constant 0 : i32
      %cond3A_401 = arith.cmpi ne, %convert_element_type3A_399, %cond3A_400 : i32
      scf.if %cond3A_401 {
        %add3A_414 = arith.constant 1 : i32
        %add3A_415 = arith.addi %add3A_373, %add3A_414 : i32
        %dma_start3A_416 = arith.constant 0 : i32
        %dma_start3A_417 = tpu.memref_slice %arg9[%add3A_415, %dma_start3A_416] : memref<40x128xi32, #tpu.memory_space<vmem>> -> memref<1x128xi32, #tpu.memory_space<vmem>>
        %dma_start3A_418 = tpu.memref_squeeze %dma_start3A_417 : memref<1x128xi32, #tpu.memory_space<vmem>> -> memref<128xi32, #tpu.memory_space<vmem>>
        %dma_start3A_419 = arith.constant 0 : i32
        %dma_start3A_420 = arith.constant 0 : i32
        %dma_start3A_421 = tpu.memref_slice %arg2[%add3A_145, %dma_start3A_419, %dma_start3A_420] : memref<4x10000x128xf32, #tpu.memory_space<hbm>> -> memref<1x10000x128xf32, #tpu.memory_space<hbm>>
        %dma_start3A_422 = tpu.memref_squeeze %dma_start3A_421 : memref<1x10000x128xf32, #tpu.memory_space<hbm>> -> memref<10000x128xf32, #tpu.memory_space<hbm>>
        %dma_start3A_423 = arith.constant 0 : i32
        %dma_start3A_424 = arith.constant 0 : i32
        %dma_start3A_425 = tpu.memref_slice %dma_start3A_422[%dma_start3A_423, %dma_start3A_424] : memref<10000x128xf32, #tpu.memory_space<hbm>> -> memref<10000x128xf32, #tpu.memory_space<hbm>>
        tpu.enqueue_indirect_dma source(%dma_start3A_425 : memref<10000x128xf32, #tpu.memory_space<hbm>>) target(%arg7 : memref<128x128xf32, #tpu.memory_space<vmem>>) offsets(%dma_start3A_418 : memref<128xi32, #tpu.memory_space<vmem>>) semaphore(%arg11 : memref<!tpu.dma_semaphore, #tpu.memory_space<semaphore_mem>>)
      } else {
      }
      %dma_wait3A_402 = arith.constant 0 : i32
      %dma_wait3A_403 = arith.constant 0 : i32
      %dma_wait3A_404 = tpu.memref_slice %arg9[%dma_wait3A_402, %dma_wait3A_403] : memref<40x128xi32, #tpu.memory_space<vmem>> -> memref<1x128xi32, #tpu.memory_space<vmem>>
      %dma_wait3A_405 = tpu.memref_squeeze %dma_wait3A_404 : memref<1x128xi32, #tpu.memory_space<vmem>> -> memref<128xi32, #tpu.memory_space<vmem>>
      %dma_wait3A_406 = arith.constant 0 : i32
      %dma_wait3A_407 = arith.constant 0 : i32
      %dma_wait3A_408 = tpu.memref_slice %arg2[%add3A_145, %dma_wait3A_406, %dma_wait3A_407] : memref<4x10000x128xf32, #tpu.memory_space<hbm>> -> memref<1x10000x128xf32, #tpu.memory_space<hbm>>
      %dma_wait3A_409 = tpu.memref_squeeze %dma_wait3A_408 : memref<1x10000x128xf32, #tpu.memory_space<hbm>> -> memref<10000x128xf32, #tpu.memory_space<hbm>>
      %dma_wait3A_410 = arith.constant 0 : i32
      %dma_wait3A_411 = arith.constant 0 : i32
      %dma_wait3A_412 = tpu.memref_slice %dma_wait3A_409[%dma_wait3A_410, %dma_wait3A_411] : memref<10000x128xf32, #tpu.memory_space<hbm>> -> memref<10000x128xf32, #tpu.memory_space<hbm>>
      tpu.wait_indirect_dma semaphore(%arg12 : memref<!tpu.dma_semaphore, #tpu.memory_space<semaphore_mem>>) src(%dma_wait3A_412 : memref<10000x128xf32, #tpu.memory_space<hbm>>) dst(%arg8 : memref<128x128xf32, #tpu.memory_space<vmem>>)
      "tpu.region"() ({
        %run_scoped3A = tpu.sem_alloc : memref<!tpu.dma_semaphore, #tpu.memory_space<semaphore_mem>>
        %dma_start3A_414 = arith.constant 0 : i32
        %dma_start3A_415 = tpu.memref_slice %arg10[%add3A_373, %dma_start3A_414] : memref<40x128xi32, #tpu.memory_space<vmem>> -> memref<1x128xi32, #tpu.memory_space<vmem>>
        %dma_start3A_416 = tpu.memref_squeeze %dma_start3A_415 : memref<1x128xi32, #tpu.memory_space<vmem>> -> memref<128xi32, #tpu.memory_space<vmem>>
        %dma_start3A_417 = arith.constant 0 : i32
        %dma_start3A_418 = arith.constant 0 : i32
        %dma_start3A_419 = tpu.memref_slice %arg5[%dma_start3A_417, %dma_start3A_418] : memref<10112x128xf32, #tpu.memory_space<vmem_shared>> -> memref<10112x128xf32, #tpu.memory_space<vmem_shared>>
        tpu.enqueue_indirect_dma source(%arg8 : memref<128x128xf32, #tpu.memory_space<vmem>>) target(%dma_start3A_419 : memref<10112x128xf32, #tpu.memory_space<vmem_shared>>) offsets(%dma_start3A_416 : memref<128xi32, #tpu.memory_space<vmem>>) semaphore(%run_scoped3A : memref<!tpu.dma_semaphore, #tpu.memory_space<semaphore_mem>>) {add = true}
        %dma_wait3A_420 = arith.constant 0 : i32
        %dma_wait3A_421 = tpu.memref_slice %arg10[%add3A_373, %dma_wait3A_420] : memref<40x128xi32, #tpu.memory_space<vmem>> -> memref<1x128xi32, #tpu.memory_space<vmem>>
        %dma_wait3A_422 = tpu.memref_squeeze %dma_wait3A_421 : memref<1x128xi32, #tpu.memory_space<vmem>> -> memref<128xi32, #tpu.memory_space<vmem>>
        %dma_wait3A_423 = arith.constant 0 : i32
        %dma_wait3A_424 = arith.constant 0 : i32
        %dma_wait3A_425 = tpu.memref_slice %arg5[%dma_wait3A_423, %dma_wait3A_424] : memref<10112x128xf32, #tpu.memory_space<vmem_shared>> -> memref<10112x128xf32, #tpu.memory_space<vmem_shared>>
        tpu.wait_indirect_dma semaphore(%run_scoped3A : memref<!tpu.dma_semaphore, #tpu.memory_space<semaphore_mem>>) src(%arg8 : memref<128x128xf32, #tpu.memory_space<vmem>>) dst(%dma_wait3A_425 : memref<10112x128xf32, #tpu.memory_space<vmem_shared>>)
        tpu.yield
      }) : () -> ()
      %scan3A_413 = arith.constant 0 : i32
      scf.yield %scan3A_413 : i32
    }
    %scan3A_163 = arith.constant 20 : i32
    %mul3A_164 = arith.constant 80 : i32
    %mul3A_165 = arith.muli %arg1, %mul3A_164 : i32
    %add3A_166 = arith.constant 40 : i32
    %add3A_167 = arith.addi %mul3A_165, %add3A_166 : i32
    %lt3A = arith.constant 15 : i32
    %lt3A_168 = arith.cmpi slt, %arg1, %lt3A : i32
    %convert_element_type3A = arith.extui %lt3A_168 : i1 to i32
    %cond3A = arith.constant 0 : i32
    %cond3A_169 = arith.cmpi ne, %convert_element_type3A, %cond3A : i32
    scf.if %cond3A_169 {
      %dma_start3A_368 = arith.constant 0 : i32
      %dma_start3A_369 = arith.constant 0 : i32
      %dma_start3A_370 = arith.constant 0 : i32
      %dma_start3A_371 = tpu.memref_slice %arg3[%dma_start3A_368, %dma_start3A_369, %dma_start3A_370] : memref<2x1250x128xi32, #tpu.memory_space<hbm>> -> memref<1x1250x128xi32, #tpu.memory_space<hbm>>
      %dma_start3A_372 = tpu.memref_squeeze %dma_start3A_371 : memref<1x1250x128xi32, #tpu.memory_space<hbm>> -> memref<1250x128xi32, #tpu.memory_space<hbm>>
      %dma_start3A_373 = arith.constant 0 : i32
      %dma_start3A_374 = tpu.memref_slice %dma_start3A_372[%add3A_167, %dma_start3A_373] : memref<1250x128xi32, #tpu.memory_space<hbm>> -> memref<40x128xi32, #tpu.memory_space<hbm>>
      %dma_start3A_375 = arith.constant 0 : i32
      %dma_start3A_376 = arith.constant 0 : i32
      %dma_start3A_377 = tpu.memref_slice %arg3[%dma_start3A_368, %dma_start3A_375, %dma_start3A_376] : memref<2x1250x128xi32, #tpu.memory_space<hbm>> -> memref<1x1250x128xi32, #tpu.memory_space<hbm>>
      %dma_start3A_378 = tpu.memref_squeeze %dma_start3A_377 : memref<1x1250x128xi32, #tpu.memory_space<hbm>> -> memref<1250x128xi32, #tpu.memory_space<hbm>>
      %dma_start3A_379 = arith.constant 0 : i32
      %dma_start3A_380 = tpu.memref_slice %dma_start3A_378[%add3A_167, %dma_start3A_379] : memref<1250x128xi32, #tpu.memory_space<hbm>> -> memref<40x128xi32, #tpu.memory_space<hbm>>
      tpu.enqueue_dma source(%dma_start3A_380 : memref<40x128xi32, #tpu.memory_space<hbm>>) target(%arg9 : memref<40x128xi32, #tpu.memory_space<vmem>>) target_semaphore(%arg11 : memref<!tpu.dma_semaphore, #tpu.memory_space<semaphore_mem>>)
      %dma_start3A_381 = arith.constant 1 : i32
      %dma_start3A_382 = arith.constant 0 : i32
      %dma_start3A_383 = arith.constant 0 : i32
      %dma_start3A_384 = tpu.memref_slice %arg3[%dma_start3A_381, %dma_start3A_382, %dma_start3A_383] : memref<2x1250x128xi32, #tpu.memory_space<hbm>> -> memref<1x1250x128xi32, #tpu.memory_space<hbm>>
      %dma_start3A_385 = tpu.memref_squeeze %dma_start3A_384 : memref<1x1250x128xi32, #tpu.memory_space<hbm>> -> memref<1250x128xi32, #tpu.memory_space<hbm>>
      %dma_start3A_386 = arith.constant 0 : i32
      %dma_start3A_387 = tpu.memref_slice %dma_start3A_385[%add3A_167, %dma_start3A_386] : memref<1250x128xi32, #tpu.memory_space<hbm>> -> memref<40x128xi32, #tpu.memory_space<hbm>>
      %dma_start3A_388 = arith.constant 0 : i32
      %dma_start3A_389 = arith.constant 0 : i32
      %dma_start3A_390 = tpu.memref_slice %arg3[%dma_start3A_381, %dma_start3A_388, %dma_start3A_389] : memref<2x1250x128xi32, #tpu.memory_space<hbm>> -> memref<1x1250x128xi32, #tpu.memory_space<hbm>>
      %dma_start3A_391 = tpu.memref_squeeze %dma_start3A_390 : memref<1x1250x128xi32, #tpu.memory_space<hbm>> -> memref<1250x128xi32, #tpu.memory_space<hbm>>
      %dma_start3A_392 = arith.constant 0 : i32
      %dma_start3A_393 = tpu.memref_slice %dma_start3A_391[%add3A_167, %dma_start3A_392] : memref<1250x128xi32, #tpu.memory_space<hbm>> -> memref<40x128xi32, #tpu.memory_space<hbm>>
      tpu.enqueue_dma source(%dma_start3A_393 : memref<40x128xi32, #tpu.memory_space<hbm>>) target(%arg10 : memref<40x128xi32, #tpu.memory_space<vmem>>) target_semaphore(%arg12 : memref<!tpu.dma_semaphore, #tpu.memory_space<semaphore_mem>>)
    } else {
    }
    %eq3A = arith.constant 15 : i32
    %eq3A_170 = arith.cmpi eq, %arg1, %eq3A : i32
    %convert_element_type3A_171 = arith.extui %eq3A_170 : i1 to i32
    %cond3A_172 = arith.constant 0 : i32
    %cond3A_173 = arith.cmpi ne, %convert_element_type3A_171, %cond3A_172 : i32
    scf.if %cond3A_173 {
      %dma_start3A_368 = arith.constant 0 : i32
      %dma_start3A_369 = arith.constant 0 : i32
      %dma_start3A_370 = arith.constant 0 : i32
      %dma_start3A_371 = tpu.memref_slice %arg9[%dma_start3A_369, %dma_start3A_370] : memref<40x128xi32, #tpu.memory_space<vmem>> -> memref<10x128xi32, #tpu.memory_space<vmem>>
      %dma_start3A_372 = arith.constant 0 : i32
      %dma_start3A_373 = arith.constant 0 : i32
      %dma_start3A_374 = tpu.memref_slice %arg3[%dma_start3A_368, %dma_start3A_372, %dma_start3A_373] : memref<2x1250x128xi32, #tpu.memory_space<hbm>> -> memref<1x1250x128xi32, #tpu.memory_space<hbm>>
      %dma_start3A_375 = tpu.memref_squeeze %dma_start3A_374 : memref<1x1250x128xi32, #tpu.memory_space<hbm>> -> memref<1250x128xi32, #tpu.memory_space<hbm>>
      %dma_start3A_376 = arith.constant 1240 : i32
      %dma_start3A_377 = arith.constant 0 : i32
      %dma_start3A_378 = tpu.memref_slice %dma_start3A_375[%dma_start3A_376, %dma_start3A_377] : memref<1250x128xi32, #tpu.memory_space<hbm>> -> memref<10x128xi32, #tpu.memory_space<hbm>>
      %dma_start3A_379 = arith.constant 0 : i32
      %dma_start3A_380 = arith.constant 0 : i32
      %dma_start3A_381 = tpu.memref_slice %arg9[%dma_start3A_379, %dma_start3A_380] : memref<40x128xi32, #tpu.memory_space<vmem>> -> memref<10x128xi32, #tpu.memory_space<vmem>>
      %dma_start3A_382 = arith.constant 0 : i32
      %dma_start3A_383 = arith.constant 0 : i32
      %dma_start3A_384 = tpu.memref_slice %arg3[%dma_start3A_368, %dma_start3A_382, %dma_start3A_383] : memref<2x1250x128xi32, #tpu.memory_space<hbm>> -> memref<1x1250x128xi32, #tpu.memory_space<hbm>>
      %dma_start3A_385 = tpu.memref_squeeze %dma_start3A_384 : memref<1x1250x128xi32, #tpu.memory_space<hbm>> -> memref<1250x128xi32, #tpu.memory_space<hbm>>
      %dma_start3A_386 = arith.constant 1240 : i32
      %dma_start3A_387 = arith.constant 0 : i32
      %dma_start3A_388 = tpu.memref_slice %dma_start3A_385[%dma_start3A_386, %dma_start3A_387] : memref<1250x128xi32, #tpu.memory_space<hbm>> -> memref<10x128xi32, #tpu.memory_space<hbm>>
      tpu.enqueue_dma source(%dma_start3A_388 : memref<10x128xi32, #tpu.memory_space<hbm>>) target(%dma_start3A_381 : memref<10x128xi32, #tpu.memory_space<vmem>>) target_semaphore(%arg11 : memref<!tpu.dma_semaphore, #tpu.memory_space<semaphore_mem>>)
      %dma_start3A_389 = arith.constant 1 : i32
      %dma_start3A_390 = arith.constant 0 : i32
      %dma_start3A_391 = arith.constant 0 : i32
      %dma_start3A_392 = tpu.memref_slice %arg10[%dma_start3A_390, %dma_start3A_391] : memref<40x128xi32, #tpu.memory_space<vmem>> -> memref<10x128xi32, #tpu.memory_space<vmem>>
      %dma_start3A_393 = arith.constant 0 : i32
      %dma_start3A_394 = arith.constant 0 : i32
      %dma_start3A_395 = tpu.memref_slice %arg3[%dma_start3A_389, %dma_start3A_393, %dma_start3A_394] : memref<2x1250x128xi32, #tpu.memory_space<hbm>> -> memref<1x1250x128xi32, #tpu.memory_space<hbm>>
      %dma_start3A_396 = tpu.memref_squeeze %dma_start3A_395 : memref<1x1250x128xi32, #tpu.memory_space<hbm>> -> memref<1250x128xi32, #tpu.memory_space<hbm>>
      %dma_start3A_397 = arith.constant 1240 : i32
      %dma_start3A_398 = arith.constant 0 : i32
      %dma_start3A_399 = tpu.memref_slice %dma_start3A_396[%dma_start3A_397, %dma_start3A_398] : memref<1250x128xi32, #tpu.memory_space<hbm>> -> memref<10x128xi32, #tpu.memory_space<hbm>>
      %dma_start3A_400 = arith.constant 0 : i32
      %dma_start3A_401 = arith.constant 0 : i32
      %dma_start3A_402 = tpu.memref_slice %arg10[%dma_start3A_400, %dma_start3A_401] : memref<40x128xi32, #tpu.memory_space<vmem>> -> memref<10x128xi32, #tpu.memory_space<vmem>>
      %dma_start3A_403 = arith.constant 0 : i32
      %dma_start3A_404 = arith.constant 0 : i32
      %dma_start3A_405 = tpu.memref_slice %arg3[%dma_start3A_389, %dma_start3A_403, %dma_start3A_404] : memref<2x1250x128xi32, #tpu.memory_space<hbm>> -> memref<1x1250x128xi32, #tpu.memory_space<hbm>>
      %dma_start3A_406 = tpu.memref_squeeze %dma_start3A_405 : memref<1x1250x128xi32, #tpu.memory_space<hbm>> -> memref<1250x128xi32, #tpu.memory_space<hbm>>
      %dma_start3A_407 = arith.constant 1240 : i32
      %dma_start3A_408 = arith.constant 0 : i32
      %dma_start3A_409 = tpu.memref_slice %dma_start3A_406[%dma_start3A_407, %dma_start3A_408] : memref<1250x128xi32, #tpu.memory_space<hbm>> -> memref<10x128xi32, #tpu.memory_space<hbm>>
      tpu.enqueue_dma source(%dma_start3A_409 : memref<10x128xi32, #tpu.memory_space<hbm>>) target(%dma_start3A_402 : memref<10x128xi32, #tpu.memory_space<vmem>>) target_semaphore(%arg12 : memref<!tpu.dma_semaphore, #tpu.memory_space<semaphore_mem>>)
    } else {
    }
    %lt3A_174 = arith.constant 15 : i32
    %lt3A_175 = arith.cmpi slt, %arg1, %lt3A_174 : i32
    %convert_element_type3A_176 = arith.extui %lt3A_175 : i1 to i32
    %cond3A_177 = arith.constant 0 : i32
    %cond3A_178 = arith.cmpi ne, %convert_element_type3A_176, %cond3A_177 : i32
    scf.if %cond3A_178 {
      %dma_wait3A_368 = arith.constant 0 : i32
      %dma_wait3A_369 = arith.constant 0 : i32
      %dma_wait3A_370 = arith.constant 0 : i32
      %dma_wait3A_371 = tpu.memref_slice %arg3[%dma_wait3A_368, %dma_wait3A_369, %dma_wait3A_370] : memref<2x1250x128xi32, #tpu.memory_space<hbm>> -> memref<1x1250x128xi32, #tpu.memory_space<hbm>>
      %dma_wait3A_372 = tpu.memref_squeeze %dma_wait3A_371 : memref<1x1250x128xi32, #tpu.memory_space<hbm>> -> memref<1250x128xi32, #tpu.memory_space<hbm>>
      %dma_wait3A_373 = arith.constant 0 : i32
      %dma_wait3A_374 = arith.constant 0 : i32
      %dma_wait3A_375 = tpu.memref_slice %dma_wait3A_372[%dma_wait3A_373, %dma_wait3A_374] : memref<1250x128xi32, #tpu.memory_space<hbm>> -> memref<40x128xi32, #tpu.memory_space<hbm>>
      %dma_wait3A_376 = arith.constant 0 : i32
      %dma_wait3A_377 = arith.constant 0 : i32
      %dma_wait3A_378 = tpu.memref_slice %arg3[%dma_wait3A_368, %dma_wait3A_376, %dma_wait3A_377] : memref<2x1250x128xi32, #tpu.memory_space<hbm>> -> memref<1x1250x128xi32, #tpu.memory_space<hbm>>
      %dma_wait3A_379 = tpu.memref_squeeze %dma_wait3A_378 : memref<1x1250x128xi32, #tpu.memory_space<hbm>> -> memref<1250x128xi32, #tpu.memory_space<hbm>>
      %dma_wait3A_380 = arith.constant 0 : i32
      %dma_wait3A_381 = arith.constant 0 : i32
      %dma_wait3A_382 = tpu.memref_slice %dma_wait3A_379[%dma_wait3A_380, %dma_wait3A_381] : memref<1250x128xi32, #tpu.memory_space<hbm>> -> memref<40x128xi32, #tpu.memory_space<hbm>>
      tpu.wait_dma2 semaphore(%arg11 : memref<!tpu.dma_semaphore, #tpu.memory_space<semaphore_mem>>) src(%dma_wait3A_382 : memref<40x128xi32, #tpu.memory_space<hbm>>) dst(%arg9 : memref<40x128xi32, #tpu.memory_space<vmem>>)
      %dma_wait3A_383 = arith.constant 1 : i32
      %dma_wait3A_384 = arith.constant 0 : i32
      %dma_wait3A_385 = arith.constant 0 : i32
      %dma_wait3A_386 = tpu.memref_slice %arg3[%dma_wait3A_383, %dma_wait3A_384, %dma_wait3A_385] : memref<2x1250x128xi32, #tpu.memory_space<hbm>> -> memref<1x1250x128xi32, #tpu.memory_space<hbm>>
      %dma_wait3A_387 = tpu.memref_squeeze %dma_wait3A_386 : memref<1x1250x128xi32, #tpu.memory_space<hbm>> -> memref<1250x128xi32, #tpu.memory_space<hbm>>
      %dma_wait3A_388 = arith.constant 0 : i32
      %dma_wait3A_389 = arith.constant 0 : i32
      %dma_wait3A_390 = tpu.memref_slice %dma_wait3A_387[%dma_wait3A_388, %dma_wait3A_389] : memref<1250x128xi32, #tpu.memory_space<hbm>> -> memref<40x128xi32, #tpu.memory_space<hbm>>
      %dma_wait3A_391 = arith.constant 0 : i32
      %dma_wait3A_392 = arith.constant 0 : i32
      %dma_wait3A_393 = tpu.memref_slice %arg3[%dma_wait3A_383, %dma_wait3A_391, %dma_wait3A_392] : memref<2x1250x128xi32, #tpu.memory_space<hbm>> -> memref<1x1250x128xi32, #tpu.memory_space<hbm>>
      %dma_wait3A_394 = tpu.memref_squeeze %dma_wait3A_393 : memref<1x1250x128xi32, #tpu.memory_space<hbm>> -> memref<1250x128xi32, #tpu.memory_space<hbm>>
      %dma_wait3A_395 = arith.constant 0 : i32
      %dma_wait3A_396 = arith.constant 0 : i32
      %dma_wait3A_397 = tpu.memref_slice %dma_wait3A_394[%dma_wait3A_395, %dma_wait3A_396] : memref<1250x128xi32, #tpu.memory_space<hbm>> -> memref<40x128xi32, #tpu.memory_space<hbm>>
      tpu.wait_dma2 semaphore(%arg12 : memref<!tpu.dma_semaphore, #tpu.memory_space<semaphore_mem>>) src(%dma_wait3A_397 : memref<40x128xi32, #tpu.memory_space<hbm>>) dst(%arg10 : memref<40x128xi32, #tpu.memory_space<vmem>>)
    } else {
    }
    %eq3A_179 = arith.constant 15 : i32
    %eq3A_180 = arith.cmpi eq, %arg1, %eq3A_179 : i32
    %convert_element_type3A_181 = arith.extui %eq3A_180 : i1 to i32
    %cond3A_182 = arith.constant 0 : i32
    %cond3A_183 = arith.cmpi ne, %convert_element_type3A_181, %cond3A_182 : i32
    scf.if %cond3A_183 {
      %dma_wait3A_368 = arith.constant 0 : i32
      %dma_wait3A_369 = arith.constant 0 : i32
      %dma_wait3A_370 = arith.constant 0 : i32
      %dma_wait3A_371 = tpu.memref_slice %arg9[%dma_wait3A_369, %dma_wait3A_370] : memref<40x128xi32, #tpu.memory_space<vmem>> -> memref<10x128xi32, #tpu.memory_space<vmem>>
      %dma_wait3A_372 = arith.constant 0 : i32
      %dma_wait3A_373 = arith.constant 0 : i32
      %dma_wait3A_374 = tpu.memref_slice %arg3[%dma_wait3A_368, %dma_wait3A_372, %dma_wait3A_373] : memref<2x1250x128xi32, #tpu.memory_space<hbm>> -> memref<1x1250x128xi32, #tpu.memory_space<hbm>>
      %dma_wait3A_375 = tpu.memref_squeeze %dma_wait3A_374 : memref<1x1250x128xi32, #tpu.memory_space<hbm>> -> memref<1250x128xi32, #tpu.memory_space<hbm>>
      %dma_wait3A_376 = arith.constant 1240 : i32
      %dma_wait3A_377 = arith.constant 0 : i32
      %dma_wait3A_378 = tpu.memref_slice %dma_wait3A_375[%dma_wait3A_376, %dma_wait3A_377] : memref<1250x128xi32, #tpu.memory_space<hbm>> -> memref<10x128xi32, #tpu.memory_space<hbm>>
      %dma_wait3A_379 = arith.constant 0 : i32
      %dma_wait3A_380 = arith.constant 0 : i32
      %dma_wait3A_381 = tpu.memref_slice %arg9[%dma_wait3A_379, %dma_wait3A_380] : memref<40x128xi32, #tpu.memory_space<vmem>> -> memref<10x128xi32, #tpu.memory_space<vmem>>
      %dma_wait3A_382 = arith.constant 0 : i32
      %dma_wait3A_383 = arith.constant 0 : i32
      %dma_wait3A_384 = tpu.memref_slice %arg3[%dma_wait3A_368, %dma_wait3A_382, %dma_wait3A_383] : memref<2x1250x128xi32, #tpu.memory_space<hbm>> -> memref<1x1250x128xi32, #tpu.memory_space<hbm>>
      %dma_wait3A_385 = tpu.memref_squeeze %dma_wait3A_384 : memref<1x1250x128xi32, #tpu.memory_space<hbm>> -> memref<1250x128xi32, #tpu.memory_space<hbm>>
      %dma_wait3A_386 = arith.constant 1240 : i32
      %dma_wait3A_387 = arith.constant 0 : i32
      %dma_wait3A_388 = tpu.memref_slice %dma_wait3A_385[%dma_wait3A_386, %dma_wait3A_387] : memref<1250x128xi32, #tpu.memory_space<hbm>> -> memref<10x128xi32, #tpu.memory_space<hbm>>
      tpu.wait_dma2 semaphore(%arg11 : memref<!tpu.dma_semaphore, #tpu.memory_space<semaphore_mem>>) src(%dma_wait3A_388 : memref<10x128xi32, #tpu.memory_space<hbm>>) dst(%dma_wait3A_381 : memref<10x128xi32, #tpu.memory_space<vmem>>)
      %dma_wait3A_389 = arith.constant 1 : i32
      %dma_wait3A_390 = arith.constant 0 : i32
      %dma_wait3A_391 = arith.constant 0 : i32
      %dma_wait3A_392 = tpu.memref_slice %arg10[%dma_wait3A_390, %dma_wait3A_391] : memref<40x128xi32, #tpu.memory_space<vmem>> -> memref<10x128xi32, #tpu.memory_space<vmem>>
      %dma_wait3A_393 = arith.constant 0 : i32
      %dma_wait3A_394 = arith.constant 0 : i32
      %dma_wait3A_395 = tpu.memref_slice %arg3[%dma_wait3A_389, %dma_wait3A_393, %dma_wait3A_394] : memref<2x1250x128xi32, #tpu.memory_space<hbm>> -> memref<1x1250x128xi32, #tpu.memory_space<hbm>>
      %dma_wait3A_396 = tpu.memref_squeeze %dma_wait3A_395 : memref<1x1250x128xi32, #tpu.memory_space<hbm>> -> memref<1250x128xi32, #tpu.memory_space<hbm>>
      %dma_wait3A_397 = arith.constant 1240 : i32
      %dma_wait3A_398 = arith.constant 0 : i32
      %dma_wait3A_399 = tpu.memref_slice %dma_wait3A_396[%dma_wait3A_397, %dma_wait3A_398] : memref<1250x128xi32, #tpu.memory_space<hbm>> -> memref<10x128xi32, #tpu.memory_space<hbm>>
      %dma_wait3A_400 = arith.constant 0 : i32
      %dma_wait3A_401 = arith.constant 0 : i32
      %dma_wait3A_402 = tpu.memref_slice %arg10[%dma_wait3A_400, %dma_wait3A_401] : memref<40x128xi32, #tpu.memory_space<vmem>> -> memref<10x128xi32, #tpu.memory_space<vmem>>
      %dma_wait3A_403 = arith.constant 0 : i32
      %dma_wait3A_404 = arith.constant 0 : i32
      %dma_wait3A_405 = tpu.memref_slice %arg3[%dma_wait3A_389, %dma_wait3A_403, %dma_wait3A_404] : memref<2x1250x128xi32, #tpu.memory_space<hbm>> -> memref<1x1250x128xi32, #tpu.memory_space<hbm>>
      %dma_wait3A_406 = tpu.memref_squeeze %dma_wait3A_405 : memref<1x1250x128xi32, #tpu.memory_space<hbm>> -> memref<1250x128xi32, #tpu.memory_space<hbm>>
      %dma_wait3A_407 = arith.constant 1240 : i32
      %dma_wait3A_408 = arith.constant 0 : i32
      %dma_wait3A_409 = tpu.memref_slice %dma_wait3A_406[%dma_wait3A_407, %dma_wait3A_408] : memref<1250x128xi32, #tpu.memory_space<hbm>> -> memref<10x128xi32, #tpu.memory_space<hbm>>
      tpu.wait_dma2 semaphore(%arg12 : memref<!tpu.dma_semaphore, #tpu.memory_space<semaphore_mem>>) src(%dma_wait3A_409 : memref<10x128xi32, #tpu.memory_space<hbm>>) dst(%dma_wait3A_402 : memref<10x128xi32, #tpu.memory_space<vmem>>)
    } else {
    }
    %eq3A_184 = arith.constant 15 : i32
    %eq3A_185 = arith.cmpi eq, %arg1, %eq3A_184 : i32
    %jit3A = arith.constant 10 : i32
    %jit3A_186 = arith.constant 40 : i32
    %select_n3A = arith.select %eq3A_185, %jit3A, %jit3A_186 : i32
    %dma_start3A_187 = arith.constant 0 : i32
    %dma_start3A_188 = arith.constant 0 : i32
    %dma_start3A_189 = tpu.memref_slice %arg9[%dma_start3A_187, %dma_start3A_188] : memref<40x128xi32, #tpu.memory_space<vmem>> -> memref<1x128xi32, #tpu.memory_space<vmem>>
    %dma_start3A_190 = tpu.memref_squeeze %dma_start3A_189 : memref<1x128xi32, #tpu.memory_space<vmem>> -> memref<128xi32, #tpu.memory_space<vmem>>
    %dma_start3A_191 = arith.constant 0 : i32
    %dma_start3A_192 = arith.constant 0 : i32
    %dma_start3A_193 = tpu.memref_slice %arg2[%add3A_145, %dma_start3A_191, %dma_start3A_192] : memref<4x10000x128xf32, #tpu.memory_space<hbm>> -> memref<1x10000x128xf32, #tpu.memory_space<hbm>>
    %dma_start3A_194 = tpu.memref_squeeze %dma_start3A_193 : memref<1x10000x128xf32, #tpu.memory_space<hbm>> -> memref<10000x128xf32, #tpu.memory_space<hbm>>
    %dma_start3A_195 = arith.constant 0 : i32
    %dma_start3A_196 = arith.constant 0 : i32
    %dma_start3A_197 = tpu.memref_slice %dma_start3A_194[%dma_start3A_195, %dma_start3A_196] : memref<10000x128xf32, #tpu.memory_space<hbm>> -> memref<10000x128xf32, #tpu.memory_space<hbm>>
    tpu.enqueue_indirect_dma source(%dma_start3A_197 : memref<10000x128xf32, #tpu.memory_space<hbm>>) target(%arg7 : memref<128x128xf32, #tpu.memory_space<vmem>>) offsets(%dma_start3A_190 : memref<128xi32, #tpu.memory_space<vmem>>) semaphore(%arg11 : memref<!tpu.dma_semaphore, #tpu.memory_space<semaphore_mem>>)
    %jit3A_198 = arith.constant 2 : i32
    %div3A = arith.divsi %select_n3A, %jit3A_198 : i32
    %sign3A = arith.constant 0 : i32
    %sign3A_199 = arith.cmpi sgt, %select_n3A, %sign3A : i32
    %sign3A_200 = arith.extui %sign3A_199 : i1 to i32
    %sign3A_201 = arith.constant 0 : i32
    %sign3A_202 = arith.cmpi slt, %select_n3A, %sign3A_201 : i32
    %sign3A_203 = arith.extui %sign3A_202 : i1 to i32
    %sign3A_204 = arith.subi %sign3A_200, %sign3A_203 : i32
    %sign3A_205 = arith.constant 0 : i32
    %sign3A_206 = arith.cmpi sgt, %jit3A_198, %sign3A_205 : i32
    %sign3A_207 = arith.extui %sign3A_206 : i1 to i32
    %sign3A_208 = arith.constant 0 : i32
    %sign3A_209 = arith.cmpi slt, %jit3A_198, %sign3A_208 : i32
    %sign3A_210 = arith.extui %sign3A_209 : i1 to i32
    %sign3A_211 = arith.subi %sign3A_207, %sign3A_210 : i32
    %ne3A = arith.cmpi ne, %sign3A_204, %sign3A_211 : i32
    %rem3A = arith.remsi %select_n3A, %jit3A_198 : i32
    %ne3A_212 = arith.constant 0 : i32
    %ne3A_213 = arith.cmpi ne, %rem3A, %ne3A_212 : i32
    %and3A = arith.andi %ne3A, %ne3A_213 : i1
    %sub3A = arith.constant 1 : i32
    %sub3A_214 = arith.subi %div3A, %sub3A : i32
    %select_n3A_215 = arith.select %and3A, %sub3A_214, %div3A : i32
    %while3A = arith.constant 0 : i32
    %while3A_216 = arith.constant 0 : i32
    %while3A_217 = arith.subi %select_n3A_215, %while3A : i32
    %while3A_218 = arith.addi %while3A, %while3A_217 : i32
    %while3A_219 = arith.constant 1 : i32
    %while3A_220 = arith.divsi %while3A_217, %while3A_219 : i32
    %while3A_221 = arith.muli %while3A_220, %while3A_219 : i32
    %while3A_222 = arith.addi %while3A, %while3A_221 : i32
    %while3A_223 = arith.constant 1 : i32
    %while3A_224 = scf.for %while3A_368 = %while3A to %while3A_222 step %while3A_223 iter_args(%while3A_369 = %while3A_216) -> (i32)  : i32 {
      %mul3A_370 = arith.constant 2 : i32
      %mul3A_371 = arith.muli %mul3A_370, %while3A_368 : i32
      %add3A_372 = arith.constant 1 : i32
      %add3A_373 = arith.addi %mul3A_371, %add3A_372 : i32
      %dma_start3A_374 = arith.constant 0 : i32
      %dma_start3A_375 = tpu.memref_slice %arg9[%add3A_373, %dma_start3A_374] : memref<40x128xi32, #tpu.memory_space<vmem>> -> memref<1x128xi32, #tpu.memory_space<vmem>>
      %dma_start3A_376 = tpu.memref_squeeze %dma_start3A_375 : memref<1x128xi32, #tpu.memory_space<vmem>> -> memref<128xi32, #tpu.memory_space<vmem>>
      %dma_start3A_377 = arith.constant 0 : i32
      %dma_start3A_378 = arith.constant 0 : i32
      %dma_start3A_379 = tpu.memref_slice %arg2[%add3A_145, %dma_start3A_377, %dma_start3A_378] : memref<4x10000x128xf32, #tpu.memory_space<hbm>> -> memref<1x10000x128xf32, #tpu.memory_space<hbm>>
      %dma_start3A_380 = tpu.memref_squeeze %dma_start3A_379 : memref<1x10000x128xf32, #tpu.memory_space<hbm>> -> memref<10000x128xf32, #tpu.memory_space<hbm>>
      %dma_start3A_381 = arith.constant 0 : i32
      %dma_start3A_382 = arith.constant 0 : i32
      %dma_start3A_383 = tpu.memref_slice %dma_start3A_380[%dma_start3A_381, %dma_start3A_382] : memref<10000x128xf32, #tpu.memory_space<hbm>> -> memref<10000x128xf32, #tpu.memory_space<hbm>>
      tpu.enqueue_indirect_dma source(%dma_start3A_383 : memref<10000x128xf32, #tpu.memory_space<hbm>>) target(%arg8 : memref<128x128xf32, #tpu.memory_space<vmem>>) offsets(%dma_start3A_376 : memref<128xi32, #tpu.memory_space<vmem>>) semaphore(%arg12 : memref<!tpu.dma_semaphore, #tpu.memory_space<semaphore_mem>>)
      %dma_wait3A_384 = arith.constant 0 : i32
      %dma_wait3A_385 = arith.constant 0 : i32
      %dma_wait3A_386 = tpu.memref_slice %arg9[%dma_wait3A_384, %dma_wait3A_385] : memref<40x128xi32, #tpu.memory_space<vmem>> -> memref<1x128xi32, #tpu.memory_space<vmem>>
      %dma_wait3A_387 = tpu.memref_squeeze %dma_wait3A_386 : memref<1x128xi32, #tpu.memory_space<vmem>> -> memref<128xi32, #tpu.memory_space<vmem>>
      %dma_wait3A_388 = arith.constant 0 : i32
      %dma_wait3A_389 = arith.constant 0 : i32
      %dma_wait3A_390 = tpu.memref_slice %arg2[%add3A_145, %dma_wait3A_388, %dma_wait3A_389] : memref<4x10000x128xf32, #tpu.memory_space<hbm>> -> memref<1x10000x128xf32, #tpu.memory_space<hbm>>
      %dma_wait3A_391 = tpu.memref_squeeze %dma_wait3A_390 : memref<1x10000x128xf32, #tpu.memory_space<hbm>> -> memref<10000x128xf32, #tpu.memory_space<hbm>>
      %dma_wait3A_392 = arith.constant 0 : i32
      %dma_wait3A_393 = arith.constant 0 : i32
      %dma_wait3A_394 = tpu.memref_slice %dma_wait3A_391[%dma_wait3A_392, %dma_wait3A_393] : memref<10000x128xf32, #tpu.memory_space<hbm>> -> memref<10000x128xf32, #tpu.memory_space<hbm>>
      tpu.wait_indirect_dma semaphore(%arg11 : memref<!tpu.dma_semaphore, #tpu.memory_space<semaphore_mem>>) src(%dma_wait3A_394 : memref<10000x128xf32, #tpu.memory_space<hbm>>) dst(%arg7 : memref<128x128xf32, #tpu.memory_space<vmem>>)
      "tpu.region"() ({
        %run_scoped3A = tpu.sem_alloc : memref<!tpu.dma_semaphore, #tpu.memory_space<semaphore_mem>>
        %dma_start3A_413 = arith.constant 0 : i32
        %dma_start3A_414 = tpu.memref_slice %arg10[%mul3A_371, %dma_start3A_413] : memref<40x128xi32, #tpu.memory_space<vmem>> -> memref<1x128xi32, #tpu.memory_space<vmem>>
        %dma_start3A_415 = tpu.memref_squeeze %dma_start3A_414 : memref<1x128xi32, #tpu.memory_space<vmem>> -> memref<128xi32, #tpu.memory_space<vmem>>
        %dma_start3A_416 = arith.constant 0 : i32
        %dma_start3A_417 = arith.constant 0 : i32
        %dma_start3A_418 = tpu.memref_slice %arg5[%dma_start3A_416, %dma_start3A_417] : memref<10112x128xf32, #tpu.memory_space<vmem_shared>> -> memref<10112x128xf32, #tpu.memory_space<vmem_shared>>
        tpu.enqueue_indirect_dma source(%arg7 : memref<128x128xf32, #tpu.memory_space<vmem>>) target(%dma_start3A_418 : memref<10112x128xf32, #tpu.memory_space<vmem_shared>>) offsets(%dma_start3A_415 : memref<128xi32, #tpu.memory_space<vmem>>) semaphore(%run_scoped3A : memref<!tpu.dma_semaphore, #tpu.memory_space<semaphore_mem>>) {add = true}
        %dma_wait3A_419 = arith.constant 0 : i32
        %dma_wait3A_420 = tpu.memref_slice %arg10[%mul3A_371, %dma_wait3A_419] : memref<40x128xi32, #tpu.memory_space<vmem>> -> memref<1x128xi32, #tpu.memory_space<vmem>>
        %dma_wait3A_421 = tpu.memref_squeeze %dma_wait3A_420 : memref<1x128xi32, #tpu.memory_space<vmem>> -> memref<128xi32, #tpu.memory_space<vmem>>
        %dma_wait3A_422 = arith.constant 0 : i32
        %dma_wait3A_423 = arith.constant 0 : i32
        %dma_wait3A_424 = tpu.memref_slice %arg5[%dma_wait3A_422, %dma_wait3A_423] : memref<10112x128xf32, #tpu.memory_space<vmem_shared>> -> memref<10112x128xf32, #tpu.memory_space<vmem_shared>>
        tpu.wait_indirect_dma semaphore(%run_scoped3A : memref<!tpu.dma_semaphore, #tpu.memory_space<semaphore_mem>>) src(%arg7 : memref<128x128xf32, #tpu.memory_space<vmem>>) dst(%dma_wait3A_424 : memref<10112x128xf32, #tpu.memory_space<vmem_shared>>)
        tpu.yield
      }) : () -> ()
      %add3A_395 = arith.constant 1 : i32
      %add3A_396 = arith.addi %add3A_373, %add3A_395 : i32
      %lt3A_397 = arith.cmpi slt, %add3A_396, %select_n3A : i32
      %convert_element_type3A_398 = arith.extui %lt3A_397 : i1 to i32
      %cond3A_399 = arith.constant 0 : i32
      %cond3A_400 = arith.cmpi ne, %convert_element_type3A_398, %cond3A_399 : i32
      scf.if %cond3A_400 {
        %add3A_413 = arith.constant 1 : i32
        %add3A_414 = arith.addi %add3A_373, %add3A_413 : i32
        %dma_start3A_415 = arith.constant 0 : i32
        %dma_start3A_416 = tpu.memref_slice %arg9[%add3A_414, %dma_start3A_415] : memref<40x128xi32, #tpu.memory_space<vmem>> -> memref<1x128xi32, #tpu.memory_space<vmem>>
        %dma_start3A_417 = tpu.memref_squeeze %dma_start3A_416 : memref<1x128xi32, #tpu.memory_space<vmem>> -> memref<128xi32, #tpu.memory_space<vmem>>
        %dma_start3A_418 = arith.constant 0 : i32
        %dma_start3A_419 = arith.constant 0 : i32
        %dma_start3A_420 = tpu.memref_slice %arg2[%add3A_145, %dma_start3A_418, %dma_start3A_419] : memref<4x10000x128xf32, #tpu.memory_space<hbm>> -> memref<1x10000x128xf32, #tpu.memory_space<hbm>>
        %dma_start3A_421 = tpu.memref_squeeze %dma_start3A_420 : memref<1x10000x128xf32, #tpu.memory_space<hbm>> -> memref<10000x128xf32, #tpu.memory_space<hbm>>
        %dma_start3A_422 = arith.constant 0 : i32
        %dma_start3A_423 = arith.constant 0 : i32
        %dma_start3A_424 = tpu.memref_slice %dma_start3A_421[%dma_start3A_422, %dma_start3A_423] : memref<10000x128xf32, #tpu.memory_space<hbm>> -> memref<10000x128xf32, #tpu.memory_space<hbm>>
        tpu.enqueue_indirect_dma source(%dma_start3A_424 : memref<10000x128xf32, #tpu.memory_space<hbm>>) target(%arg7 : memref<128x128xf32, #tpu.memory_space<vmem>>) offsets(%dma_start3A_417 : memref<128xi32, #tpu.memory_space<vmem>>) semaphore(%arg11 : memref<!tpu.dma_semaphore, #tpu.memory_space<semaphore_mem>>)
      } else {
      }
      %dma_wait3A_401 = arith.constant 0 : i32
      %dma_wait3A_402 = arith.constant 0 : i32
      %dma_wait3A_403 = tpu.memref_slice %arg9[%dma_wait3A_401, %dma_wait3A_402] : memref<40x128xi32, #tpu.memory_space<vmem>> -> memref<1x128xi32, #tpu.memory_space<vmem>>
      %dma_wait3A_404 = tpu.memref_squeeze %dma_wait3A_403 : memref<1x128xi32, #tpu.memory_space<vmem>> -> memref<128xi32, #tpu.memory_space<vmem>>
      %dma_wait3A_405 = arith.constant 0 : i32
      %dma_wait3A_406 = arith.constant 0 : i32
      %dma_wait3A_407 = tpu.memref_slice %arg2[%add3A_145, %dma_wait3A_405, %dma_wait3A_406] : memref<4x10000x128xf32, #tpu.memory_space<hbm>> -> memref<1x10000x128xf32, #tpu.memory_space<hbm>>
      %dma_wait3A_408 = tpu.memref_squeeze %dma_wait3A_407 : memref<1x10000x128xf32, #tpu.memory_space<hbm>> -> memref<10000x128xf32, #tpu.memory_space<hbm>>
      %dma_wait3A_409 = arith.constant 0 : i32
      %dma_wait3A_410 = arith.constant 0 : i32
      %dma_wait3A_411 = tpu.memref_slice %dma_wait3A_408[%dma_wait3A_409, %dma_wait3A_410] : memref<10000x128xf32, #tpu.memory_space<hbm>> -> memref<10000x128xf32, #tpu.memory_space<hbm>>
      tpu.wait_indirect_dma semaphore(%arg12 : memref<!tpu.dma_semaphore, #tpu.memory_space<semaphore_mem>>) src(%dma_wait3A_411 : memref<10000x128xf32, #tpu.memory_space<hbm>>) dst(%arg8 : memref<128x128xf32, #tpu.memory_space<vmem>>)
      "tpu.region"() ({
        %run_scoped3A = tpu.sem_alloc : memref<!tpu.dma_semaphore, #tpu.memory_space<semaphore_mem>>
        %dma_start3A_413 = arith.constant 0 : i32
        %dma_start3A_414 = tpu.memref_slice %arg10[%add3A_373, %dma_start3A_413] : memref<40x128xi32, #tpu.memory_space<vmem>> -> memref<1x128xi32, #tpu.memory_space<vmem>>
        %dma_start3A_415 = tpu.memref_squeeze %dma_start3A_414 : memref<1x128xi32, #tpu.memory_space<vmem>> -> memref<128xi32, #tpu.memory_space<vmem>>
        %dma_start3A_416 = arith.constant 0 : i32
        %dma_start3A_417 = arith.constant 0 : i32
        %dma_start3A_418 = tpu.memref_slice %arg5[%dma_start3A_416, %dma_start3A_417] : memref<10112x128xf32, #tpu.memory_space<vmem_shared>> -> memref<10112x128xf32, #tpu.memory_space<vmem_shared>>
        tpu.enqueue_indirect_dma source(%arg8 : memref<128x128xf32, #tpu.memory_space<vmem>>) target(%dma_start3A_418 : memref<10112x128xf32, #tpu.memory_space<vmem_shared>>) offsets(%dma_start3A_415 : memref<128xi32, #tpu.memory_space<vmem>>) semaphore(%run_scoped3A : memref<!tpu.dma_semaphore, #tpu.memory_space<semaphore_mem>>) {add = true}
        %dma_wait3A_419 = arith.constant 0 : i32
        %dma_wait3A_420 = tpu.memref_slice %arg10[%add3A_373, %dma_wait3A_419] : memref<40x128xi32, #tpu.memory_space<vmem>> -> memref<1x128xi32, #tpu.memory_space<vmem>>
        %dma_wait3A_421 = tpu.memref_squeeze %dma_wait3A_420 : memref<1x128xi32, #tpu.memory_space<vmem>> -> memref<128xi32, #tpu.memory_space<vmem>>
        %dma_wait3A_422 = arith.constant 0 : i32
        %dma_wait3A_423 = arith.constant 0 : i32
        %dma_wait3A_424 = tpu.memref_slice %arg5[%dma_wait3A_422, %dma_wait3A_423] : memref<10112x128xf32, #tpu.memory_space<vmem_shared>> -> memref<10112x128xf32, #tpu.memory_space<vmem_shared>>
        tpu.wait_indirect_dma semaphore(%run_scoped3A : memref<!tpu.dma_semaphore, #tpu.memory_space<semaphore_mem>>) src(%arg8 : memref<128x128xf32, #tpu.memory_space<vmem>>) dst(%dma_wait3A_424 : memref<10112x128xf32, #tpu.memory_space<vmem_shared>>)
        tpu.yield
      }) : () -> ()
      %while3A_412 = arith.constant 0 : i32
      scf.yield %while3A_412 : i32
    }
    %while3A_225 = arith.constant 1 : i32
    %while3A_226 = scf.for %while3A_368 = %while3A_222 to %while3A_218 step %while3A_225 iter_args(%while3A_369 = %while3A_224) -> (i32)  : i32 {
      %mul3A_370 = arith.constant 2 : i32
      %mul3A_371 = arith.muli %mul3A_370, %while3A_368 : i32
      %add3A_372 = arith.constant 1 : i32
      %add3A_373 = arith.addi %mul3A_371, %add3A_372 : i32
      %dma_start3A_374 = arith.constant 0 : i32
      %dma_start3A_375 = tpu.memref_slice %arg9[%add3A_373, %dma_start3A_374] : memref<40x128xi32, #tpu.memory_space<vmem>> -> memref<1x128xi32, #tpu.memory_space<vmem>>
      %dma_start3A_376 = tpu.memref_squeeze %dma_start3A_375 : memref<1x128xi32, #tpu.memory_space<vmem>> -> memref<128xi32, #tpu.memory_space<vmem>>
      %dma_start3A_377 = arith.constant 0 : i32
      %dma_start3A_378 = arith.constant 0 : i32
      %dma_start3A_379 = tpu.memref_slice %arg2[%add3A_145, %dma_start3A_377, %dma_start3A_378] : memref<4x10000x128xf32, #tpu.memory_space<hbm>> -> memref<1x10000x128xf32, #tpu.memory_space<hbm>>
      %dma_start3A_380 = tpu.memref_squeeze %dma_start3A_379 : memref<1x10000x128xf32, #tpu.memory_space<hbm>> -> memref<10000x128xf32, #tpu.memory_space<hbm>>
      %dma_start3A_381 = arith.constant 0 : i32
      %dma_start3A_382 = arith.constant 0 : i32
      %dma_start3A_383 = tpu.memref_slice %dma_start3A_380[%dma_start3A_381, %dma_start3A_382] : memref<10000x128xf32, #tpu.memory_space<hbm>> -> memref<10000x128xf32, #tpu.memory_space<hbm>>
      tpu.enqueue_indirect_dma source(%dma_start3A_383 : memref<10000x128xf32, #tpu.memory_space<hbm>>) target(%arg8 : memref<128x128xf32, #tpu.memory_space<vmem>>) offsets(%dma_start3A_376 : memref<128xi32, #tpu.memory_space<vmem>>) semaphore(%arg12 : memref<!tpu.dma_semaphore, #tpu.memory_space<semaphore_mem>>)
      %dma_wait3A_384 = arith.constant 0 : i32
      %dma_wait3A_385 = arith.constant 0 : i32
      %dma_wait3A_386 = tpu.memref_slice %arg9[%dma_wait3A_384, %dma_wait3A_385] : memref<40x128xi32, #tpu.memory_space<vmem>> -> memref<1x128xi32, #tpu.memory_space<vmem>>
      %dma_wait3A_387 = tpu.memref_squeeze %dma_wait3A_386 : memref<1x128xi32, #tpu.memory_space<vmem>> -> memref<128xi32, #tpu.memory_space<vmem>>
      %dma_wait3A_388 = arith.constant 0 : i32
      %dma_wait3A_389 = arith.constant 0 : i32
      %dma_wait3A_390 = tpu.memref_slice %arg2[%add3A_145, %dma_wait3A_388, %dma_wait3A_389] : memref<4x10000x128xf32, #tpu.memory_space<hbm>> -> memref<1x10000x128xf32, #tpu.memory_space<hbm>>
      %dma_wait3A_391 = tpu.memref_squeeze %dma_wait3A_390 : memref<1x10000x128xf32, #tpu.memory_space<hbm>> -> memref<10000x128xf32, #tpu.memory_space<hbm>>
      %dma_wait3A_392 = arith.constant 0 : i32
      %dma_wait3A_393 = arith.constant 0 : i32
      %dma_wait3A_394 = tpu.memref_slice %dma_wait3A_391[%dma_wait3A_392, %dma_wait3A_393] : memref<10000x128xf32, #tpu.memory_space<hbm>> -> memref<10000x128xf32, #tpu.memory_space<hbm>>
      tpu.wait_indirect_dma semaphore(%arg11 : memref<!tpu.dma_semaphore, #tpu.memory_space<semaphore_mem>>) src(%dma_wait3A_394 : memref<10000x128xf32, #tpu.memory_space<hbm>>) dst(%arg7 : memref<128x128xf32, #tpu.memory_space<vmem>>)
      "tpu.region"() ({
        %run_scoped3A = tpu.sem_alloc : memref<!tpu.dma_semaphore, #tpu.memory_space<semaphore_mem>>
        %dma_start3A_413 = arith.constant 0 : i32
        %dma_start3A_414 = tpu.memref_slice %arg10[%mul3A_371, %dma_start3A_413] : memref<40x128xi32, #tpu.memory_space<vmem>> -> memref<1x128xi32, #tpu.memory_space<vmem>>
        %dma_start3A_415 = tpu.memref_squeeze %dma_start3A_414 : memref<1x128xi32, #tpu.memory_space<vmem>> -> memref<128xi32, #tpu.memory_space<vmem>>
        %dma_start3A_416 = arith.constant 0 : i32
        %dma_start3A_417 = arith.constant 0 : i32
        %dma_start3A_418 = tpu.memref_slice %arg5[%dma_start3A_416, %dma_start3A_417] : memref<10112x128xf32, #tpu.memory_space<vmem_shared>> -> memref<10112x128xf32, #tpu.memory_space<vmem_shared>>
        tpu.enqueue_indirect_dma source(%arg7 : memref<128x128xf32, #tpu.memory_space<vmem>>) target(%dma_start3A_418 : memref<10112x128xf32, #tpu.memory_space<vmem_shared>>) offsets(%dma_start3A_415 : memref<128xi32, #tpu.memory_space<vmem>>) semaphore(%run_scoped3A : memref<!tpu.dma_semaphore, #tpu.memory_space<semaphore_mem>>) {add = true}
        %dma_wait3A_419 = arith.constant 0 : i32
        %dma_wait3A_420 = tpu.memref_slice %arg10[%mul3A_371, %dma_wait3A_419] : memref<40x128xi32, #tpu.memory_space<vmem>> -> memref<1x128xi32, #tpu.memory_space<vmem>>
        %dma_wait3A_421 = tpu.memref_squeeze %dma_wait3A_420 : memref<1x128xi32, #tpu.memory_space<vmem>> -> memref<128xi32, #tpu.memory_space<vmem>>
        %dma_wait3A_422 = arith.constant 0 : i32
        %dma_wait3A_423 = arith.constant 0 : i32
        %dma_wait3A_424 = tpu.memref_slice %arg5[%dma_wait3A_422, %dma_wait3A_423] : memref<10112x128xf32, #tpu.memory_space<vmem_shared>> -> memref<10112x128xf32, #tpu.memory_space<vmem_shared>>
        tpu.wait_indirect_dma semaphore(%run_scoped3A : memref<!tpu.dma_semaphore, #tpu.memory_space<semaphore_mem>>) src(%arg7 : memref<128x128xf32, #tpu.memory_space<vmem>>) dst(%dma_wait3A_424 : memref<10112x128xf32, #tpu.memory_space<vmem_shared>>)
        tpu.yield
      }) : () -> ()
      %add3A_395 = arith.constant 1 : i32
      %add3A_396 = arith.addi %add3A_373, %add3A_395 : i32
      %lt3A_397 = arith.cmpi slt, %add3A_396, %select_n3A : i32
      %convert_element_type3A_398 = arith.extui %lt3A_397 : i1 to i32
      %cond3A_399 = arith.constant 0 : i32
      %cond3A_400 = arith.cmpi ne, %convert_element_type3A_398, %cond3A_399 : i32
      scf.if %cond3A_400 {
        %add3A_413 = arith.constant 1 : i32
        %add3A_414 = arith.addi %add3A_373, %add3A_413 : i32
        %dma_start3A_415 = arith.constant 0 : i32
        %dma_start3A_416 = tpu.memref_slice %arg9[%add3A_414, %dma_start3A_415] : memref<40x128xi32, #tpu.memory_space<vmem>> -> memref<1x128xi32, #tpu.memory_space<vmem>>
        %dma_start3A_417 = tpu.memref_squeeze %dma_start3A_416 : memref<1x128xi32, #tpu.memory_space<vmem>> -> memref<128xi32, #tpu.memory_space<vmem>>
        %dma_start3A_418 = arith.constant 0 : i32
        %dma_start3A_419 = arith.constant 0 : i32
        %dma_start3A_420 = tpu.memref_slice %arg2[%add3A_145, %dma_start3A_418, %dma_start3A_419] : memref<4x10000x128xf32, #tpu.memory_space<hbm>> -> memref<1x10000x128xf32, #tpu.memory_space<hbm>>
        %dma_start3A_421 = tpu.memref_squeeze %dma_start3A_420 : memref<1x10000x128xf32, #tpu.memory_space<hbm>> -> memref<10000x128xf32, #tpu.memory_space<hbm>>
        %dma_start3A_422 = arith.constant 0 : i32
        %dma_start3A_423 = arith.constant 0 : i32
        %dma_start3A_424 = tpu.memref_slice %dma_start3A_421[%dma_start3A_422, %dma_start3A_423] : memref<10000x128xf32, #tpu.memory_space<hbm>> -> memref<10000x128xf32, #tpu.memory_space<hbm>>
        tpu.enqueue_indirect_dma source(%dma_start3A_424 : memref<10000x128xf32, #tpu.memory_space<hbm>>) target(%arg7 : memref<128x128xf32, #tpu.memory_space<vmem>>) offsets(%dma_start3A_417 : memref<128xi32, #tpu.memory_space<vmem>>) semaphore(%arg11 : memref<!tpu.dma_semaphore, #tpu.memory_space<semaphore_mem>>)
      } else {
      }
      %dma_wait3A_401 = arith.constant 0 : i32
      %dma_wait3A_402 = arith.constant 0 : i32
      %dma_wait3A_403 = tpu.memref_slice %arg9[%dma_wait3A_401, %dma_wait3A_402] : memref<40x128xi32, #tpu.memory_space<vmem>> -> memref<1x128xi32, #tpu.memory_space<vmem>>
      %dma_wait3A_404 = tpu.memref_squeeze %dma_wait3A_403 : memref<1x128xi32, #tpu.memory_space<vmem>> -> memref<128xi32, #tpu.memory_space<vmem>>
      %dma_wait3A_405 = arith.constant 0 : i32
      %dma_wait3A_406 = arith.constant 0 : i32
      %dma_wait3A_407 = tpu.memref_slice %arg2[%add3A_145, %dma_wait3A_405, %dma_wait3A_406] : memref<4x10000x128xf32, #tpu.memory_space<hbm>> -> memref<1x10000x128xf32, #tpu.memory_space<hbm>>
      %dma_wait3A_408 = tpu.memref_squeeze %dma_wait3A_407 : memref<1x10000x128xf32, #tpu.memory_space<hbm>> -> memref<10000x128xf32, #tpu.memory_space<hbm>>
      %dma_wait3A_409 = arith.constant 0 : i32
      %dma_wait3A_410 = arith.constant 0 : i32
      %dma_wait3A_411 = tpu.memref_slice %dma_wait3A_408[%dma_wait3A_409, %dma_wait3A_410] : memref<10000x128xf32, #tpu.memory_space<hbm>> -> memref<10000x128xf32, #tpu.memory_space<hbm>>
      tpu.wait_indirect_dma semaphore(%arg12 : memref<!tpu.dma_semaphore, #tpu.memory_space<semaphore_mem>>) src(%dma_wait3A_411 : memref<10000x128xf32, #tpu.memory_space<hbm>>) dst(%arg8 : memref<128x128xf32, #tpu.memory_space<vmem>>)
      "tpu.region"() ({
        %run_scoped3A = tpu.sem_alloc : memref<!tpu.dma_semaphore, #tpu.memory_space<semaphore_mem>>
        %dma_start3A_413 = arith.constant 0 : i32
        %dma_start3A_414 = tpu.memref_slice %arg10[%add3A_373, %dma_start3A_413] : memref<40x128xi32, #tpu.memory_space<vmem>> -> memref<1x128xi32, #tpu.memory_space<vmem>>
        %dma_start3A_415 = tpu.memref_squeeze %dma_start3A_414 : memref<1x128xi32, #tpu.memory_space<vmem>> -> memref<128xi32, #tpu.memory_space<vmem>>
        %dma_start3A_416 = arith.constant 0 : i32
        %dma_start3A_417 = arith.constant 0 : i32
        %dma_start3A_418 = tpu.memref_slice %arg5[%dma_start3A_416, %dma_start3A_417] : memref<10112x128xf32, #tpu.memory_space<vmem_shared>> -> memref<10112x128xf32, #tpu.memory_space<vmem_shared>>
        tpu.enqueue_indirect_dma source(%arg8 : memref<128x128xf32, #tpu.memory_space<vmem>>) target(%dma_start3A_418 : memref<10112x128xf32, #tpu.memory_space<vmem_shared>>) offsets(%dma_start3A_415 : memref<128xi32, #tpu.memory_space<vmem>>) semaphore(%run_scoped3A : memref<!tpu.dma_semaphore, #tpu.memory_space<semaphore_mem>>) {add = true}
        %dma_wait3A_419 = arith.constant 0 : i32
        %dma_wait3A_420 = tpu.memref_slice %arg10[%add3A_373, %dma_wait3A_419] : memref<40x128xi32, #tpu.memory_space<vmem>> -> memref<1x128xi32, #tpu.memory_space<vmem>>
        %dma_wait3A_421 = tpu.memref_squeeze %dma_wait3A_420 : memref<1x128xi32, #tpu.memory_space<vmem>> -> memref<128xi32, #tpu.memory_space<vmem>>
        %dma_wait3A_422 = arith.constant 0 : i32
        %dma_wait3A_423 = arith.constant 0 : i32
        %dma_wait3A_424 = tpu.memref_slice %arg5[%dma_wait3A_422, %dma_wait3A_423] : memref<10112x128xf32, #tpu.memory_space<vmem_shared>> -> memref<10112x128xf32, #tpu.memory_space<vmem_shared>>
        tpu.wait_indirect_dma semaphore(%run_scoped3A : memref<!tpu.dma_semaphore, #tpu.memory_space<semaphore_mem>>) src(%arg8 : memref<128x128xf32, #tpu.memory_space<vmem>>) dst(%dma_wait3A_424 : memref<10112x128xf32, #tpu.memory_space<vmem_shared>>)
        tpu.yield
      }) : () -> ()
      %while3A_412 = arith.constant 0 : i32
      scf.yield %while3A_412 : i32
    }
    %barrier3A_227 = arith.constant 0 : index
    tpu.barrier barrier_id(%barrier3A_227)
    %mul3A_228 = arith.constant 632 : i32
    %mul3A_229 = arith.muli %arg1, %mul3A_228 : i32
    "tpu.region"() ({
      %run_scoped3A = tpu.sem_alloc : memref<!tpu.dma_semaphore, #tpu.memory_space<semaphore_mem>>
      %dma_start3A_368 = arith.constant 0 : i32
      %dma_start3A_369 = arith.constant 0 : i32
      %dma_start3A_370 = tpu.memref_slice %arg4[%add3A_145, %dma_start3A_368, %dma_start3A_369] : memref<4x10112x128xf32, #tpu.memory_space<hbm>> -> memref<1x10112x128xf32, #tpu.memory_space<hbm>>
      %dma_start3A_371 = tpu.memref_squeeze %dma_start3A_370 : memref<1x10112x128xf32, #tpu.memory_space<hbm>> -> memref<10112x128xf32, #tpu.memory_space<hbm>>
      %dma_start3A_372 = arith.constant 0 : i32
      %dma_start3A_373 = tpu.memref_slice %dma_start3A_371[%mul3A_229, %dma_start3A_372] : memref<10112x128xf32, #tpu.memory_space<hbm>> -> memref<632x128xf32, #tpu.memory_space<hbm>>
      %dma_start3A_374 = arith.constant 0 : i32
      %dma_start3A_375 = tpu.memref_slice %arg5[%mul3A_229, %dma_start3A_374] : memref<10112x128xf32, #tpu.memory_space<vmem_shared>> -> memref<632x128xf32, #tpu.memory_space<vmem_shared>>
      tpu.enqueue_dma source(%dma_start3A_375 : memref<632x128xf32, #tpu.memory_space<vmem_shared>>) target(%dma_start3A_373 : memref<632x128xf32, #tpu.memory_space<hbm>>) target_semaphore(%run_scoped3A : memref<!tpu.dma_semaphore, #tpu.memory_space<semaphore_mem>>)
      %dma_wait3A_376 = arith.constant 0 : i32
      %dma_wait3A_377 = arith.constant 0 : i32
      %dma_wait3A_378 = tpu.memref_slice %arg4[%add3A_145, %dma_wait3A_376, %dma_wait3A_377] : memref<4x10112x128xf32, #tpu.memory_space<hbm>> -> memref<1x10112x128xf32, #tpu.memory_space<hbm>>
      %dma_wait3A_379 = tpu.memref_squeeze %dma_wait3A_378 : memref<1x10112x128xf32, #tpu.memory_space<hbm>> -> memref<10112x128xf32, #tpu.memory_space<hbm>>
      %dma_wait3A_380 = arith.constant 0 : i32
      %dma_wait3A_381 = tpu.memref_slice %dma_wait3A_379[%mul3A_229, %dma_wait3A_380] : memref<10112x128xf32, #tpu.memory_space<hbm>> -> memref<632x128xf32, #tpu.memory_space<hbm>>
      %dma_wait3A_382 = arith.constant 0 : i32
      %dma_wait3A_383 = tpu.memref_slice %arg5[%mul3A_229, %dma_wait3A_382] : memref<10112x128xf32, #tpu.memory_space<vmem_shared>> -> memref<632x128xf32, #tpu.memory_space<vmem_shared>>
      tpu.wait_dma2 semaphore(%run_scoped3A : memref<!tpu.dma_semaphore, #tpu.memory_space<semaphore_mem>>) src(%dma_wait3A_383 : memref<632x128xf32, #tpu.memory_space<vmem_shared>>) dst(%dma_wait3A_381 : memref<632x128xf32, #tpu.memory_space<hbm>>)
      tpu.yield
    }) : () -> ()
    %barrier3A_230 = arith.constant 0 : index
    tpu.barrier barrier_id(%barrier3A_230)
    %mul3A_231 = arith.constant 2 : i32
    %mul3A_232 = arith.muli %arg0, %mul3A_231 : i32
    %add3A_233 = arith.constant 1 : i32
    %add3A_234 = arith.addi %mul3A_232, %add3A_233 : i32
    %eq3A_235 = arith.constant 15 : i32
    %eq3A_236 = arith.cmpi eq, %arg1, %eq3A_235 : i32
    %jit3A_237 = arith.constant 10 : i32
    %jit3A_238 = arith.constant 40 : i32
    %select_n3A_239 = arith.select %eq3A_236, %jit3A_237, %jit3A_238 : i32
    %dma_start3A_240 = arith.constant 0 : i32
    %dma_start3A_241 = arith.constant 0 : i32
    %dma_start3A_242 = tpu.memref_slice %arg9[%dma_start3A_240, %dma_start3A_241] : memref<40x128xi32, #tpu.memory_space<vmem>> -> memref<1x128xi32, #tpu.memory_space<vmem>>
    %dma_start3A_243 = tpu.memref_squeeze %dma_start3A_242 : memref<1x128xi32, #tpu.memory_space<vmem>> -> memref<128xi32, #tpu.memory_space<vmem>>
    %dma_start3A_244 = arith.constant 0 : i32
    %dma_start3A_245 = arith.constant 0 : i32
    %dma_start3A_246 = tpu.memref_slice %arg2[%add3A_234, %dma_start3A_244, %dma_start3A_245] : memref<4x10000x128xf32, #tpu.memory_space<hbm>> -> memref<1x10000x128xf32, #tpu.memory_space<hbm>>
    %dma_start3A_247 = tpu.memref_squeeze %dma_start3A_246 : memref<1x10000x128xf32, #tpu.memory_space<hbm>> -> memref<10000x128xf32, #tpu.memory_space<hbm>>
    %dma_start3A_248 = arith.constant 0 : i32
    %dma_start3A_249 = arith.constant 0 : i32
    %dma_start3A_250 = tpu.memref_slice %dma_start3A_247[%dma_start3A_248, %dma_start3A_249] : memref<10000x128xf32, #tpu.memory_space<hbm>> -> memref<10000x128xf32, #tpu.memory_space<hbm>>
    tpu.enqueue_indirect_dma source(%dma_start3A_250 : memref<10000x128xf32, #tpu.memory_space<hbm>>) target(%arg7 : memref<128x128xf32, #tpu.memory_space<vmem>>) offsets(%dma_start3A_243 : memref<128xi32, #tpu.memory_space<vmem>>) semaphore(%arg11 : memref<!tpu.dma_semaphore, #tpu.memory_space<semaphore_mem>>)
    %jit3A_251 = arith.constant 2 : i32
    %div3A_252 = arith.divsi %select_n3A_239, %jit3A_251 : i32
    %sign3A_253 = arith.constant 0 : i32
    %sign3A_254 = arith.cmpi sgt, %select_n3A_239, %sign3A_253 : i32
    %sign3A_255 = arith.extui %sign3A_254 : i1 to i32
    %sign3A_256 = arith.constant 0 : i32
    %sign3A_257 = arith.cmpi slt, %select_n3A_239, %sign3A_256 : i32
    %sign3A_258 = arith.extui %sign3A_257 : i1 to i32
    %sign3A_259 = arith.subi %sign3A_255, %sign3A_258 : i32
    %sign3A_260 = arith.constant 0 : i32
    %sign3A_261 = arith.cmpi sgt, %jit3A_251, %sign3A_260 : i32
    %sign3A_262 = arith.extui %sign3A_261 : i1 to i32
    %sign3A_263 = arith.constant 0 : i32
    %sign3A_264 = arith.cmpi slt, %jit3A_251, %sign3A_263 : i32
    %sign3A_265 = arith.extui %sign3A_264 : i1 to i32
    %sign3A_266 = arith.subi %sign3A_262, %sign3A_265 : i32
    %ne3A_267 = arith.cmpi ne, %sign3A_259, %sign3A_266 : i32
    %rem3A_268 = arith.remsi %select_n3A_239, %jit3A_251 : i32
    %ne3A_269 = arith.constant 0 : i32
    %ne3A_270 = arith.cmpi ne, %rem3A_268, %ne3A_269 : i32
    %and3A_271 = arith.andi %ne3A_267, %ne3A_270 : i1
    %sub3A_272 = arith.constant 1 : i32
    %sub3A_273 = arith.subi %div3A_252, %sub3A_272 : i32
    %select_n3A_274 = arith.select %and3A_271, %sub3A_273, %div3A_252 : i32
    %while3A_275 = arith.constant 0 : i32
    %while3A_276 = arith.constant 0 : i32
    %while3A_277 = arith.subi %select_n3A_274, %while3A_275 : i32
    %while3A_278 = arith.addi %while3A_275, %while3A_277 : i32
    %while3A_279 = arith.constant 1 : i32
    %while3A_280 = arith.divsi %while3A_277, %while3A_279 : i32
    %while3A_281 = arith.muli %while3A_280, %while3A_279 : i32
    %while3A_282 = arith.addi %while3A_275, %while3A_281 : i32
    %while3A_283 = arith.constant 1 : i32
    %while3A_284 = scf.for %while3A_368 = %while3A_275 to %while3A_282 step %while3A_283 iter_args(%while3A_369 = %while3A_276) -> (i32)  : i32 {
      %mul3A_370 = arith.constant 2 : i32
      %mul3A_371 = arith.muli %mul3A_370, %while3A_368 : i32
      %add3A_372 = arith.constant 1 : i32
      %add3A_373 = arith.addi %mul3A_371, %add3A_372 : i32
      %dma_start3A_374 = arith.constant 0 : i32
      %dma_start3A_375 = tpu.memref_slice %arg9[%add3A_373, %dma_start3A_374] : memref<40x128xi32, #tpu.memory_space<vmem>> -> memref<1x128xi32, #tpu.memory_space<vmem>>
      %dma_start3A_376 = tpu.memref_squeeze %dma_start3A_375 : memref<1x128xi32, #tpu.memory_space<vmem>> -> memref<128xi32, #tpu.memory_space<vmem>>
      %dma_start3A_377 = arith.constant 0 : i32
      %dma_start3A_378 = arith.constant 0 : i32
      %dma_start3A_379 = tpu.memref_slice %arg2[%add3A_234, %dma_start3A_377, %dma_start3A_378] : memref<4x10000x128xf32, #tpu.memory_space<hbm>> -> memref<1x10000x128xf32, #tpu.memory_space<hbm>>
      %dma_start3A_380 = tpu.memref_squeeze %dma_start3A_379 : memref<1x10000x128xf32, #tpu.memory_space<hbm>> -> memref<10000x128xf32, #tpu.memory_space<hbm>>
      %dma_start3A_381 = arith.constant 0 : i32
      %dma_start3A_382 = arith.constant 0 : i32
      %dma_start3A_383 = tpu.memref_slice %dma_start3A_380[%dma_start3A_381, %dma_start3A_382] : memref<10000x128xf32, #tpu.memory_space<hbm>> -> memref<10000x128xf32, #tpu.memory_space<hbm>>
      tpu.enqueue_indirect_dma source(%dma_start3A_383 : memref<10000x128xf32, #tpu.memory_space<hbm>>) target(%arg8 : memref<128x128xf32, #tpu.memory_space<vmem>>) offsets(%dma_start3A_376 : memref<128xi32, #tpu.memory_space<vmem>>) semaphore(%arg12 : memref<!tpu.dma_semaphore, #tpu.memory_space<semaphore_mem>>)
      %dma_wait3A_384 = arith.constant 0 : i32
      %dma_wait3A_385 = arith.constant 0 : i32
      %dma_wait3A_386 = tpu.memref_slice %arg9[%dma_wait3A_384, %dma_wait3A_385] : memref<40x128xi32, #tpu.memory_space<vmem>> -> memref<1x128xi32, #tpu.memory_space<vmem>>
      %dma_wait3A_387 = tpu.memref_squeeze %dma_wait3A_386 : memref<1x128xi32, #tpu.memory_space<vmem>> -> memref<128xi32, #tpu.memory_space<vmem>>
      %dma_wait3A_388 = arith.constant 0 : i32
      %dma_wait3A_389 = arith.constant 0 : i32
      %dma_wait3A_390 = tpu.memref_slice %arg2[%add3A_234, %dma_wait3A_388, %dma_wait3A_389] : memref<4x10000x128xf32, #tpu.memory_space<hbm>> -> memref<1x10000x128xf32, #tpu.memory_space<hbm>>
      %dma_wait3A_391 = tpu.memref_squeeze %dma_wait3A_390 : memref<1x10000x128xf32, #tpu.memory_space<hbm>> -> memref<10000x128xf32, #tpu.memory_space<hbm>>
      %dma_wait3A_392 = arith.constant 0 : i32
      %dma_wait3A_393 = arith.constant 0 : i32
      %dma_wait3A_394 = tpu.memref_slice %dma_wait3A_391[%dma_wait3A_392, %dma_wait3A_393] : memref<10000x128xf32, #tpu.memory_space<hbm>> -> memref<10000x128xf32, #tpu.memory_space<hbm>>
      tpu.wait_indirect_dma semaphore(%arg11 : memref<!tpu.dma_semaphore, #tpu.memory_space<semaphore_mem>>) src(%dma_wait3A_394 : memref<10000x128xf32, #tpu.memory_space<hbm>>) dst(%arg7 : memref<128x128xf32, #tpu.memory_space<vmem>>)
      "tpu.region"() ({
        %run_scoped3A = tpu.sem_alloc : memref<!tpu.dma_semaphore, #tpu.memory_space<semaphore_mem>>
        %dma_start3A_413 = arith.constant 0 : i32
        %dma_start3A_414 = tpu.memref_slice %arg10[%mul3A_371, %dma_start3A_413] : memref<40x128xi32, #tpu.memory_space<vmem>> -> memref<1x128xi32, #tpu.memory_space<vmem>>
        %dma_start3A_415 = tpu.memref_squeeze %dma_start3A_414 : memref<1x128xi32, #tpu.memory_space<vmem>> -> memref<128xi32, #tpu.memory_space<vmem>>
        %dma_start3A_416 = arith.constant 0 : i32
        %dma_start3A_417 = arith.constant 0 : i32
        %dma_start3A_418 = tpu.memref_slice %arg5[%dma_start3A_416, %dma_start3A_417] : memref<10112x128xf32, #tpu.memory_space<vmem_shared>> -> memref<10112x128xf32, #tpu.memory_space<vmem_shared>>
        tpu.enqueue_indirect_dma source(%arg7 : memref<128x128xf32, #tpu.memory_space<vmem>>) target(%dma_start3A_418 : memref<10112x128xf32, #tpu.memory_space<vmem_shared>>) offsets(%dma_start3A_415 : memref<128xi32, #tpu.memory_space<vmem>>) semaphore(%run_scoped3A : memref<!tpu.dma_semaphore, #tpu.memory_space<semaphore_mem>>) {add = true}
        %dma_wait3A_419 = arith.constant 0 : i32
        %dma_wait3A_420 = tpu.memref_slice %arg10[%mul3A_371, %dma_wait3A_419] : memref<40x128xi32, #tpu.memory_space<vmem>> -> memref<1x128xi32, #tpu.memory_space<vmem>>
        %dma_wait3A_421 = tpu.memref_squeeze %dma_wait3A_420 : memref<1x128xi32, #tpu.memory_space<vmem>> -> memref<128xi32, #tpu.memory_space<vmem>>
        %dma_wait3A_422 = arith.constant 0 : i32
        %dma_wait3A_423 = arith.constant 0 : i32
        %dma_wait3A_424 = tpu.memref_slice %arg5[%dma_wait3A_422, %dma_wait3A_423] : memref<10112x128xf32, #tpu.memory_space<vmem_shared>> -> memref<10112x128xf32, #tpu.memory_space<vmem_shared>>
        tpu.wait_indirect_dma semaphore(%run_scoped3A : memref<!tpu.dma_semaphore, #tpu.memory_space<semaphore_mem>>) src(%arg7 : memref<128x128xf32, #tpu.memory_space<vmem>>) dst(%dma_wait3A_424 : memref<10112x128xf32, #tpu.memory_space<vmem_shared>>)
        tpu.yield
      }) : () -> ()
      %add3A_395 = arith.constant 1 : i32
      %add3A_396 = arith.addi %add3A_373, %add3A_395 : i32
      %lt3A_397 = arith.cmpi slt, %add3A_396, %select_n3A_239 : i32
      %convert_element_type3A_398 = arith.extui %lt3A_397 : i1 to i32
      %cond3A_399 = arith.constant 0 : i32
      %cond3A_400 = arith.cmpi ne, %convert_element_type3A_398, %cond3A_399 : i32
      scf.if %cond3A_400 {
        %add3A_413 = arith.constant 1 : i32
        %add3A_414 = arith.addi %add3A_373, %add3A_413 : i32
        %dma_start3A_415 = arith.constant 0 : i32
        %dma_start3A_416 = tpu.memref_slice %arg9[%add3A_414, %dma_start3A_415] : memref<40x128xi32, #tpu.memory_space<vmem>> -> memref<1x128xi32, #tpu.memory_space<vmem>>
        %dma_start3A_417 = tpu.memref_squeeze %dma_start3A_416 : memref<1x128xi32, #tpu.memory_space<vmem>> -> memref<128xi32, #tpu.memory_space<vmem>>
        %dma_start3A_418 = arith.constant 0 : i32
        %dma_start3A_419 = arith.constant 0 : i32
        %dma_start3A_420 = tpu.memref_slice %arg2[%add3A_234, %dma_start3A_418, %dma_start3A_419] : memref<4x10000x128xf32, #tpu.memory_space<hbm>> -> memref<1x10000x128xf32, #tpu.memory_space<hbm>>
        %dma_start3A_421 = tpu.memref_squeeze %dma_start3A_420 : memref<1x10000x128xf32, #tpu.memory_space<hbm>> -> memref<10000x128xf32, #tpu.memory_space<hbm>>
        %dma_start3A_422 = arith.constant 0 : i32
        %dma_start3A_423 = arith.constant 0 : i32
        %dma_start3A_424 = tpu.memref_slice %dma_start3A_421[%dma_start3A_422, %dma_start3A_423] : memref<10000x128xf32, #tpu.memory_space<hbm>> -> memref<10000x128xf32, #tpu.memory_space<hbm>>
        tpu.enqueue_indirect_dma source(%dma_start3A_424 : memref<10000x128xf32, #tpu.memory_space<hbm>>) target(%arg7 : memref<128x128xf32, #tpu.memory_space<vmem>>) offsets(%dma_start3A_417 : memref<128xi32, #tpu.memory_space<vmem>>) semaphore(%arg11 : memref<!tpu.dma_semaphore, #tpu.memory_space<semaphore_mem>>)
      } else {
      }
      %dma_wait3A_401 = arith.constant 0 : i32
      %dma_wait3A_402 = arith.constant 0 : i32
      %dma_wait3A_403 = tpu.memref_slice %arg9[%dma_wait3A_401, %dma_wait3A_402] : memref<40x128xi32, #tpu.memory_space<vmem>> -> memref<1x128xi32, #tpu.memory_space<vmem>>
      %dma_wait3A_404 = tpu.memref_squeeze %dma_wait3A_403 : memref<1x128xi32, #tpu.memory_space<vmem>> -> memref<128xi32, #tpu.memory_space<vmem>>
      %dma_wait3A_405 = arith.constant 0 : i32
      %dma_wait3A_406 = arith.constant 0 : i32
      %dma_wait3A_407 = tpu.memref_slice %arg2[%add3A_234, %dma_wait3A_405, %dma_wait3A_406] : memref<4x10000x128xf32, #tpu.memory_space<hbm>> -> memref<1x10000x128xf32, #tpu.memory_space<hbm>>
      %dma_wait3A_408 = tpu.memref_squeeze %dma_wait3A_407 : memref<1x10000x128xf32, #tpu.memory_space<hbm>> -> memref<10000x128xf32, #tpu.memory_space<hbm>>
      %dma_wait3A_409 = arith.constant 0 : i32
      %dma_wait3A_410 = arith.constant 0 : i32
      %dma_wait3A_411 = tpu.memref_slice %dma_wait3A_408[%dma_wait3A_409, %dma_wait3A_410] : memref<10000x128xf32, #tpu.memory_space<hbm>> -> memref<10000x128xf32, #tpu.memory_space<hbm>>
      tpu.wait_indirect_dma semaphore(%arg12 : memref<!tpu.dma_semaphore, #tpu.memory_space<semaphore_mem>>) src(%dma_wait3A_411 : memref<10000x128xf32, #tpu.memory_space<hbm>>) dst(%arg8 : memref<128x128xf32, #tpu.memory_space<vmem>>)
      "tpu.region"() ({
        %run_scoped3A = tpu.sem_alloc : memref<!tpu.dma_semaphore, #tpu.memory_space<semaphore_mem>>
        %dma_start3A_413 = arith.constant 0 : i32
        %dma_start3A_414 = tpu.memref_slice %arg10[%add3A_373, %dma_start3A_413] : memref<40x128xi32, #tpu.memory_space<vmem>> -> memref<1x128xi32, #tpu.memory_space<vmem>>
        %dma_start3A_415 = tpu.memref_squeeze %dma_start3A_414 : memref<1x128xi32, #tpu.memory_space<vmem>> -> memref<128xi32, #tpu.memory_space<vmem>>
        %dma_start3A_416 = arith.constant 0 : i32
        %dma_start3A_417 = arith.constant 0 : i32
        %dma_start3A_418 = tpu.memref_slice %arg5[%dma_start3A_416, %dma_start3A_417] : memref<10112x128xf32, #tpu.memory_space<vmem_shared>> -> memref<10112x128xf32, #tpu.memory_space<vmem_shared>>
        tpu.enqueue_indirect_dma source(%arg8 : memref<128x128xf32, #tpu.memory_space<vmem>>) target(%dma_start3A_418 : memref<10112x128xf32, #tpu.memory_space<vmem_shared>>) offsets(%dma_start3A_415 : memref<128xi32, #tpu.memory_space<vmem>>) semaphore(%run_scoped3A : memref<!tpu.dma_semaphore, #tpu.memory_space<semaphore_mem>>) {add = true}
        %dma_wait3A_419 = arith.constant 0 : i32
        %dma_wait3A_420 = tpu.memref_slice %arg10[%add3A_373, %dma_wait3A_419] : memref<40x128xi32, #tpu.memory_space<vmem>> -> memref<1x128xi32, #tpu.memory_space<vmem>>
        %dma_wait3A_421 = tpu.memref_squeeze %dma_wait3A_420 : memref<1x128xi32, #tpu.memory_space<vmem>> -> memref<128xi32, #tpu.memory_space<vmem>>
        %dma_wait3A_422 = arith.constant 0 : i32
        %dma_wait3A_423 = arith.constant 0 : i32
        %dma_wait3A_424 = tpu.memref_slice %arg5[%dma_wait3A_422, %dma_wait3A_423] : memref<10112x128xf32, #tpu.memory_space<vmem_shared>> -> memref<10112x128xf32, #tpu.memory_space<vmem_shared>>
        tpu.wait_indirect_dma semaphore(%run_scoped3A : memref<!tpu.dma_semaphore, #tpu.memory_space<semaphore_mem>>) src(%arg8 : memref<128x128xf32, #tpu.memory_space<vmem>>) dst(%dma_wait3A_424 : memref<10112x128xf32, #tpu.memory_space<vmem_shared>>)
        tpu.yield
      }) : () -> ()
      %while3A_412 = arith.constant 0 : i32
      scf.yield %while3A_412 : i32
    }
    %while3A_285 = arith.constant 1 : i32
    %while3A_286 = scf.for %while3A_368 = %while3A_282 to %while3A_278 step %while3A_285 iter_args(%while3A_369 = %while3A_284) -> (i32)  : i32 {
      %mul3A_370 = arith.constant 2 : i32
      %mul3A_371 = arith.muli %mul3A_370, %while3A_368 : i32
      %add3A_372 = arith.constant 1 : i32
      %add3A_373 = arith.addi %mul3A_371, %add3A_372 : i32
      %dma_start3A_374 = arith.constant 0 : i32
      %dma_start3A_375 = tpu.memref_slice %arg9[%add3A_373, %dma_start3A_374] : memref<40x128xi32, #tpu.memory_space<vmem>> -> memref<1x128xi32, #tpu.memory_space<vmem>>
      %dma_start3A_376 = tpu.memref_squeeze %dma_start3A_375 : memref<1x128xi32, #tpu.memory_space<vmem>> -> memref<128xi32, #tpu.memory_space<vmem>>
      %dma_start3A_377 = arith.constant 0 : i32
      %dma_start3A_378 = arith.constant 0 : i32
      %dma_start3A_379 = tpu.memref_slice %arg2[%add3A_234, %dma_start3A_377, %dma_start3A_378] : memref<4x10000x128xf32, #tpu.memory_space<hbm>> -> memref<1x10000x128xf32, #tpu.memory_space<hbm>>
      %dma_start3A_380 = tpu.memref_squeeze %dma_start3A_379 : memref<1x10000x128xf32, #tpu.memory_space<hbm>> -> memref<10000x128xf32, #tpu.memory_space<hbm>>
      %dma_start3A_381 = arith.constant 0 : i32
      %dma_start3A_382 = arith.constant 0 : i32
      %dma_start3A_383 = tpu.memref_slice %dma_start3A_380[%dma_start3A_381, %dma_start3A_382] : memref<10000x128xf32, #tpu.memory_space<hbm>> -> memref<10000x128xf32, #tpu.memory_space<hbm>>
      tpu.enqueue_indirect_dma source(%dma_start3A_383 : memref<10000x128xf32, #tpu.memory_space<hbm>>) target(%arg8 : memref<128x128xf32, #tpu.memory_space<vmem>>) offsets(%dma_start3A_376 : memref<128xi32, #tpu.memory_space<vmem>>) semaphore(%arg12 : memref<!tpu.dma_semaphore, #tpu.memory_space<semaphore_mem>>)
      %dma_wait3A_384 = arith.constant 0 : i32
      %dma_wait3A_385 = arith.constant 0 : i32
      %dma_wait3A_386 = tpu.memref_slice %arg9[%dma_wait3A_384, %dma_wait3A_385] : memref<40x128xi32, #tpu.memory_space<vmem>> -> memref<1x128xi32, #tpu.memory_space<vmem>>
      %dma_wait3A_387 = tpu.memref_squeeze %dma_wait3A_386 : memref<1x128xi32, #tpu.memory_space<vmem>> -> memref<128xi32, #tpu.memory_space<vmem>>
      %dma_wait3A_388 = arith.constant 0 : i32
      %dma_wait3A_389 = arith.constant 0 : i32
      %dma_wait3A_390 = tpu.memref_slice %arg2[%add3A_234, %dma_wait3A_388, %dma_wait3A_389] : memref<4x10000x128xf32, #tpu.memory_space<hbm>> -> memref<1x10000x128xf32, #tpu.memory_space<hbm>>
      %dma_wait3A_391 = tpu.memref_squeeze %dma_wait3A_390 : memref<1x10000x128xf32, #tpu.memory_space<hbm>> -> memref<10000x128xf32, #tpu.memory_space<hbm>>
      %dma_wait3A_392 = arith.constant 0 : i32
      %dma_wait3A_393 = arith.constant 0 : i32
      %dma_wait3A_394 = tpu.memref_slice %dma_wait3A_391[%dma_wait3A_392, %dma_wait3A_393] : memref<10000x128xf32, #tpu.memory_space<hbm>> -> memref<10000x128xf32, #tpu.memory_space<hbm>>
      tpu.wait_indirect_dma semaphore(%arg11 : memref<!tpu.dma_semaphore, #tpu.memory_space<semaphore_mem>>) src(%dma_wait3A_394 : memref<10000x128xf32, #tpu.memory_space<hbm>>) dst(%arg7 : memref<128x128xf32, #tpu.memory_space<vmem>>)
      "tpu.region"() ({
        %run_scoped3A = tpu.sem_alloc : memref<!tpu.dma_semaphore, #tpu.memory_space<semaphore_mem>>
        %dma_start3A_413 = arith.constant 0 : i32
        %dma_start3A_414 = tpu.memref_slice %arg10[%mul3A_371, %dma_start3A_413] : memref<40x128xi32, #tpu.memory_space<vmem>> -> memref<1x128xi32, #tpu.memory_space<vmem>>
        %dma_start3A_415 = tpu.memref_squeeze %dma_start3A_414 : memref<1x128xi32, #tpu.memory_space<vmem>> -> memref<128xi32, #tpu.memory_space<vmem>>
        %dma_start3A_416 = arith.constant 0 : i32
        %dma_start3A_417 = arith.constant 0 : i32
        %dma_start3A_418 = tpu.memref_slice %arg5[%dma_start3A_416, %dma_start3A_417] : memref<10112x128xf32, #tpu.memory_space<vmem_shared>> -> memref<10112x128xf32, #tpu.memory_space<vmem_shared>>
        tpu.enqueue_indirect_dma source(%arg7 : memref<128x128xf32, #tpu.memory_space<vmem>>) target(%dma_start3A_418 : memref<10112x128xf32, #tpu.memory_space<vmem_shared>>) offsets(%dma_start3A_415 : memref<128xi32, #tpu.memory_space<vmem>>) semaphore(%run_scoped3A : memref<!tpu.dma_semaphore, #tpu.memory_space<semaphore_mem>>) {add = true}
        %dma_wait3A_419 = arith.constant 0 : i32
        %dma_wait3A_420 = tpu.memref_slice %arg10[%mul3A_371, %dma_wait3A_419] : memref<40x128xi32, #tpu.memory_space<vmem>> -> memref<1x128xi32, #tpu.memory_space<vmem>>
        %dma_wait3A_421 = tpu.memref_squeeze %dma_wait3A_420 : memref<1x128xi32, #tpu.memory_space<vmem>> -> memref<128xi32, #tpu.memory_space<vmem>>
        %dma_wait3A_422 = arith.constant 0 : i32
        %dma_wait3A_423 = arith.constant 0 : i32
        %dma_wait3A_424 = tpu.memref_slice %arg5[%dma_wait3A_422, %dma_wait3A_423] : memref<10112x128xf32, #tpu.memory_space<vmem_shared>> -> memref<10112x128xf32, #tpu.memory_space<vmem_shared>>
        tpu.wait_indirect_dma semaphore(%run_scoped3A : memref<!tpu.dma_semaphore, #tpu.memory_space<semaphore_mem>>) src(%arg7 : memref<128x128xf32, #tpu.memory_space<vmem>>) dst(%dma_wait3A_424 : memref<10112x128xf32, #tpu.memory_space<vmem_shared>>)
        tpu.yield
      }) : () -> ()
      %add3A_395 = arith.constant 1 : i32
      %add3A_396 = arith.addi %add3A_373, %add3A_395 : i32
      %lt3A_397 = arith.cmpi slt, %add3A_396, %select_n3A_239 : i32
      %convert_element_type3A_398 = arith.extui %lt3A_397 : i1 to i32
      %cond3A_399 = arith.constant 0 : i32
      %cond3A_400 = arith.cmpi ne, %convert_element_type3A_398, %cond3A_399 : i32
      scf.if %cond3A_400 {
        %add3A_413 = arith.constant 1 : i32
        %add3A_414 = arith.addi %add3A_373, %add3A_413 : i32
        %dma_start3A_415 = arith.constant 0 : i32
        %dma_start3A_416 = tpu.memref_slice %arg9[%add3A_414, %dma_start3A_415] : memref<40x128xi32, #tpu.memory_space<vmem>> -> memref<1x128xi32, #tpu.memory_space<vmem>>
        %dma_start3A_417 = tpu.memref_squeeze %dma_start3A_416 : memref<1x128xi32, #tpu.memory_space<vmem>> -> memref<128xi32, #tpu.memory_space<vmem>>
        %dma_start3A_418 = arith.constant 0 : i32
        %dma_start3A_419 = arith.constant 0 : i32
        %dma_start3A_420 = tpu.memref_slice %arg2[%add3A_234, %dma_start3A_418, %dma_start3A_419] : memref<4x10000x128xf32, #tpu.memory_space<hbm>> -> memref<1x10000x128xf32, #tpu.memory_space<hbm>>
        %dma_start3A_421 = tpu.memref_squeeze %dma_start3A_420 : memref<1x10000x128xf32, #tpu.memory_space<hbm>> -> memref<10000x128xf32, #tpu.memory_space<hbm>>
        %dma_start3A_422 = arith.constant 0 : i32
        %dma_start3A_423 = arith.constant 0 : i32
        %dma_start3A_424 = tpu.memref_slice %dma_start3A_421[%dma_start3A_422, %dma_start3A_423] : memref<10000x128xf32, #tpu.memory_space<hbm>> -> memref<10000x128xf32, #tpu.memory_space<hbm>>
        tpu.enqueue_indirect_dma source(%dma_start3A_424 : memref<10000x128xf32, #tpu.memory_space<hbm>>) target(%arg7 : memref<128x128xf32, #tpu.memory_space<vmem>>) offsets(%dma_start3A_417 : memref<128xi32, #tpu.memory_space<vmem>>) semaphore(%arg11 : memref<!tpu.dma_semaphore, #tpu.memory_space<semaphore_mem>>)
      } else {
      }
      %dma_wait3A_401 = arith.constant 0 : i32
      %dma_wait3A_402 = arith.constant 0 : i32
      %dma_wait3A_403 = tpu.memref_slice %arg9[%dma_wait3A_401, %dma_wait3A_402] : memref<40x128xi32, #tpu.memory_space<vmem>> -> memref<1x128xi32, #tpu.memory_space<vmem>>
      %dma_wait3A_404 = tpu.memref_squeeze %dma_wait3A_403 : memref<1x128xi32, #tpu.memory_space<vmem>> -> memref<128xi32, #tpu.memory_space<vmem>>
      %dma_wait3A_405 = arith.constant 0 : i32
      %dma_wait3A_406 = arith.constant 0 : i32
      %dma_wait3A_407 = tpu.memref_slice %arg2[%add3A_234, %dma_wait3A_405, %dma_wait3A_406] : memref<4x10000x128xf32, #tpu.memory_space<hbm>> -> memref<1x10000x128xf32, #tpu.memory_space<hbm>>
      %dma_wait3A_408 = tpu.memref_squeeze %dma_wait3A_407 : memref<1x10000x128xf32, #tpu.memory_space<hbm>> -> memref<10000x128xf32, #tpu.memory_space<hbm>>
      %dma_wait3A_409 = arith.constant 0 : i32
      %dma_wait3A_410 = arith.constant 0 : i32
      %dma_wait3A_411 = tpu.memref_slice %dma_wait3A_408[%dma_wait3A_409, %dma_wait3A_410] : memref<10000x128xf32, #tpu.memory_space<hbm>> -> memref<10000x128xf32, #tpu.memory_space<hbm>>
      tpu.wait_indirect_dma semaphore(%arg12 : memref<!tpu.dma_semaphore, #tpu.memory_space<semaphore_mem>>) src(%dma_wait3A_411 : memref<10000x128xf32, #tpu.memory_space<hbm>>) dst(%arg8 : memref<128x128xf32, #tpu.memory_space<vmem>>)
      "tpu.region"() ({
        %run_scoped3A = tpu.sem_alloc : memref<!tpu.dma_semaphore, #tpu.memory_space<semaphore_mem>>
        %dma_start3A_413 = arith.constant 0 : i32
        %dma_start3A_414 = tpu.memref_slice %arg10[%add3A_373, %dma_start3A_413] : memref<40x128xi32, #tpu.memory_space<vmem>> -> memref<1x128xi32, #tpu.memory_space<vmem>>
        %dma_start3A_415 = tpu.memref_squeeze %dma_start3A_414 : memref<1x128xi32, #tpu.memory_space<vmem>> -> memref<128xi32, #tpu.memory_space<vmem>>
        %dma_start3A_416 = arith.constant 0 : i32
        %dma_start3A_417 = arith.constant 0 : i32
        %dma_start3A_418 = tpu.memref_slice %arg5[%dma_start3A_416, %dma_start3A_417] : memref<10112x128xf32, #tpu.memory_space<vmem_shared>> -> memref<10112x128xf32, #tpu.memory_space<vmem_shared>>
        tpu.enqueue_indirect_dma source(%arg8 : memref<128x128xf32, #tpu.memory_space<vmem>>) target(%dma_start3A_418 : memref<10112x128xf32, #tpu.memory_space<vmem_shared>>) offsets(%dma_start3A_415 : memref<128xi32, #tpu.memory_space<vmem>>) semaphore(%run_scoped3A : memref<!tpu.dma_semaphore, #tpu.memory_space<semaphore_mem>>) {add = true}
        %dma_wait3A_419 = arith.constant 0 : i32
        %dma_wait3A_420 = tpu.memref_slice %arg10[%add3A_373, %dma_wait3A_419] : memref<40x128xi32, #tpu.memory_space<vmem>> -> memref<1x128xi32, #tpu.memory_space<vmem>>
        %dma_wait3A_421 = tpu.memref_squeeze %dma_wait3A_420 : memref<1x128xi32, #tpu.memory_space<vmem>> -> memref<128xi32, #tpu.memory_space<vmem>>
        %dma_wait3A_422 = arith.constant 0 : i32
        %dma_wait3A_423 = arith.constant 0 : i32
        %dma_wait3A_424 = tpu.memref_slice %arg5[%dma_wait3A_422, %dma_wait3A_423] : memref<10112x128xf32, #tpu.memory_space<vmem_shared>> -> memref<10112x128xf32, #tpu.memory_space<vmem_shared>>
        tpu.wait_indirect_dma semaphore(%run_scoped3A : memref<!tpu.dma_semaphore, #tpu.memory_space<semaphore_mem>>) src(%arg8 : memref<128x128xf32, #tpu.memory_space<vmem>>) dst(%dma_wait3A_424 : memref<10112x128xf32, #tpu.memory_space<vmem_shared>>)
        tpu.yield
      }) : () -> ()
      %while3A_412 = arith.constant 0 : i32
      scf.yield %while3A_412 : i32
    }
    %mul3A_287 = arith.constant 80 : i32
    %mul3A_288 = arith.muli %arg1, %mul3A_287 : i32
    %add3A_289 = arith.constant 0 : i32
    %add3A_290 = arith.addi %mul3A_288, %add3A_289 : i32
    %dma_start3A_291 = arith.constant 0 : i32
    %dma_start3A_292 = arith.constant 0 : i32
    %dma_start3A_293 = arith.constant 0 : i32
    %dma_start3A_294 = tpu.memref_slice %arg3[%dma_start3A_291, %dma_start3A_292, %dma_start3A_293] : memref<2x1250x128xi32, #tpu.memory_space<hbm>> -> memref<1x1250x128xi32, #tpu.memory_space<hbm>>
    %dma_start3A_295 = tpu.memref_squeeze %dma_start3A_294 : memref<1x1250x128xi32, #tpu.memory_space<hbm>> -> memref<1250x128xi32, #tpu.memory_space<hbm>>
    %dma_start3A_296 = arith.constant 0 : i32
    %dma_start3A_297 = tpu.memref_slice %dma_start3A_295[%add3A_290, %dma_start3A_296] : memref<1250x128xi32, #tpu.memory_space<hbm>> -> memref<40x128xi32, #tpu.memory_space<hbm>>
    %dma_start3A_298 = arith.constant 0 : i32
    %dma_start3A_299 = arith.constant 0 : i32
    %dma_start3A_300 = tpu.memref_slice %arg3[%dma_start3A_291, %dma_start3A_298, %dma_start3A_299] : memref<2x1250x128xi32, #tpu.memory_space<hbm>> -> memref<1x1250x128xi32, #tpu.memory_space<hbm>>
    %dma_start3A_301 = tpu.memref_squeeze %dma_start3A_300 : memref<1x1250x128xi32, #tpu.memory_space<hbm>> -> memref<1250x128xi32, #tpu.memory_space<hbm>>
    %dma_start3A_302 = arith.constant 0 : i32
    %dma_start3A_303 = tpu.memref_slice %dma_start3A_301[%add3A_290, %dma_start3A_302] : memref<1250x128xi32, #tpu.memory_space<hbm>> -> memref<40x128xi32, #tpu.memory_space<hbm>>
    tpu.enqueue_dma source(%dma_start3A_303 : memref<40x128xi32, #tpu.memory_space<hbm>>) target(%arg9 : memref<40x128xi32, #tpu.memory_space<vmem>>) target_semaphore(%arg11 : memref<!tpu.dma_semaphore, #tpu.memory_space<semaphore_mem>>)
    %dma_start3A_304 = arith.constant 1 : i32
    %dma_start3A_305 = arith.constant 0 : i32
    %dma_start3A_306 = arith.constant 0 : i32
    %dma_start3A_307 = tpu.memref_slice %arg3[%dma_start3A_304, %dma_start3A_305, %dma_start3A_306] : memref<2x1250x128xi32, #tpu.memory_space<hbm>> -> memref<1x1250x128xi32, #tpu.memory_space<hbm>>
    %dma_start3A_308 = tpu.memref_squeeze %dma_start3A_307 : memref<1x1250x128xi32, #tpu.memory_space<hbm>> -> memref<1250x128xi32, #tpu.memory_space<hbm>>
    %dma_start3A_309 = arith.constant 0 : i32
    %dma_start3A_310 = tpu.memref_slice %dma_start3A_308[%add3A_290, %dma_start3A_309] : memref<1250x128xi32, #tpu.memory_space<hbm>> -> memref<40x128xi32, #tpu.memory_space<hbm>>
    %dma_start3A_311 = arith.constant 0 : i32
    %dma_start3A_312 = arith.constant 0 : i32
    %dma_start3A_313 = tpu.memref_slice %arg3[%dma_start3A_304, %dma_start3A_311, %dma_start3A_312] : memref<2x1250x128xi32, #tpu.memory_space<hbm>> -> memref<1x1250x128xi32, #tpu.memory_space<hbm>>
    %dma_start3A_314 = tpu.memref_squeeze %dma_start3A_313 : memref<1x1250x128xi32, #tpu.memory_space<hbm>> -> memref<1250x128xi32, #tpu.memory_space<hbm>>
    %dma_start3A_315 = arith.constant 0 : i32
    %dma_start3A_316 = tpu.memref_slice %dma_start3A_314[%add3A_290, %dma_start3A_315] : memref<1250x128xi32, #tpu.memory_space<hbm>> -> memref<40x128xi32, #tpu.memory_space<hbm>>
    tpu.enqueue_dma source(%dma_start3A_316 : memref<40x128xi32, #tpu.memory_space<hbm>>) target(%arg10 : memref<40x128xi32, #tpu.memory_space<vmem>>) target_semaphore(%arg12 : memref<!tpu.dma_semaphore, #tpu.memory_space<semaphore_mem>>)
    %dma_wait3A_317 = arith.constant 0 : i32
    %dma_wait3A_318 = arith.constant 0 : i32
    %dma_wait3A_319 = arith.constant 0 : i32
    %dma_wait3A_320 = tpu.memref_slice %arg3[%dma_wait3A_317, %dma_wait3A_318, %dma_wait3A_319] : memref<2x1250x128xi32, #tpu.memory_space<hbm>> -> memref<1x1250x128xi32, #tpu.memory_space<hbm>>
    %dma_wait3A_321 = tpu.memref_squeeze %dma_wait3A_320 : memref<1x1250x128xi32, #tpu.memory_space<hbm>> -> memref<1250x128xi32, #tpu.memory_space<hbm>>
    %dma_wait3A_322 = arith.constant 0 : i32
    %dma_wait3A_323 = arith.constant 0 : i32
    %dma_wait3A_324 = tpu.memref_slice %dma_wait3A_321[%dma_wait3A_322, %dma_wait3A_323] : memref<1250x128xi32, #tpu.memory_space<hbm>> -> memref<40x128xi32, #tpu.memory_space<hbm>>
    %dma_wait3A_325 = arith.constant 0 : i32
    %dma_wait3A_326 = arith.constant 0 : i32
    %dma_wait3A_327 = tpu.memref_slice %arg3[%dma_wait3A_317, %dma_wait3A_325, %dma_wait3A_326] : memref<2x1250x128xi32, #tpu.memory_space<hbm>> -> memref<1x1250x128xi32, #tpu.memory_space<hbm>>
    %dma_wait3A_328 = tpu.memref_squeeze %dma_wait3A_327 : memref<1x1250x128xi32, #tpu.memory_space<hbm>> -> memref<1250x128xi32, #tpu.memory_space<hbm>>
    %dma_wait3A_329 = arith.constant 0 : i32
    %dma_wait3A_330 = arith.constant 0 : i32
    %dma_wait3A_331 = tpu.memref_slice %dma_wait3A_328[%dma_wait3A_329, %dma_wait3A_330] : memref<1250x128xi32, #tpu.memory_space<hbm>> -> memref<40x128xi32, #tpu.memory_space<hbm>>
    tpu.wait_dma2 semaphore(%arg11 : memref<!tpu.dma_semaphore, #tpu.memory_space<semaphore_mem>>) src(%dma_wait3A_331 : memref<40x128xi32, #tpu.memory_space<hbm>>) dst(%arg9 : memref<40x128xi32, #tpu.memory_space<vmem>>)
    %dma_wait3A_332 = arith.constant 1 : i32
    %dma_wait3A_333 = arith.constant 0 : i32
    %dma_wait3A_334 = arith.constant 0 : i32
    %dma_wait3A_335 = tpu.memref_slice %arg3[%dma_wait3A_332, %dma_wait3A_333, %dma_wait3A_334] : memref<2x1250x128xi32, #tpu.memory_space<hbm>> -> memref<1x1250x128xi32, #tpu.memory_space<hbm>>
    %dma_wait3A_336 = tpu.memref_squeeze %dma_wait3A_335 : memref<1x1250x128xi32, #tpu.memory_space<hbm>> -> memref<1250x128xi32, #tpu.memory_space<hbm>>
    %dma_wait3A_337 = arith.constant 0 : i32
    %dma_wait3A_338 = arith.constant 0 : i32
    %dma_wait3A_339 = tpu.memref_slice %dma_wait3A_336[%dma_wait3A_337, %dma_wait3A_338] : memref<1250x128xi32, #tpu.memory_space<hbm>> -> memref<40x128xi32, #tpu.memory_space<hbm>>
    %dma_wait3A_340 = arith.constant 0 : i32
    %dma_wait3A_341 = arith.constant 0 : i32
    %dma_wait3A_342 = tpu.memref_slice %arg3[%dma_wait3A_332, %dma_wait3A_340, %dma_wait3A_341] : memref<2x1250x128xi32, #tpu.memory_space<hbm>> -> memref<1x1250x128xi32, #tpu.memory_space<hbm>>
    %dma_wait3A_343 = tpu.memref_squeeze %dma_wait3A_342 : memref<1x1250x128xi32, #tpu.memory_space<hbm>> -> memref<1250x128xi32, #tpu.memory_space<hbm>>
    %dma_wait3A_344 = arith.constant 0 : i32
    %dma_wait3A_345 = arith.constant 0 : i32
    %dma_wait3A_346 = tpu.memref_slice %dma_wait3A_343[%dma_wait3A_344, %dma_wait3A_345] : memref<1250x128xi32, #tpu.memory_space<hbm>> -> memref<40x128xi32, #tpu.memory_space<hbm>>
    tpu.wait_dma2 semaphore(%arg12 : memref<!tpu.dma_semaphore, #tpu.memory_space<semaphore_mem>>) src(%dma_wait3A_346 : memref<40x128xi32, #tpu.memory_space<hbm>>) dst(%arg10 : memref<40x128xi32, #tpu.memory_space<vmem>>)
    %dma_start3A_347 = arith.constant 0 : i32
    %dma_start3A_348 = arith.constant 0 : i32
    %dma_start3A_349 = tpu.memref_slice %arg9[%dma_start3A_347, %dma_start3A_348] : memref<40x128xi32, #tpu.memory_space<vmem>> -> memref<1x128xi32, #tpu.memory_space<vmem>>
    %dma_start3A_350 = tpu.memref_squeeze %dma_start3A_349 : memref<1x128xi32, #tpu.memory_space<vmem>> -> memref<128xi32, #tpu.memory_space<vmem>>
    %dma_start3A_351 = arith.constant 0 : i32
    %dma_start3A_352 = arith.constant 0 : i32
    %dma_start3A_353 = tpu.memref_slice %arg2[%add3A_234, %dma_start3A_351, %dma_start3A_352] : memref<4x10000x128xf32, #tpu.memory_space<hbm>> -> memref<1x10000x128xf32, #tpu.memory_space<hbm>>
    %dma_start3A_354 = tpu.memref_squeeze %dma_start3A_353 : memref<1x10000x128xf32, #tpu.memory_space<hbm>> -> memref<10000x128xf32, #tpu.memory_space<hbm>>
    %dma_start3A_355 = arith.constant 0 : i32
    %dma_start3A_356 = arith.constant 0 : i32
    %dma_start3A_357 = tpu.memref_slice %dma_start3A_354[%dma_start3A_355, %dma_start3A_356] : memref<10000x128xf32, #tpu.memory_space<hbm>> -> memref<10000x128xf32, #tpu.memory_space<hbm>>
    tpu.enqueue_indirect_dma source(%dma_start3A_357 : memref<10000x128xf32, #tpu.memory_space<hbm>>) target(%arg7 : memref<128x128xf32, #tpu.memory_space<vmem>>) offsets(%dma_start3A_350 : memref<128xi32, #tpu.memory_space<vmem>>) semaphore(%arg11 : memref<!tpu.dma_semaphore, #tpu.memory_space<semaphore_mem>>)
    %scan3A_358 = arith.constant 0 : i32
    %scan3A_359 = arith.constant 0 : i32
    %scan3A_360 = arith.constant 20 : i32
    %scan3A_361 = arith.addi %scan3A_359, %scan3A_360 : i32
    %scan3A_362 = arith.constant 1 : i32
    %scan3A_363 = scf.for %scan3A_368 = %scan3A_359 to %scan3A_361 step %scan3A_362 iter_args(%scan3A_369 = %scan3A_358) -> (i32)  : i32 {
      %mul3A_370 = arith.constant 2 : i32
      %mul3A_371 = arith.muli %mul3A_370, %scan3A_368 : i32
      %add3A_372 = arith.constant 1 : i32
      %add3A_373 = arith.addi %mul3A_371, %add3A_372 : i32
      %dma_start3A_374 = arith.constant 0 : i32
      %dma_start3A_375 = tpu.memref_slice %arg9[%add3A_373, %dma_start3A_374] : memref<40x128xi32, #tpu.memory_space<vmem>> -> memref<1x128xi32, #tpu.memory_space<vmem>>
      %dma_start3A_376 = tpu.memref_squeeze %dma_start3A_375 : memref<1x128xi32, #tpu.memory_space<vmem>> -> memref<128xi32, #tpu.memory_space<vmem>>
      %dma_start3A_377 = arith.constant 0 : i32
      %dma_start3A_378 = arith.constant 0 : i32
      %dma_start3A_379 = tpu.memref_slice %arg2[%add3A_234, %dma_start3A_377, %dma_start3A_378] : memref<4x10000x128xf32, #tpu.memory_space<hbm>> -> memref<1x10000x128xf32, #tpu.memory_space<hbm>>
      %dma_start3A_380 = tpu.memref_squeeze %dma_start3A_379 : memref<1x10000x128xf32, #tpu.memory_space<hbm>> -> memref<10000x128xf32, #tpu.memory_space<hbm>>
      %dma_start3A_381 = arith.constant 0 : i32
      %dma_start3A_382 = arith.constant 0 : i32
      %dma_start3A_383 = tpu.memref_slice %dma_start3A_380[%dma_start3A_381, %dma_start3A_382] : memref<10000x128xf32, #tpu.memory_space<hbm>> -> memref<10000x128xf32, #tpu.memory_space<hbm>>
      tpu.enqueue_indirect_dma source(%dma_start3A_383 : memref<10000x128xf32, #tpu.memory_space<hbm>>) target(%arg8 : memref<128x128xf32, #tpu.memory_space<vmem>>) offsets(%dma_start3A_376 : memref<128xi32, #tpu.memory_space<vmem>>) semaphore(%arg12 : memref<!tpu.dma_semaphore, #tpu.memory_space<semaphore_mem>>)
      %dma_wait3A_384 = arith.constant 0 : i32
      %dma_wait3A_385 = arith.constant 0 : i32
      %dma_wait3A_386 = tpu.memref_slice %arg9[%dma_wait3A_384, %dma_wait3A_385] : memref<40x128xi32, #tpu.memory_space<vmem>> -> memref<1x128xi32, #tpu.memory_space<vmem>>
      %dma_wait3A_387 = tpu.memref_squeeze %dma_wait3A_386 : memref<1x128xi32, #tpu.memory_space<vmem>> -> memref<128xi32, #tpu.memory_space<vmem>>
      %dma_wait3A_388 = arith.constant 0 : i32
      %dma_wait3A_389 = arith.constant 0 : i32
      %dma_wait3A_390 = tpu.memref_slice %arg2[%add3A_234, %dma_wait3A_388, %dma_wait3A_389] : memref<4x10000x128xf32, #tpu.memory_space<hbm>> -> memref<1x10000x128xf32, #tpu.memory_space<hbm>>
      %dma_wait3A_391 = tpu.memref_squeeze %dma_wait3A_390 : memref<1x10000x128xf32, #tpu.memory_space<hbm>> -> memref<10000x128xf32, #tpu.memory_space<hbm>>
      %dma_wait3A_392 = arith.constant 0 : i32
      %dma_wait3A_393 = arith.constant 0 : i32
      %dma_wait3A_394 = tpu.memref_slice %dma_wait3A_391[%dma_wait3A_392, %dma_wait3A_393] : memref<10000x128xf32, #tpu.memory_space<hbm>> -> memref<10000x128xf32, #tpu.memory_space<hbm>>
      tpu.wait_indirect_dma semaphore(%arg11 : memref<!tpu.dma_semaphore, #tpu.memory_space<semaphore_mem>>) src(%dma_wait3A_394 : memref<10000x128xf32, #tpu.memory_space<hbm>>) dst(%arg7 : memref<128x128xf32, #tpu.memory_space<vmem>>)
      "tpu.region"() ({
        %run_scoped3A = tpu.sem_alloc : memref<!tpu.dma_semaphore, #tpu.memory_space<semaphore_mem>>
        %dma_start3A_414 = arith.constant 0 : i32
        %dma_start3A_415 = tpu.memref_slice %arg10[%mul3A_371, %dma_start3A_414] : memref<40x128xi32, #tpu.memory_space<vmem>> -> memref<1x128xi32, #tpu.memory_space<vmem>>
        %dma_start3A_416 = tpu.memref_squeeze %dma_start3A_415 : memref<1x128xi32, #tpu.memory_space<vmem>> -> memref<128xi32, #tpu.memory_space<vmem>>
        %dma_start3A_417 = arith.constant 0 : i32
        %dma_start3A_418 = arith.constant 0 : i32
        %dma_start3A_419 = tpu.memref_slice %arg5[%dma_start3A_417, %dma_start3A_418] : memref<10112x128xf32, #tpu.memory_space<vmem_shared>> -> memref<10112x128xf32, #tpu.memory_space<vmem_shared>>
        tpu.enqueue_indirect_dma source(%arg7 : memref<128x128xf32, #tpu.memory_space<vmem>>) target(%dma_start3A_419 : memref<10112x128xf32, #tpu.memory_space<vmem_shared>>) offsets(%dma_start3A_416 : memref<128xi32, #tpu.memory_space<vmem>>) semaphore(%run_scoped3A : memref<!tpu.dma_semaphore, #tpu.memory_space<semaphore_mem>>) {add = true}
        %dma_wait3A_420 = arith.constant 0 : i32
        %dma_wait3A_421 = tpu.memref_slice %arg10[%mul3A_371, %dma_wait3A_420] : memref<40x128xi32, #tpu.memory_space<vmem>> -> memref<1x128xi32, #tpu.memory_space<vmem>>
        %dma_wait3A_422 = tpu.memref_squeeze %dma_wait3A_421 : memref<1x128xi32, #tpu.memory_space<vmem>> -> memref<128xi32, #tpu.memory_space<vmem>>
        %dma_wait3A_423 = arith.constant 0 : i32
        %dma_wait3A_424 = arith.constant 0 : i32
        %dma_wait3A_425 = tpu.memref_slice %arg5[%dma_wait3A_423, %dma_wait3A_424] : memref<10112x128xf32, #tpu.memory_space<vmem_shared>> -> memref<10112x128xf32, #tpu.memory_space<vmem_shared>>
        tpu.wait_indirect_dma semaphore(%run_scoped3A : memref<!tpu.dma_semaphore, #tpu.memory_space<semaphore_mem>>) src(%arg7 : memref<128x128xf32, #tpu.memory_space<vmem>>) dst(%dma_wait3A_425 : memref<10112x128xf32, #tpu.memory_space<vmem_shared>>)
        tpu.yield
      }) : () -> ()
      %add3A_395 = arith.constant 1 : i32
      %add3A_396 = arith.addi %add3A_373, %add3A_395 : i32
      %lt3A_397 = arith.constant 40 : i32
      %lt3A_398 = arith.cmpi slt, %add3A_396, %lt3A_397 : i32
      %convert_element_type3A_399 = arith.extui %lt3A_398 : i1 to i32
      %cond3A_400 = arith.constant 0 : i32
      %cond3A_401 = arith.cmpi ne, %convert_element_type3A_399, %cond3A_400 : i32
      scf.if %cond3A_401 {
        %add3A_414 = arith.constant 1 : i32
        %add3A_415 = arith.addi %add3A_373, %add3A_414 : i32
        %dma_start3A_416 = arith.constant 0 : i32
        %dma_start3A_417 = tpu.memref_slice %arg9[%add3A_415, %dma_start3A_416] : memref<40x128xi32, #tpu.memory_space<vmem>> -> memref<1x128xi32, #tpu.memory_space<vmem>>
        %dma_start3A_418 = tpu.memref_squeeze %dma_start3A_417 : memref<1x128xi32, #tpu.memory_space<vmem>> -> memref<128xi32, #tpu.memory_space<vmem>>
        %dma_start3A_419 = arith.constant 0 : i32
        %dma_start3A_420 = arith.constant 0 : i32
        %dma_start3A_421 = tpu.memref_slice %arg2[%add3A_234, %dma_start3A_419, %dma_start3A_420] : memref<4x10000x128xf32, #tpu.memory_space<hbm>> -> memref<1x10000x128xf32, #tpu.memory_space<hbm>>
        %dma_start3A_422 = tpu.memref_squeeze %dma_start3A_421 : memref<1x10000x128xf32, #tpu.memory_space<hbm>> -> memref<10000x128xf32, #tpu.memory_space<hbm>>
        %dma_start3A_423 = arith.constant 0 : i32
        %dma_start3A_424 = arith.constant 0 : i32
        %dma_start3A_425 = tpu.memref_slice %dma_start3A_422[%dma_start3A_423, %dma_start3A_424] : memref<10000x128xf32, #tpu.memory_space<hbm>> -> memref<10000x128xf32, #tpu.memory_space<hbm>>
        tpu.enqueue_indirect_dma source(%dma_start3A_425 : memref<10000x128xf32, #tpu.memory_space<hbm>>) target(%arg7 : memref<128x128xf32, #tpu.memory_space<vmem>>) offsets(%dma_start3A_418 : memref<128xi32, #tpu.memory_space<vmem>>) semaphore(%arg11 : memref<!tpu.dma_semaphore, #tpu.memory_space<semaphore_mem>>)
      } else {
      }
      %dma_wait3A_402 = arith.constant 0 : i32
      %dma_wait3A_403 = arith.constant 0 : i32
      %dma_wait3A_404 = tpu.memref_slice %arg9[%dma_wait3A_402, %dma_wait3A_403] : memref<40x128xi32, #tpu.memory_space<vmem>> -> memref<1x128xi32, #tpu.memory_space<vmem>>
      %dma_wait3A_405 = tpu.memref_squeeze %dma_wait3A_404 : memref<1x128xi32, #tpu.memory_space<vmem>> -> memref<128xi32, #tpu.memory_space<vmem>>
      %dma_wait3A_406 = arith.constant 0 : i32
      %dma_wait3A_407 = arith.constant 0 : i32
      %dma_wait3A_408 = tpu.memref_slice %arg2[%add3A_234, %dma_wait3A_406, %dma_wait3A_407] : memref<4x10000x128xf32, #tpu.memory_space<hbm>> -> memref<1x10000x128xf32, #tpu.memory_space<hbm>>
      %dma_wait3A_409 = tpu.memref_squeeze %dma_wait3A_408 : memref<1x10000x128xf32, #tpu.memory_space<hbm>> -> memref<10000x128xf32, #tpu.memory_space<hbm>>
      %dma_wait3A_410 = arith.constant 0 : i32
      %dma_wait3A_411 = arith.constant 0 : i32
      %dma_wait3A_412 = tpu.memref_slice %dma_wait3A_409[%dma_wait3A_410, %dma_wait3A_411] : memref<10000x128xf32, #tpu.memory_space<hbm>> -> memref<10000x128xf32, #tpu.memory_space<hbm>>
      tpu.wait_indirect_dma semaphore(%arg12 : memref<!tpu.dma_semaphore, #tpu.memory_space<semaphore_mem>>) src(%dma_wait3A_412 : memref<10000x128xf32, #tpu.memory_space<hbm>>) dst(%arg8 : memref<128x128xf32, #tpu.memory_space<vmem>>)
      "tpu.region"() ({
        %run_scoped3A = tpu.sem_alloc : memref<!tpu.dma_semaphore, #tpu.memory_space<semaphore_mem>>
        %dma_start3A_414 = arith.constant 0 : i32
        %dma_start3A_415 = tpu.memref_slice %arg10[%add3A_373, %dma_start3A_414] : memref<40x128xi32, #tpu.memory_space<vmem>> -> memref<1x128xi32, #tpu.memory_space<vmem>>
        %dma_start3A_416 = tpu.memref_squeeze %dma_start3A_415 : memref<1x128xi32, #tpu.memory_space<vmem>> -> memref<128xi32, #tpu.memory_space<vmem>>
        %dma_start3A_417 = arith.constant 0 : i32
        %dma_start3A_418 = arith.constant 0 : i32
        %dma_start3A_419 = tpu.memref_slice %arg5[%dma_start3A_417, %dma_start3A_418] : memref<10112x128xf32, #tpu.memory_space<vmem_shared>> -> memref<10112x128xf32, #tpu.memory_space<vmem_shared>>
        tpu.enqueue_indirect_dma source(%arg8 : memref<128x128xf32, #tpu.memory_space<vmem>>) target(%dma_start3A_419 : memref<10112x128xf32, #tpu.memory_space<vmem_shared>>) offsets(%dma_start3A_416 : memref<128xi32, #tpu.memory_space<vmem>>) semaphore(%run_scoped3A : memref<!tpu.dma_semaphore, #tpu.memory_space<semaphore_mem>>) {add = true}
        %dma_wait3A_420 = arith.constant 0 : i32
        %dma_wait3A_421 = tpu.memref_slice %arg10[%add3A_373, %dma_wait3A_420] : memref<40x128xi32, #tpu.memory_space<vmem>> -> memref<1x128xi32, #tpu.memory_space<vmem>>
        %dma_wait3A_422 = tpu.memref_squeeze %dma_wait3A_421 : memref<1x128xi32, #tpu.memory_space<vmem>> -> memref<128xi32, #tpu.memory_space<vmem>>
        %dma_wait3A_423 = arith.constant 0 : i32
        %dma_wait3A_424 = arith.constant 0 : i32
        %dma_wait3A_425 = tpu.memref_slice %arg5[%dma_wait3A_423, %dma_wait3A_424] : memref<10112x128xf32, #tpu.memory_space<vmem_shared>> -> memref<10112x128xf32, #tpu.memory_space<vmem_shared>>
        tpu.wait_indirect_dma semaphore(%run_scoped3A : memref<!tpu.dma_semaphore, #tpu.memory_space<semaphore_mem>>) src(%arg8 : memref<128x128xf32, #tpu.memory_space<vmem>>) dst(%dma_wait3A_425 : memref<10112x128xf32, #tpu.memory_space<vmem_shared>>)
        tpu.yield
      }) : () -> ()
      %scan3A_413 = arith.constant 0 : i32
      scf.yield %scan3A_413 : i32
    }
    %scan3A_364 = arith.constant 20 : i32
    %barrier3A_365 = arith.constant 0 : index
    tpu.barrier barrier_id(%barrier3A_365)
    %mul3A_366 = arith.constant 632 : i32
    %mul3A_367 = arith.muli %arg1, %mul3A_366 : i32
    "tpu.region"() ({
      %run_scoped3A = tpu.sem_alloc : memref<!tpu.dma_semaphore, #tpu.memory_space<semaphore_mem>>
      %dma_start3A_368 = arith.constant 0 : i32
      %dma_start3A_369 = arith.constant 0 : i32
      %dma_start3A_370 = tpu.memref_slice %arg4[%add3A_234, %dma_start3A_368, %dma_start3A_369] : memref<4x10112x128xf32, #tpu.memory_space<hbm>> -> memref<1x10112x128xf32, #tpu.memory_space<hbm>>
      %dma_start3A_371 = tpu.memref_squeeze %dma_start3A_370 : memref<1x10112x128xf32, #tpu.memory_space<hbm>> -> memref<10112x128xf32, #tpu.memory_space<hbm>>
      %dma_start3A_372 = arith.constant 0 : i32
      %dma_start3A_373 = tpu.memref_slice %dma_start3A_371[%mul3A_367, %dma_start3A_372] : memref<10112x128xf32, #tpu.memory_space<hbm>> -> memref<632x128xf32, #tpu.memory_space<hbm>>
      %dma_start3A_374 = arith.constant 0 : i32
      %dma_start3A_375 = tpu.memref_slice %arg5[%mul3A_367, %dma_start3A_374] : memref<10112x128xf32, #tpu.memory_space<vmem_shared>> -> memref<632x128xf32, #tpu.memory_space<vmem_shared>>
      tpu.enqueue_dma source(%dma_start3A_375 : memref<632x128xf32, #tpu.memory_space<vmem_shared>>) target(%dma_start3A_373 : memref<632x128xf32, #tpu.memory_space<hbm>>) target_semaphore(%run_scoped3A : memref<!tpu.dma_semaphore, #tpu.memory_space<semaphore_mem>>)
      %dma_wait3A_376 = arith.constant 0 : i32
      %dma_wait3A_377 = arith.constant 0 : i32
      %dma_wait3A_378 = tpu.memref_slice %arg4[%add3A_234, %dma_wait3A_376, %dma_wait3A_377] : memref<4x10112x128xf32, #tpu.memory_space<hbm>> -> memref<1x10112x128xf32, #tpu.memory_space<hbm>>
      %dma_wait3A_379 = tpu.memref_squeeze %dma_wait3A_378 : memref<1x10112x128xf32, #tpu.memory_space<hbm>> -> memref<10112x128xf32, #tpu.memory_space<hbm>>
      %dma_wait3A_380 = arith.constant 0 : i32
      %dma_wait3A_381 = tpu.memref_slice %dma_wait3A_379[%mul3A_367, %dma_wait3A_380] : memref<10112x128xf32, #tpu.memory_space<hbm>> -> memref<632x128xf32, #tpu.memory_space<hbm>>
      %dma_wait3A_382 = arith.constant 0 : i32
      %dma_wait3A_383 = tpu.memref_slice %arg5[%mul3A_367, %dma_wait3A_382] : memref<10112x128xf32, #tpu.memory_space<vmem_shared>> -> memref<632x128xf32, #tpu.memory_space<vmem_shared>>
      tpu.wait_dma2 semaphore(%run_scoped3A : memref<!tpu.dma_semaphore, #tpu.memory_space<semaphore_mem>>) src(%dma_wait3A_383 : memref<632x128xf32, #tpu.memory_space<vmem_shared>>) dst(%dma_wait3A_381 : memref<632x128xf32, #tpu.memory_space<hbm>>)
      tpu.yield
    }) : () -> ()
    return
  }
}

module attributes {stable_mosaic.version = 14 : i64} {
  func.func @_encoder_body(%arg0: i32, %arg1: memref<2000x256xf32, #tpu.memory_space<vmem>>, %arg2: memref<256x512xf32, #tpu.memory_space<vmem>>, %arg3: memref<1x512xf32, #tpu.memory_space<vmem>>, %arg4: memref<4x2000x128xf32, #tpu.memory_space<vmem>>) attributes {dimension_semantics = [#tpu.dimension_semantics<arbitrary>], iteration_bounds = array<i64: 5>, scalar_prefetch = 0 : i64, scratch_operands = 0 : i64, tpu.core_type = #tpu.core_type<tc>, window_params = [{transform_indices = @transform_0, window_bounds = array<i64: 2000, 256>}, {pipeline_mode = #tpu.pipeline_mode<synchronous>, transform_indices = @transform_1, window_bounds = array<i64: 256, 512>}, {pipeline_mode = #tpu.pipeline_mode<synchronous>, transform_indices = @transform_2, window_bounds = array<i64: 1, 512>}, {transform_indices = @transform_3, window_bounds = array<i64: 4, 2000, 128>}]} {
    %get3A = arith.constant 0 : index
    %get3A_0 = arith.constant 0 : index
    %get3A_1 = vector.load %arg1[%get3A, %get3A_0] : memref<2000x256xf32, #tpu.memory_space<vmem>>, vector<2000x256xf32>
    %get3A_2 = arith.constant 0 : index
    %get3A_3 = arith.constant 0 : index
    %get3A_4 = vector.load %arg2[%get3A_2, %get3A_3] : memref<256x512xf32, #tpu.memory_space<vmem>>, vector<256x512xf32>
    %dot_general3A = arith.constant dense<0.000000e+00> : vector<2000x512xf32>
    %dot_general3A_5 = tpu.matmul %get3A_1, %get3A_4, %dot_general3A {dimension_numbers = #tpu.dot_dimension_numbers<[1], [0], [0], [1], [0, 0, 1, 1], [], []>, transpose_lhs_hint = false} : vector<2000x256xf32>, vector<256x512xf32>, vector<2000x512xf32> -> vector<2000x512xf32>
    %get3A_6 = arith.constant 0 : index
    %get3A_7 = arith.constant 0 : index
    %get3A_8 = vector.load %arg3[%get3A_6, %get3A_7] : memref<1x512xf32, #tpu.memory_space<vmem>>, vector<1x512xf32>
    %add3A = vector.broadcast %get3A_8 : vector<1x512xf32> to vector<2000x512xf32>
    %add3A_9 = arith.addf %dot_general3A_5, %add3A : vector<2000x512xf32>
    %max3A = arith.constant 0.000000e+00 : f32
    %max3A_10 = vector.broadcast %max3A : f32 to vector<2000x512xf32>
    %max3A_11 = arith.maximumf %add3A_9, %max3A_10 : vector<2000x512xf32>
    %slice3A = vector.extract_strided_slice %max3A_11 {offsets = [0, 0], sizes = [2000, 128], strides = [1, 1]} : vector<2000x512xf32> to vector<2000x128xf32>
    %swap3A = arith.constant 0 : index
    %swap3A_12 = arith.constant 0 : index
    %swap3A_13 = arith.constant 0 : index
    %swap3A_14 = vector.load %arg4[%swap3A, %swap3A_12, %swap3A_13] : memref<4x2000x128xf32, #tpu.memory_space<vmem>>, vector<1x2000x128xf32>
    %swap3A_15 = vector.shape_cast %swap3A_14 : vector<1x2000x128xf32> to vector<2000x128xf32>
    %swap3A_16 = vector.shape_cast %slice3A : vector<2000x128xf32> to vector<1x2000x128xf32>
    tpu.vector_store %arg4[%swap3A, %swap3A_12, %swap3A_13], %swap3A_16 {strides = array<i32>} : memref<4x2000x128xf32, #tpu.memory_space<vmem>>, vector<1x2000x128xf32>,
    %slice3A_17 = vector.extract_strided_slice %max3A_11 {offsets = [0, 128], sizes = [2000, 128], strides = [1, 1]} : vector<2000x512xf32> to vector<2000x128xf32>
    %swap3A_18 = arith.constant 1 : index
    %swap3A_19 = arith.constant 0 : index
    %swap3A_20 = arith.constant 0 : index
    %swap3A_21 = vector.load %arg4[%swap3A_18, %swap3A_19, %swap3A_20] : memref<4x2000x128xf32, #tpu.memory_space<vmem>>, vector<1x2000x128xf32>
    %swap3A_22 = vector.shape_cast %swap3A_21 : vector<1x2000x128xf32> to vector<2000x128xf32>
    %swap3A_23 = vector.shape_cast %slice3A_17 : vector<2000x128xf32> to vector<1x2000x128xf32>
    tpu.vector_store %arg4[%swap3A_18, %swap3A_19, %swap3A_20], %swap3A_23 {strides = array<i32>} : memref<4x2000x128xf32, #tpu.memory_space<vmem>>, vector<1x2000x128xf32>,
    %slice3A_24 = vector.extract_strided_slice %max3A_11 {offsets = [0, 256], sizes = [2000, 128], strides = [1, 1]} : vector<2000x512xf32> to vector<2000x128xf32>
    %swap3A_25 = arith.constant 2 : index
    %swap3A_26 = arith.constant 0 : index
    %swap3A_27 = arith.constant 0 : index
    %swap3A_28 = vector.load %arg4[%swap3A_25, %swap3A_26, %swap3A_27] : memref<4x2000x128xf32, #tpu.memory_space<vmem>>, vector<1x2000x128xf32>
    %swap3A_29 = vector.shape_cast %swap3A_28 : vector<1x2000x128xf32> to vector<2000x128xf32>
    %swap3A_30 = vector.shape_cast %slice3A_24 : vector<2000x128xf32> to vector<1x2000x128xf32>
    tpu.vector_store %arg4[%swap3A_25, %swap3A_26, %swap3A_27], %swap3A_30 {strides = array<i32>} : memref<4x2000x128xf32, #tpu.memory_space<vmem>>, vector<1x2000x128xf32>,
    %slice3A_31 = vector.extract_strided_slice %max3A_11 {offsets = [0, 384], sizes = [2000, 128], strides = [1, 1]} : vector<2000x512xf32> to vector<2000x128xf32>
    %swap3A_32 = arith.constant 3 : index
    %swap3A_33 = arith.constant 0 : index
    %swap3A_34 = arith.constant 0 : index
    %swap3A_35 = vector.load %arg4[%swap3A_32, %swap3A_33, %swap3A_34] : memref<4x2000x128xf32, #tpu.memory_space<vmem>>, vector<1x2000x128xf32>
    %swap3A_36 = vector.shape_cast %swap3A_35 : vector<1x2000x128xf32> to vector<2000x128xf32>
    %swap3A_37 = vector.shape_cast %slice3A_31 : vector<2000x128xf32> to vector<1x2000x128xf32>
    tpu.vector_store %arg4[%swap3A_32, %swap3A_33, %swap3A_34], %swap3A_37 {strides = array<i32>} : memref<4x2000x128xf32, #tpu.memory_space<vmem>>, vector<1x2000x128xf32>,
    return
  }
  func.func @transform_0(%arg0: i32) -> (i32, i32) {
    %c0_i32 = arith.constant 0 : i32
    %c0_i32_0 = arith.constant 0 : i32
    return %arg0, %c0_i32 : i32, i32
  }
  func.func @transform_1(%arg0: i32) -> (i32, i32) {
    %c0_i32 = arith.constant 0 : i32
    %c0_i32_0 = arith.constant 0 : i32
    %c0_i32_1 = arith.constant 0 : i32
    return %c0_i32, %c0_i32_0 : i32, i32
  }
  func.func @transform_2(%arg0: i32) -> (i32, i32) {
    %c0_i32 = arith.constant 0 : i32
    %c0_i32_0 = arith.constant 0 : i32
    %c0_i32_1 = arith.constant 0 : i32
    return %c0_i32, %c0_i32_0 : i32, i32
  }
  func.func @transform_3(%arg0: i32) -> (i32, i32, i32) {
    %c0_i32 = arith.constant 0 : i32
    %c0_i32_0 = arith.constant 0 : i32
    %c0_i32_1 = arith.constant 0 : i32
    return %c0_i32, %arg0, %c0_i32_0 : i32, i32, i32
  }
}

module attributes {stable_mosaic.version = 14 : i64} {
  func.func @_self_body(%arg0: i32, %arg1: memref<4x2000x128xf32, #tpu.memory_space<vmem>>, %arg2: memref<4x128x512xf32, #tpu.memory_space<vmem>>, %arg3: memref<1x512xf32, #tpu.memory_space<vmem>>, %arg4: memref<2000x512xf32, #tpu.memory_space<vmem>>) attributes {dimension_semantics = [#tpu.dimension_semantics<arbitrary>], iteration_bounds = array<i64: 5>, scalar_prefetch = 0 : i64, scratch_operands = 0 : i64, tpu.core_type = #tpu.core_type<tc>, window_params = [{transform_indices = @transform_0, window_bounds = array<i64: 4, 2000, 128>}, {pipeline_mode = #tpu.pipeline_mode<synchronous>, transform_indices = @transform_1, window_bounds = array<i64: 4, 128, 512>}, {pipeline_mode = #tpu.pipeline_mode<synchronous>, transform_indices = @transform_2, window_bounds = array<i64: 1, 512>}, {transform_indices = @transform_3, window_bounds = array<i64: 2000, 512>}]} {
    %broadcast_in_dim3A = arith.constant 0.000000e+00 : f32
    %broadcast_in_dim3A_0 = vector.broadcast %broadcast_in_dim3A : f32 to vector<2000x512xf32>
    %get3A = arith.constant 0 : index
    %get3A_1 = arith.constant 0 : index
    %get3A_2 = vector.load %arg3[%get3A, %get3A_1] : memref<1x512xf32, #tpu.memory_space<vmem>>, vector<1x512xf32>
    %add3A = vector.broadcast %get3A_2 : vector<1x512xf32> to vector<2000x512xf32>
    %add3A_3 = arith.addf %broadcast_in_dim3A_0, %add3A : vector<2000x512xf32>
    %get3A_4 = arith.constant 0 : index
    %get3A_5 = arith.constant 0 : index
    %get3A_6 = arith.constant 0 : index
    %get3A_7 = vector.load %arg1[%get3A_4, %get3A_5, %get3A_6] : memref<4x2000x128xf32, #tpu.memory_space<vmem>>, vector<1x2000x128xf32>
    %get3A_8 = vector.shape_cast %get3A_7 : vector<1x2000x128xf32> to vector<2000x128xf32>
    %get3A_9 = arith.constant 0 : index
    %get3A_10 = arith.constant 0 : index
    %get3A_11 = arith.constant 0 : index
    %get3A_12 = vector.load %arg2[%get3A_9, %get3A_10, %get3A_11] : memref<4x128x512xf32, #tpu.memory_space<vmem>>, vector<1x128x512xf32>
    %get3A_13 = vector.shape_cast %get3A_12 : vector<1x128x512xf32> to vector<128x512xf32>
    %dot_general3A = arith.constant dense<0.000000e+00> : vector<2000x512xf32>
    %dot_general3A_14 = tpu.matmul %get3A_8, %get3A_13, %dot_general3A {dimension_numbers = #tpu.dot_dimension_numbers<[1], [0], [0], [1], [0, 0, 1, 1], [], []>, transpose_lhs_hint = false} : vector<2000x128xf32>, vector<128x512xf32>, vector<2000x512xf32> -> vector<2000x512xf32>
    %add3A_15 = arith.addf %add3A_3, %dot_general3A_14 : vector<2000x512xf32>
    %get3A_16 = arith.constant 1 : index
    %get3A_17 = arith.constant 0 : index
    %get3A_18 = arith.constant 0 : index
    %get3A_19 = vector.load %arg1[%get3A_16, %get3A_17, %get3A_18] : memref<4x2000x128xf32, #tpu.memory_space<vmem>>, vector<1x2000x128xf32>
    %get3A_20 = vector.shape_cast %get3A_19 : vector<1x2000x128xf32> to vector<2000x128xf32>
    %get3A_21 = arith.constant 1 : index
    %get3A_22 = arith.constant 0 : index
    %get3A_23 = arith.constant 0 : index
    %get3A_24 = vector.load %arg2[%get3A_21, %get3A_22, %get3A_23] : memref<4x128x512xf32, #tpu.memory_space<vmem>>, vector<1x128x512xf32>
    %get3A_25 = vector.shape_cast %get3A_24 : vector<1x128x512xf32> to vector<128x512xf32>
    %dot_general3A_26 = arith.constant dense<0.000000e+00> : vector<2000x512xf32>
    %dot_general3A_27 = tpu.matmul %get3A_20, %get3A_25, %dot_general3A_26 {dimension_numbers = #tpu.dot_dimension_numbers<[1], [0], [0], [1], [0, 0, 1, 1], [], []>, transpose_lhs_hint = false} : vector<2000x128xf32>, vector<128x512xf32>, vector<2000x512xf32> -> vector<2000x512xf32>
    %add3A_28 = arith.addf %add3A_15, %dot_general3A_27 : vector<2000x512xf32>
    %get3A_29 = arith.constant 2 : index
    %get3A_30 = arith.constant 0 : index
    %get3A_31 = arith.constant 0 : index
    %get3A_32 = vector.load %arg1[%get3A_29, %get3A_30, %get3A_31] : memref<4x2000x128xf32, #tpu.memory_space<vmem>>, vector<1x2000x128xf32>
    %get3A_33 = vector.shape_cast %get3A_32 : vector<1x2000x128xf32> to vector<2000x128xf32>
    %get3A_34 = arith.constant 2 : index
    %get3A_35 = arith.constant 0 : index
    %get3A_36 = arith.constant 0 : index
    %get3A_37 = vector.load %arg2[%get3A_34, %get3A_35, %get3A_36] : memref<4x128x512xf32, #tpu.memory_space<vmem>>, vector<1x128x512xf32>
    %get3A_38 = vector.shape_cast %get3A_37 : vector<1x128x512xf32> to vector<128x512xf32>
    %dot_general3A_39 = arith.constant dense<0.000000e+00> : vector<2000x512xf32>
    %dot_general3A_40 = tpu.matmul %get3A_33, %get3A_38, %dot_general3A_39 {dimension_numbers = #tpu.dot_dimension_numbers<[1], [0], [0], [1], [0, 0, 1, 1], [], []>, transpose_lhs_hint = false} : vector<2000x128xf32>, vector<128x512xf32>, vector<2000x512xf32> -> vector<2000x512xf32>
    %add3A_41 = arith.addf %add3A_28, %dot_general3A_40 : vector<2000x512xf32>
    %get3A_42 = arith.constant 3 : index
    %get3A_43 = arith.constant 0 : index
    %get3A_44 = arith.constant 0 : index
    %get3A_45 = vector.load %arg1[%get3A_42, %get3A_43, %get3A_44] : memref<4x2000x128xf32, #tpu.memory_space<vmem>>, vector<1x2000x128xf32>
    %get3A_46 = vector.shape_cast %get3A_45 : vector<1x2000x128xf32> to vector<2000x128xf32>
    %get3A_47 = arith.constant 3 : index
    %get3A_48 = arith.constant 0 : index
    %get3A_49 = arith.constant 0 : index
    %get3A_50 = vector.load %arg2[%get3A_47, %get3A_48, %get3A_49] : memref<4x128x512xf32, #tpu.memory_space<vmem>>, vector<1x128x512xf32>
    %get3A_51 = vector.shape_cast %get3A_50 : vector<1x128x512xf32> to vector<128x512xf32>
    %dot_general3A_52 = arith.constant dense<0.000000e+00> : vector<2000x512xf32>
    %dot_general3A_53 = tpu.matmul %get3A_46, %get3A_51, %dot_general3A_52 {dimension_numbers = #tpu.dot_dimension_numbers<[1], [0], [0], [1], [0, 0, 1, 1], [], []>, transpose_lhs_hint = false} : vector<2000x128xf32>, vector<128x512xf32>, vector<2000x512xf32> -> vector<2000x512xf32>
    %add3A_54 = arith.addf %add3A_41, %dot_general3A_53 : vector<2000x512xf32>
    %swap3A = arith.constant 0 : index
    %swap3A_55 = arith.constant 0 : index
    %swap3A_56 = vector.load %arg4[%swap3A, %swap3A_55] : memref<2000x512xf32, #tpu.memory_space<vmem>>, vector<2000x512xf32>
    tpu.vector_store %arg4[%swap3A, %swap3A_55], %add3A_54 {strides = array<i32>} : memref<2000x512xf32, #tpu.memory_space<vmem>>, vector<2000x512xf32>,
    return
  }
  func.func @transform_0(%arg0: i32) -> (i32, i32, i32) {
    %c0_i32 = arith.constant 0 : i32
    %c0_i32_0 = arith.constant 0 : i32
    %c0_i32_1 = arith.constant 0 : i32
    return %c0_i32, %arg0, %c0_i32_0 : i32, i32, i32
  }
  func.func @transform_1(%arg0: i32) -> (i32, i32, i32) {
    %c0_i32 = arith.constant 0 : i32
    %c0_i32_0 = arith.constant 0 : i32
    %c0_i32_1 = arith.constant 0 : i32
    %c0_i32_2 = arith.constant 0 : i32
    return %c0_i32, %c0_i32_0, %c0_i32_1 : i32, i32, i32
  }
  func.func @transform_2(%arg0: i32) -> (i32, i32) {
    %c0_i32 = arith.constant 0 : i32
    %c0_i32_0 = arith.constant 0 : i32
    %c0_i32_1 = arith.constant 0 : i32
    return %c0_i32, %c0_i32_0 : i32, i32
  }
  func.func @transform_3(%arg0: i32) -> (i32, i32) {
    %c0_i32 = arith.constant 0 : i32
    %c0_i32_0 = arith.constant 0 : i32
    return %arg0, %c0_i32 : i32, i32
  }
}

module attributes {stable_mosaic.version = 14 : i64} {
  func.func @_gnn_pool_body(%arg0: i32, %arg1: memref<4x2000x128xf32, #tpu.memory_space<vmem>>, %arg2: memref<2000x512xf32, #tpu.memory_space<vmem>>, %arg3: memref<4x128x512xf32, #tpu.memory_space<vmem>>, %arg4: memref<1x1x2000xi32, #tpu.memory_space<vmem>>, %arg5: memref<64x512xf32, #tpu.memory_space<vmem>>, %arg6: memref<64x128xf32, #tpu.memory_space<vmem>>) attributes {dimension_semantics = [#tpu.dimension_semantics<arbitrary>], iteration_bounds = array<i64: 5>, scalar_prefetch = 0 : i64, scratch_operands = 1 : i64, tpu.core_type = #tpu.core_type<tc>, window_params = [{transform_indices = @transform_0, window_bounds = array<i64: 4, 2000, 128>}, {transform_indices = @transform_1, window_bounds = array<i64: 2000, 512>}, {pipeline_mode = #tpu.pipeline_mode<synchronous>, transform_indices = @transform_2, window_bounds = array<i64: 4, 128, 512>}, {transform_indices = @transform_3, window_bounds = array<i64: 1, 1, 2000>}, {pipeline_mode = #tpu.pipeline_mode<synchronous>, transform_indices = @transform_4, window_bounds = array<i64: 64, 512>}]} {
    %get3A = arith.constant 0 : index
    %get3A_0 = arith.constant 0 : index
    %get3A_1 = vector.load %arg2[%get3A, %get3A_0] : memref<2000x512xf32, #tpu.memory_space<vmem>>, vector<2000x512xf32>
    %get3A_2 = arith.constant 0 : index
    %get3A_3 = arith.constant 0 : index
    %get3A_4 = arith.constant 0 : index
    %get3A_5 = vector.load %arg1[%get3A_2, %get3A_3, %get3A_4] : memref<4x2000x128xf32, #tpu.memory_space<vmem>>, vector<1x2000x128xf32>
    %get3A_6 = vector.shape_cast %get3A_5 : vector<1x2000x128xf32> to vector<2000x128xf32>
    %get3A_7 = arith.constant 0 : index
    %get3A_8 = arith.constant 0 : index
    %get3A_9 = arith.constant 0 : index
    %get3A_10 = vector.load %arg3[%get3A_7, %get3A_8, %get3A_9] : memref<4x128x512xf32, #tpu.memory_space<vmem>>, vector<1x128x512xf32>
    %get3A_11 = vector.shape_cast %get3A_10 : vector<1x128x512xf32> to vector<128x512xf32>
    %dot_general3A = arith.constant dense<0.000000e+00> : vector<2000x512xf32>
    %dot_general3A_12 = tpu.matmul %get3A_6, %get3A_11, %dot_general3A {dimension_numbers = #tpu.dot_dimension_numbers<[1], [0], [0], [1], [0, 0, 1, 1], [], []>, transpose_lhs_hint = false} : vector<2000x128xf32>, vector<128x512xf32>, vector<2000x512xf32> -> vector<2000x512xf32>
    %add3A = arith.addf %get3A_1, %dot_general3A_12 : vector<2000x512xf32>
    %get3A_13 = arith.constant 1 : index
    %get3A_14 = arith.constant 0 : index
    %get3A_15 = arith.constant 0 : index
    %get3A_16 = vector.load %arg1[%get3A_13, %get3A_14, %get3A_15] : memref<4x2000x128xf32, #tpu.memory_space<vmem>>, vector<1x2000x128xf32>
    %get3A_17 = vector.shape_cast %get3A_16 : vector<1x2000x128xf32> to vector<2000x128xf32>
    %get3A_18 = arith.constant 0 : index
    %get3A_19 = arith.constant 0 : index
    %get3A_20 = arith.constant 0 : index
    %get3A_21 = vector.load %arg1[%get3A_18, %get3A_19, %get3A_20] : memref<4x2000x128xf32, #tpu.memory_space<vmem>>, vector<1x2000x128xf32>
    %get3A_22 = vector.shape_cast %get3A_21 : vector<1x2000x128xf32> to vector<2000x128xf32>
    %sub3A = arith.subf %get3A_17, %get3A_22 : vector<2000x128xf32>
    %get3A_23 = arith.constant 1 : index
    %get3A_24 = arith.constant 0 : index
    %get3A_25 = arith.constant 0 : index
    %get3A_26 = vector.load %arg3[%get3A_23, %get3A_24, %get3A_25] : memref<4x128x512xf32, #tpu.memory_space<vmem>>, vector<1x128x512xf32>
    %get3A_27 = vector.shape_cast %get3A_26 : vector<1x128x512xf32> to vector<128x512xf32>
    %dot_general3A_28 = arith.constant dense<0.000000e+00> : vector<2000x512xf32>
    %dot_general3A_29 = tpu.matmul %sub3A, %get3A_27, %dot_general3A_28 {dimension_numbers = #tpu.dot_dimension_numbers<[1], [0], [0], [1], [0, 0, 1, 1], [], []>, transpose_lhs_hint = false} : vector<2000x128xf32>, vector<128x512xf32>, vector<2000x512xf32> -> vector<2000x512xf32>
    %add3A_30 = arith.addf %add3A, %dot_general3A_29 : vector<2000x512xf32>
    %get3A_31 = arith.constant 2 : index
    %get3A_32 = arith.constant 0 : index
    %get3A_33 = arith.constant 0 : index
    %get3A_34 = vector.load %arg1[%get3A_31, %get3A_32, %get3A_33] : memref<4x2000x128xf32, #tpu.memory_space<vmem>>, vector<1x2000x128xf32>
    %get3A_35 = vector.shape_cast %get3A_34 : vector<1x2000x128xf32> to vector<2000x128xf32>
    %get3A_36 = arith.constant 2 : index
    %get3A_37 = arith.constant 0 : index
    %get3A_38 = arith.constant 0 : index
    %get3A_39 = vector.load %arg3[%get3A_36, %get3A_37, %get3A_38] : memref<4x128x512xf32, #tpu.memory_space<vmem>>, vector<1x128x512xf32>
    %get3A_40 = vector.shape_cast %get3A_39 : vector<1x128x512xf32> to vector<128x512xf32>
    %dot_general3A_41 = arith.constant dense<0.000000e+00> : vector<2000x512xf32>
    %dot_general3A_42 = tpu.matmul %get3A_35, %get3A_40, %dot_general3A_41 {dimension_numbers = #tpu.dot_dimension_numbers<[1], [0], [0], [1], [0, 0, 1, 1], [], []>, transpose_lhs_hint = false} : vector<2000x128xf32>, vector<128x512xf32>, vector<2000x512xf32> -> vector<2000x512xf32>
    %add3A_43 = arith.addf %add3A_30, %dot_general3A_42 : vector<2000x512xf32>
    %get3A_44 = arith.constant 3 : index
    %get3A_45 = arith.constant 0 : index
    %get3A_46 = arith.constant 0 : index
    %get3A_47 = vector.load %arg1[%get3A_44, %get3A_45, %get3A_46] : memref<4x2000x128xf32, #tpu.memory_space<vmem>>, vector<1x2000x128xf32>
    %get3A_48 = vector.shape_cast %get3A_47 : vector<1x2000x128xf32> to vector<2000x128xf32>
    %get3A_49 = arith.constant 2 : index
    %get3A_50 = arith.constant 0 : index
    %get3A_51 = arith.constant 0 : index
    %get3A_52 = vector.load %arg1[%get3A_49, %get3A_50, %get3A_51] : memref<4x2000x128xf32, #tpu.memory_space<vmem>>, vector<1x2000x128xf32>
    %get3A_53 = vector.shape_cast %get3A_52 : vector<1x2000x128xf32> to vector<2000x128xf32>
    %sub3A_54 = arith.subf %get3A_48, %get3A_53 : vector<2000x128xf32>
    %get3A_55 = arith.constant 3 : index
    %get3A_56 = arith.constant 0 : index
    %get3A_57 = arith.constant 0 : index
    %get3A_58 = vector.load %arg3[%get3A_55, %get3A_56, %get3A_57] : memref<4x128x512xf32, #tpu.memory_space<vmem>>, vector<1x128x512xf32>
    %get3A_59 = vector.shape_cast %get3A_58 : vector<1x128x512xf32> to vector<128x512xf32>
    %dot_general3A_60 = arith.constant dense<0.000000e+00> : vector<2000x512xf32>
    %dot_general3A_61 = tpu.matmul %sub3A_54, %get3A_59, %dot_general3A_60 {dimension_numbers = #tpu.dot_dimension_numbers<[1], [0], [0], [1], [0, 0, 1, 1], [], []>, transpose_lhs_hint = false} : vector<2000x128xf32>, vector<128x512xf32>, vector<2000x512xf32> -> vector<2000x512xf32>
    %add3A_62 = arith.addf %add3A_43, %dot_general3A_61 : vector<2000x512xf32>
    %max3A = arith.constant 0.000000e+00 : f32
    %max3A_63 = vector.broadcast %max3A : f32 to vector<2000x512xf32>
    %max3A_64 = arith.maximumf %add3A_62, %max3A_63 : vector<2000x512xf32>
    %get3A_65 = arith.constant 0 : index
    %get3A_66 = arith.constant 0 : index
    %get3A_67 = arith.constant 0 : index
    %get3A_68 = vector.load %arg4[%get3A_65, %get3A_66, %get3A_67] : memref<1x1x2000xi32, #tpu.memory_space<vmem>>, vector<1x1x2000xi32>
    %get3A_69 = vector.shape_cast %get3A_68 : vector<1x1x2000xi32> to vector<2000xi32>
    %iota3A = tpu.iota {dimensions = array<i32: 0>} : vector<64x2000xi32>
    %broadcast_in_dim3A = vector.shape_cast %get3A_69 : vector<2000xi32> to vector<1x2000xi32>
    %eq3A = vector.broadcast %broadcast_in_dim3A : vector<1x2000xi32> to vector<64x2000xi32>
    %eq3A_70 = arith.cmpi eq, %iota3A, %eq3A : vector<64x2000xi32>
    %convert_element_type3A = arith.extui %eq3A_70 : vector<64x2000xi1> to vector<64x2000xi32>
    %convert_element_type3A_71 = arith.sitofp %convert_element_type3A : vector<64x2000xi32> to vector<64x2000xf32>
    %dot_general3A_72 = arith.constant dense<0.000000e+00> : vector<64x512xf32>
    %dot_general3A_73 = tpu.matmul %convert_element_type3A_71, %max3A_64, %dot_general3A_72 {dimension_numbers = #tpu.dot_dimension_numbers<[1], [0], [0], [1], [0, 0, 1, 1], [], []>, transpose_lhs_hint = false} : vector<64x2000xf32>, vector<2000x512xf32>, vector<64x512xf32> -> vector<64x512xf32>
    %reduce_sum3A = arith.constant dense<0.000000e+00> : vector<64xf32>
    %reduce_sum3A_74 = vector.multi_reduction <add>, %convert_element_type3A_71, %reduce_sum3A [1] : vector<64x2000xf32> to vector<64xf32>
    %eq3A_75 = arith.constant 0 : i32
    %eq3A_76 = arith.cmpi eq, %arg0, %eq3A_75 : i32
    %convert_element_type3A_77 = arith.extui %eq3A_76 : i1 to i32
    %cond3A = arith.constant 0 : i32
    %cond3A_78 = arith.cmpi ne, %convert_element_type3A_77, %cond3A : i32
    scf.if %cond3A_78 {
      %broadcast_in_dim3A_100 = arith.constant 0.000000e+00 : f32
      %broadcast_in_dim3A_101 = vector.broadcast %broadcast_in_dim3A_100 : f32 to vector<64x512xf32>
      %swap3A_102 = arith.constant 0 : index
      %swap3A_103 = arith.constant 0 : index
      %swap3A_104 = vector.load %arg5[%swap3A_102, %swap3A_103] : memref<64x512xf32, #tpu.memory_space<vmem>>, vector<64x512xf32>
      tpu.vector_store %arg5[%swap3A_102, %swap3A_103], %broadcast_in_dim3A_101 {strides = array<i32>} : memref<64x512xf32, #tpu.memory_space<vmem>>, vector<64x512xf32>,
      %broadcast_in_dim3A_105 = arith.constant 0.000000e+00 : f32
      %broadcast_in_dim3A_106 = vector.broadcast %broadcast_in_dim3A_105 : f32 to vector<64x128xf32>
      %swap3A_107 = arith.constant 0 : index
      %swap3A_108 = arith.constant 0 : index
      %swap3A_109 = vector.load %arg6[%swap3A_107, %swap3A_108] : memref<64x128xf32, #tpu.memory_space<vmem>>, vector<64x128xf32>
      tpu.vector_store %arg6[%swap3A_107, %swap3A_108], %broadcast_in_dim3A_106 {strides = array<i32>} : memref<64x128xf32, #tpu.memory_space<vmem>>, vector<64x128xf32>,
    } else {
    }
    %get3A_79 = arith.constant 0 : index
    %get3A_80 = arith.constant 0 : index
    %get3A_81 = vector.load %arg5[%get3A_79, %get3A_80] : memref<64x512xf32, #tpu.memory_space<vmem>>, vector<64x512xf32>
    %add3A_82 = arith.addf %get3A_81, %dot_general3A_73 : vector<64x512xf32>
    %swap3A = arith.constant 0 : index
    %swap3A_83 = arith.constant 0 : index
    %swap3A_84 = vector.load %arg5[%swap3A, %swap3A_83] : memref<64x512xf32, #tpu.memory_space<vmem>>, vector<64x512xf32>
    tpu.vector_store %arg5[%swap3A, %swap3A_83], %add3A_82 {strides = array<i32>} : memref<64x512xf32, #tpu.memory_space<vmem>>, vector<64x512xf32>,
    %get3A_85 = arith.constant 0 : index
    %get3A_86 = arith.constant 0 : index
    %get3A_87 = vector.load %arg6[%get3A_85, %get3A_86] : memref<64x128xf32, #tpu.memory_space<vmem>>, vector<64x128xf32>
    %broadcast_in_dim3A_88 = vector.shape_cast %reduce_sum3A_74 : vector<64xf32> to vector<64x1xf32>
    %broadcast_in_dim3A_89 = vector.shape_cast %broadcast_in_dim3A_88 : vector<64x1xf32> to vector<64x1xf32>
    %broadcast_in_dim3A_90 = vector.broadcast %broadcast_in_dim3A_89 : vector<64x1xf32> to vector<64x128xf32>
    %add3A_91 = arith.addf %get3A_87, %broadcast_in_dim3A_90 : vector<64x128xf32>
    %swap3A_92 = arith.constant 0 : index
    %swap3A_93 = arith.constant 0 : index
    %swap3A_94 = vector.load %arg6[%swap3A_92, %swap3A_93] : memref<64x128xf32, #tpu.memory_space<vmem>>, vector<64x128xf32>
    tpu.vector_store %arg6[%swap3A_92, %swap3A_93], %add3A_91 {strides = array<i32>} : memref<64x128xf32, #tpu.memory_space<vmem>>, vector<64x128xf32>,
    %eq3A_95 = arith.constant 4 : i32
    %eq3A_96 = arith.cmpi eq, %arg0, %eq3A_95 : i32
    %convert_element_type3A_97 = arith.extui %eq3A_96 : i1 to i32
    %cond3A_98 = arith.constant 0 : i32
    %cond3A_99 = arith.cmpi ne, %convert_element_type3A_97, %cond3A_98 : i32
    scf.if %cond3A_99 {
      %get3A_100 = arith.constant 0 : index
      %get3A_101 = arith.constant 0 : index
      %get3A_102 = vector.load %arg5[%get3A_100, %get3A_101] : memref<64x512xf32, #tpu.memory_space<vmem>>, vector<64x512xf32>
      %get3A_103 = arith.constant 0 : index
      %get3A_104 = arith.constant 0 : index
      %get3A_105 = vector.load %arg6[%get3A_103, %get3A_104] : memref<64x128xf32, #tpu.memory_space<vmem>>, vector<64x1xf32>
      %max3A_106 = arith.constant 1.000000e+00 : f32
      %max3A_107 = vector.broadcast %max3A_106 : f32 to vector<64x1xf32>
      %max3A_108 = arith.maximumf %get3A_105, %max3A_107 : vector<64x1xf32>
      %div3A = vector.broadcast %max3A_108 : vector<64x1xf32> to vector<64x512xf32>
      %div3A_109 = arith.divf %get3A_102, %div3A : vector<64x512xf32>
      %swap3A_110 = arith.constant 0 : index
      %swap3A_111 = arith.constant 0 : index
      %swap3A_112 = vector.load %arg5[%swap3A_110, %swap3A_111] : memref<64x512xf32, #tpu.memory_space<vmem>>, vector<64x512xf32>
      tpu.vector_store %arg5[%swap3A_110, %swap3A_111], %div3A_109 {strides = array<i32>} : memref<64x512xf32, #tpu.memory_space<vmem>>, vector<64x512xf32>,
    } else {
    }
    return
  }
  func.func @transform_0(%arg0: i32) -> (i32, i32, i32) {
    %c0_i32 = arith.constant 0 : i32
    %c0_i32_0 = arith.constant 0 : i32
    %c0_i32_1 = arith.constant 0 : i32
    return %c0_i32, %arg0, %c0_i32_0 : i32, i32, i32
  }
  func.func @transform_1(%arg0: i32) -> (i32, i32) {
    %c0_i32 = arith.constant 0 : i32
    %c0_i32_0 = arith.constant 0 : i32
    return %arg0, %c0_i32 : i32, i32
  }
  func.func @transform_2(%arg0: i32) -> (i32, i32, i32) {
    %c0_i32 = arith.constant 0 : i32
    %c0_i32_0 = arith.constant 0 : i32
    %c0_i32_1 = arith.constant 0 : i32
    %c0_i32_2 = arith.constant 0 : i32
    return %c0_i32, %c0_i32_0, %c0_i32_1 : i32, i32, i32
  }
  func.func @transform_3(%arg0: i32) -> (i32, i32, i32) {
    %c0_i32 = arith.constant 0 : i32
    %c0_i32_0 = arith.constant 0 : i32
    %c0_i32_1 = arith.constant 0 : i32
    return %arg0, %c0_i32, %c0_i32_0 : i32, i32, i32
  }
  func.func @transform_4(%arg0: i32) -> (i32, i32) {
    %c0_i32 = arith.constant 0 : i32
    %c0_i32_0 = arith.constant 0 : i32
    %c0_i32_1 = arith.constant 0 : i32
    return %c0_i32, %c0_i32_0 : i32, i32
  }
}

</mosaic_0001>

<sc_bundles>
// kernel: kernel.6.cloned.1.call-start
scs
__scs_entry_jumppad:
0x0: {  	(pc) =	sbr.rel $0x88, $3  }
0x1: {  	(tag) =	ssettag $0x0;
	lr =	simm.s32 $0x1  }
0x2: {  	[smem:$0x3F99] =	sst lr;
	_ =	strace $0xD0000000  }
0x3: {  	_ = 	snop  }
0x4: {  	_ = 	snop  }
0x5: {  	_ = 	snop  }
0x6: {  	_ = 	snop  }
0x7: {  	_ = 	snop  }
__scs_overlays_trampoline_lowered:
0x8: {  	[smem:$0x3FA8] =	sst s0  }
0x9: {  	[smem:$0x3FA9] =	sst s1  }
0xa: {  	[smem:$0x3FAA] =	sst s2  }
0xb: {  	[smem:$0x3FAB] =	sst s3  }
0xc: {  	[smem:$0x3FAC] =	sst s4  }
0xd: {  	[smem:$0x3FAD] =	sst s5  }
0xe: {  	[smem:$0x3FAE] =	sst s6  }
0xf: {  	[smem:$0x3FAF] =	sst s7  }
0x10: {  	[smem:$0x3FB0] =	sst s8  }
0x11: {  	[smem:$0x3FB1] =	sst s9;
	s0 =	simm.s32 @!p0 $0x0  }
0x12: {  	s1 =	sld [smem:$0x3F97];
	s0 =	simm.s32 @p0 $0x1  }
0x13: {  	[smem:$0x3FB2] =	sst s0;
	s0 =	simm.s32 @!p1 $0x0  }
0x14: {  	s2 =	sld [smem:$0x3F96];
	s0 =	simm.s32 @p1 $0x1  }
0x15: {  	[smem:$0x3FB3] =	sst s0;
	s0 =	simm.s32 @!p2 $0x0  }
0x16: {  	s3 =	sld [smem:$0x3FDB];
	s0 =	simm.s32 @p2 $0x1  }
0x17: {  	s4 =	simm.s32 $0x1BF5;
	[smem:$0x3FB5] =	sst s0  }
0x18: {  	s0 =	sld [smem:$0x3F98];
	_ =	swait.ge [sflag:s4], $0x0  }
0x19: {  	s7 =	sld [smem:$0x3F99]  }
0x1a: {  	s8 =	sadd.s32 $0xFFFFE003, lr  }
0x1b: {  	s9 =	sadd.s32 $0xFFFFFEF7, lr;
	s5 =	simm.s32 $0xFFFFFFFF;
	p2 =	slt.u32 s8, $0xFFFFF086  }
0x1c: {  	p1 =	slt.u32 s9, $0xF7A;
	s5 =	simm.s32 @!p2 $0x0  }
0x1d: {  	s5 =	simm.s32 @p1 $0x1;
	p0 =	seq.s32 s7, s2  }
0x1e: {  	s7 =	smul.u32 @!p0 $0xF7A, s2;
	p2 =	seq.s32 @!p0 s5, $0x0  }
0x1f: {  	s9 =	smul.u32 $0xF7A, s1;
	s8 =	simm.s32 @!p0 $0x1BF5;
	p2 =	por !p2, p0  }
0x20: {  	[sflag:s8] =	ssyncset.s32 @!p0 $0xFFFFF086;
	s6 =	sadd.s32 @!p0 s3, s7;
	s7 =	simm.s32 @!p0 $0x108  }
0x21: {  	s3 =	sadd.s32 s3, s9;
	s6 =	sadd.s32 @!p0 $0x88, s6;
	s7 =	simm.s32 @p2 $0x1082  }
0x22: {  	[simem:s7], [sflag:s8] =	dma.local @!p0 [hbm:s6], $0xF7A  }
0x23: {  	s9 =	sor.u32 $0xD0000000, s2;
	s6 =	simm.s32 $0x108;
	_ =	swait.ge @!p0 [sflag:s8], $0x0  }
0x24: {  	s3 =	sadd.s32 $0x88, s3;
	s6 =	simm.s32 @!p1 $0x1082;
	[sflag:s4] =	ssyncset.s32 $0xFFFFF086  }
0x25: {  	[simem:s6], [sflag:s4] =	dma.local [hbm:s3], $0xF7A  }
0x26: {  	[smem:$0x3F99] =	sst s1;
	(tag) =	ssettag s2;
	_ =	strace s9  }
0x27: {  	s1 =	sld [smem:$0x3FA9]  }
0x28: {  	s2 =	sld [smem:$0x3FAA]  }
0x29: {  	s4 =	sld [smem:$0x3FAC]  }
0x2a: {  	p0 =	seq.s32 s5, $0x0;
	s5 =	sld [smem:$0x3FAD]  }
0x2b: {  	s6 =	sld [smem:$0x3FAE]  }
0x2c: {  	s7 =	sld [smem:$0x3FAF]  }
0x2d: {  	s3 =	simm.s32 $0x108;
	s8 =	sld [smem:$0x3FB0]  }
0x2e: {  	s3 =	simm.s32 @!p0 $0x1082;
	s9 =	sld [smem:$0x3FB1]  }
0x2f: {  	lr =	sadd.s32 s0, s3;
	s0 =	sld [smem:$0x3FA8]  }
0x30: {  	s3 =	sld [smem:$0x3FAB]  }
0x31: {  	[smem:$0x3FB4] =	sst s10  }
0x32: {  	s10 =	sld [smem:$0x3FB2];
	_ =	sdelay $0x3  }
0x33: {  	p0 =	seq.s32 s10, $0x1;
	s10 =	sld [smem:$0x3FB4];
	_ =	sdelay $0x3  }
0x34: {  	[smem:$0x3FB4] =	sst s10  }
0x35: {  	s10 =	sld [smem:$0x3FB3];
	_ =	sdelay $0x3  }
0x36: {  	p1 =	seq.s32 s10, $0x1;
	s10 =	sld [smem:$0x3FB4];
	_ =	sdelay $0x3  }
0x37: {  	[smem:$0x3FB4] =	sst s10  }
0x38: {  	s10 =	sld [smem:$0x3FB5]  }
0x39: {  	_ = 	snop;
	(pc) =	sbr.ind lr, $3  }
0x3a: {  	_ = 	snop  }
0x3b: {  	_ = 	snop  }
0x3c: {  	p2 =	seq.s32 s10, $0x1;
	s10 =	sld [smem:$0x3FB4]  }
0x3d: {  	_ =	shalt  }
0x3e: {  	_ =	shalt  }
0x3f: {  	_ =	shalt  }
0x40: {  	_ =	shalt  }
0x41: {  	_ =	shalt  }
0x42: {  	_ =	shalt  }
0x43: {  	_ =	shalt  }
0x44: {  	_ =	shalt  }
0x45: {  	_ =	shalt  }
0x46: {  	_ =	shalt  }
0x47: {  	_ =	shalt  }
0x48: {  	_ =	shalt  }
0x49: {  	_ =	shalt  }
0x4a: {  	_ =	shalt  }
0x4b: {  	_ =	shalt  }
0x4c: {  	_ =	shalt  }
0x4d: {  	_ =	shalt  }
0x4e: {  	_ =	shalt  }
0x4f: {  	_ =	shalt  }
0x50: {  	_ =	shalt  }
0x51: {  	_ =	shalt  }
0x52: {  	_ =	shalt  }
0x53: {  	_ =	shalt  }
0x54: {  	_ =	shalt  }
0x55: {  	_ =	shalt  }
0x56: {  	_ =	shalt  }
0x57: {  	_ =	shalt  }
0x58: {  	_ =	shalt  }
0x59: {  	_ =	shalt  }
0x5a: {  	_ =	shalt  }
0x5b: {  	_ =	shalt  }
0x5c: {  	_ =	shalt  }
0x5d: {  	_ =	shalt  }
0x5e: {  	_ =	shalt  }
0x5f: {  	_ =	shalt  }
0x60: {  	_ =	shalt  }
0x61: {  	_ =	shalt  }
0x62: {  	_ =	shalt  }
0x63: {  	_ =	shalt  }
0x64: {  	_ =	shalt  }
0x65: {  	_ =	shalt  }
0x66: {  	_ =	shalt  }
0x67: {  	_ =	shalt  }
0x68: {  	_ =	shalt  }
0x69: {  	_ =	shalt  }
0x6a: {  	_ =	shalt  }
0x6b: {  	_ =	shalt  }
0x6c: {  	_ =	shalt  }
0x6d: {  	_ =	shalt  }
0x6e: {  	_ =	shalt  }
0x6f: {  	_ =	shalt  }
0x70: {  	_ =	shalt  }
0x71: {  	_ =	shalt  }
0x72: {  	_ =	shalt  }
0x73: {  	_ =	shalt  }
0x74: {  	_ =	shalt  }
0x75: {  	_ =	shalt  }
0x76: {  	_ =	shalt  }
0x77: {  	_ =	shalt  }
0x78: {  	_ =	shalt  }
0x79: {  	_ =	shalt  }
0x7a: {  	_ =	shalt  }
0x7b: {  	_ =	shalt  }
0x7c: {  	_ =	shalt  }
0x7d: {  	_ =	shalt  }
0x7e: {  	_ =	shalt  }
0x7f: {  	_ =	shalt  }
0x80: {  	_ =	shalt  }
0x81: {  	_ =	shalt  }
0x82: {  	_ =	shalt  }
0x83: {  	_ =	shalt  }
0x84: {  	_ =	shalt  }
0x85: {  	_ =	shalt  }
0x86: {  	_ =	shalt  }
0x87: {  	_ =	shalt  }
.Lfunc_end0:
.L_simem_size_0:
called_computation_lowered:
.L_overlay_start_0:
0x88: {  	s2 =	sld [smem:$0x3FD9]  }
0x89: {  	s3 =	sld [smem:$0x3FFE];
	_ =	sdelay $0x1  }
0x8a: {  	s1 =	srdreg.scid  }
0x8b: {  	s0 =	sand.u32 $0x1, s1  }
0x8c: {  	s16 =	sshll.u32 s0, $0xA;
	s2 =	sadd.s32 s3, s2  }
0x8d: {  	s2 =	sadd.s32 s2, s16  }
0x8e: {  	[smem:$0x3FC0] =	sst s2  }
0x8f: {  	_ = 	snop  }
0x90: {  	(tm) =	ssettm $0x1  }
0x91: {  	s17 =	sld [smem:$0x3FFB];
	_ =	sdelay $0x3  }
0x92: {  	_ =	strace s17  }
0x93: {  	s2 =	sld [smem:$0x3FFC];
	_ =	sdelay $0x3  }
0x94: {  	_ =	strace s2  }
0x95: {  	s2 =	sld [smem:$0x3FFD];
	_ =	sdelay $0x3  }
0x96: {  	_ =	strace s2  }
0x97: {  	_ =	strace $0x8FFFFFFF  }
0x98: {  	s18 =	sld [smem:$0x3FDB];
	_ =	sdelay $0x1  }
0x99: {  	s19 =	simm.s32 $_scs_section_size  }
0x9a: {  	s4 =	simm.s32 $_size__tile_overlayer_lowered;
	s5 =	simm.s32 $_tile_overlayer_lowered  }
0x9b: {  	s22 =	simm.s32 $0x1BFF;
	s21 =	sshll.u32 s5, $0x1;
	s2 =	sadd.s32 s19, s18  }
0x9c: {  	s6 =	simm.s32 $0x0;
	s20 =	sshll.u32 s4, $0x1;
	s4 =	sadd.s32 s21, s2  }
0x9d: {  	[timem:s6], [sflag:s22] =	dma.local [hbm:s4], s20  }
0x9e: {  	_ =	swait.ge [sflag:s22], s20  }
0x9f: {  	s3 =	ssub.s32 $0x0, s20;
	[sflag:s22] =	ssyncset.done $0x0  }
0xa0: {  	[sflag:s22] =	ssyncadd.s32 s3;
	_ =	sdelay $0x1  }
0xa1: {  	s23 =	simm.s32 $0x1B8B  }
0xa2: {  	_ =	swait.ge [sflag:s23], $0x1  }
0xa3: {  	[sflag:s23] =	ssyncset.done $0x0  }
0xa4: {  	s25 =	simm.s32 $0x1B8E;
	s24 =	sld [smem:$0x3FFE];
	[sflag:s23] =	ssyncadd.s32 $0xFFFFFFFF  }
0xa5: {  	s26 =	simm.s32 $execute0_lowered;
	[smem:$0x3FD2] =	sst s25  }
0xa6: {  	s4 =	sshll.u32 s26, $0x1;
	_ =	strace $0x80000046;
	[dreg:$0x1] =	wrdreg $0xFFFFFFFF  }
0xa7: {  	s28 =	simm.s32 $_size_execute0_lowered;
	s2 =	sadd.s32 s2, s4;
	[dreg:$0x0] =	wrdreg $0x0  }
0xa8: {  	s4 =	sshll.u32 s28, $0x1;
	[dreg:$0x2] =	wrdreg s2  }
0xa9: {  	[dreg:$0x3] =	wrdreg s4  }
0xaa: {  	[dreg:$0x4] =	wrdreg $0xC0  }
0xab: {  	_ =	task [dreg:s6], $0x5FFFF  }
0xac: {  	[dreg:$0x1] =	wrdreg $0xFFFFFFFF  }
0xad: {  	[dreg:$0x0] =	wrdreg $0x60  }
0xae: {  	[dreg:$0x2] =	wrdreg s24  }
0xaf: {  	[dreg:$0x3] =	wrdreg $0x0  }
0xb0: {  	[dreg:$0x4] =	wrdreg $0x9  }
0xb1: {  	_ =	task.clear_ibuf [dreg:s6], $0x5FFFF;
	_ =	strace $0x90000046  }
0xb2: {  	s29 =	simm.s32 $0x9;
	_ =	strace $0x80000048  }
0xb3: {  	_ =	swait.ge [sflag:s29], $0x1  }
0xb4: {  	[sflag:s29] =	ssyncadd.s32 $0xFFFFFFFF  }
0xb5: {  	_ =	strace $0x90000048  }
0xb6: {  	_ =	sfence  }
0xb7: {  	s30 =	sld [smem:$0x0];
	_ =	sdelay $0x2  }
0xb8: {  	s31 =	sshll.u32 s1, $0xD;
	s1 =	sshrl.u32 s1, $0x2  }
0xb9: {  	s3 =	sand.u32 $0x4000, s31;
	s1 =	sadd.s32 s1, s30  }
0xba: {  	s0 =	sor.u32 s3, s0;
	s1 =	sshll.u32 s1, $0x11  }
0xbb: {  	s0 =	sor.u32 s1, s0  }
0xbc: {  	s0 =	sadd.s32 $0x8F2B, s0  }
0xbd: {  	[sflag:s0] =	ssyncadd.remote.s32 $0x1  }
0xbe: {  	_ =	sfence.sel $0xFFFF  }
0xbf: {  	[dreg:$0x0] =	wrdreg $0xFFFFFFFF;
	(pc) =	sbr.abs _section_cstart, $3  }
0xc0: {  	[dreg:$0x1] =	wrdreg $0xFFFFFFFF  }
0xc1: {  	_ =	task.clear_ibuf [dreg:s6], $0x2FFFF;
	_ =	strace $0x9FFFFFFF  }
0xc2: {  	(tm) =	ssettm $0x7FFFFFFF  }
0xc3: {  	_ =	shalt  }
tec
execute0_lowered:
.L_overlay_start_1:
0x0: {  	(tag) =	ssettag $0x1  }
0x1: {  	s0 =	rddreg [dreg:$0x0]  }
0x2: {  	s1 =	rddreg [dreg:$0x1]  }
0x3: {  	s3 =	simm.s32 $0x0;
	s4 =	srdreg.scid;
	s17 =	stileid.u32  }
0x4: {  	[smem:$0x7FF] =	sst s3;
	s8 =	sand.u32 $0x1, s4;
	s29 =	smul.u32 $0x4F000, s17  }
0x5: {  	s9 =	sadd.s32 $0x1600, s0;
	s11 =	smul.u32 $0x500, s17;
	s5 =	ssub.s32 $0x2, s8  }
0x6: {  	s13 =	sadd.s32 $0x6480, s0;
	_ =	strace $0x80000047;
	s6 =	sshrl.u32 s5, $0x1  }
0x7: {  	s4 =	sshrl.u32 s29, $0x2;
	s21 =	sadd.s32 s9, s11;
	s26 =	sadd.s32 s11, s13  }
0x8: {  	s12 =	ssub.s32 s5, s6;
	s5 =	sadd.s32 s4, s1;
	[dreg:$0x3] =	wrdreg s21  }
0x9: {  	s28 =	simm.s32 $0x1CC00;
	[dreg:$0x4] =	wrdreg s26;
	s4 =	sadd.s32 $0x1000, s5  }
0xa: {  	s7 =	sadd.s32 $0xB400, s0;
	s30 =	sadd.s32 $0x2000, s5;
	[dreg:$0x5] =	wrdreg s4  }
0xb: {  	s10 =	sadd.s32 $0xA7800, s0;
	s31 =	sadd.s32 $0x3000, s5;
	[dreg:$0x6] =	wrdreg s30  }
0xc: {  	p0 =	seq.s32 s17, $0xF;
	s14 =	sadd.s32 $0x4000, s5;
	[dreg:$0x7] =	wrdreg s31  }
0xd: {  	s6 =	smul.u32 $0x2800, s17;
	s15 =	sadd.s32 $0x5000, s5;
	[dreg:$0x8] =	wrdreg s14  }
0xe: {  	s19 =	sadd.s32 $0x6000, s5;
	s20 =	sadd.s32 $0x7000, s5;
	[dreg:$0x9] =	wrdreg s15  }
0xf: {  	s22 =	sadd.s32 $0x8000, s5;
	[dreg:$0xa] =	wrdreg s19;
	s14 =	smul.u32 $0x4E200, s8  }
0x10: {  	s29 =	sadd.s32 $0x9000, s5;
	[dreg:$0xb] =	wrdreg s20;
	s15 =	smul.u32 $0x4F000, s8  }
0x11: {  	s11 =	sshrl.u32 s6, $0x3;
	s8 =	sshllo.u32 s8, $0x1;
	[dreg:$0xc] =	wrdreg s22  }
0x12: {  	[dreg:$0xf] =	wrdreg s29;
	s30 =	smul.u32 $0x2780, s17;
	s6 =	sadd.s32 $0xA000, s5  }
0x13: {  	s17 =	sadd.s32 $0xC000, s5;
	s19 =	sadd.s32 $0xD000, s5;
	[dreg:$0x10] =	wrdreg s6  }
0x14: {  	s29 =	sadd.s32 $0x11000, s5;
	s4 =	simm.s32 $0x1DF80;
	[dreg:$0x17] =	wrdreg s17  }
0x15: {  	s11 =	sadd.s32 $0x280, s11;
	s24 =	smul.u32 $0x27100, s8;
	[dreg:$0x18] =	wrdreg s19  }
0x16: {  	s8 =	smul.u32 $0x27800, s8;
	[dreg:$0x1c] =	wrdreg s29;
	s23 =	sadd.s32 s9, s11  }
0x17: {  	s17 =	simm.s32 $0x1;
	s25 =	sadd.s32 s11, s13;
	[dreg:$0xd] =	wrdreg s23  }
0x18: {  	s19 =	simm.s32 $0x2;
	s13 =	sadd.s32 $0x6380, s0;
	[dreg:$0xe] =	wrdreg s25  }
0x19: {  	s6 =	simm.s32 $0x1F300;
	s0 =	sadd.s32 $0xB200, s0;
	[dreg:$0x13] =	wrdreg s13  }
0x1a: {  	s20 =	sadd.s32 s7, s14;
	s14 =	smax.u32 s12, $0x1;
	[dreg:$0x14] =	wrdreg s0  }
0x1b: {  	s31 =	sadd.s32 s10, s15;
	s15 =	sadd.s32 $0xB000, s5;
	[dreg:$0x15] =	wrdreg s14  }
0x1c: {  	s8 =	sadd.s32 s10, s8;
	s10 =	sadd.s32 s30, s31;
	[dreg:$0x16] =	wrdreg s15  }
0x1d: {  	s22 =	sadd.s32 s7, s24;
	s23 =	sadd.s32 $0xE000, s5;
	[dreg:$0x11] =	wrdreg s10  }
0x1e: {  	s24 =	sadd.s32 $0xF000, s5;
	s25 =	sadd.s32 $0x10000, s5;
	[dreg:$0x19] =	wrdreg s23  }
0x1f: {  	s31 =	sadd.s32 $0x13000, s5;
	s14 =	simm.s32 $0x13C00;
	[dreg:$0x1a] =	wrdreg s24  }
0x20: {  	s15 =	simm.s32 $0x3;
	s11 =	sadd.s32 s30, s8;
	[dreg:$0x1b] =	wrdreg s25  }
0x21: {  	s30 =	sadd.s32 $0x12000, s5;
	[dreg:$0x1e] =	wrdreg s31;
	s8 =	simm.s32 $0x1E000  }
0x22: {  	s23 =	simm.s32 $0x80;
	s24 =	simm.s32 $0x14C00;
	[dreg:$0x12] =	wrdreg s11  }
0x23: {  	v0 =	vimm.f32 $0.0e+00;
	s25 =	simm.s32 $0x18C00;
	[dreg:$0x1d] =	wrdreg s30;
	s11 =	simm.s32 $0x1F380  }
.LBB2_1:
0x24: {  	s0 =	simm.s32 $0x0;
	s7 =	simm.s32 $0x200  }
.LBB2_2:
0x25: {  	p1 =	sne.s32 s7, $0x3E00;
	[tilespmem:s0+$0x13C70] =	vst v0  }
0x26: {  	[tilespmem:s0+$0x13C00] =	vst v0  }
0x27: {  	[tilespmem:s0+$0x13C10] =	vst v0  }
.Ltmp0:
0x28: {  	[tilespmem:s0+$0x13C20] =	vst v0;
	(pc) =	sbr.rel @p1 .LBB2_2-.Ltmp0, $4  }
0x29: {  	[tilespmem:s0+$0x13C30] =	vst v0  }
0x2a: {  	[tilespmem:s0+$0x13C40] =	vst v0  }
0x2b: {  	[tilespmem:s0+$0x13C50] =	vst v0  }
0x2c: {  	[tilespmem:s0+$0x13C60] =	vst v0;
	s0 =	sshra.s32 s7, $0x2;
	s7 =	sadd.s32 $0x200, s7  }
0x2d: {  	[tilespmem:s0+$0x13C70] =	vst v0  }
0x2e: {  	[tilespmem:s0+$0x13C00] =	vst v0  }
0x2f: {  	[tilespmem:s0+$0x13C10] =	vst v0  }
0x30: {  	[tilespmem:s0+$0x13C20] =	vst v0  }
0x31: {  	[tilespmem:s0+$0x13C30] =	vst v0  }
0x32: {  	[tilespmem:s0+$0x13C40] =	vst v0  }
0x33: {  	[tilespmem:s0+$0x13C50] =	vst v0  }
0x34: {  	[tilespmem:s0+$0x13C60] =	vst v0;
	s30 =	simm.s32 $0x0  }
0x35: {  	[tilespmem:s28], [sflag:$0x1] =	stream.linear.gather [hbm4b:s21+s30], $0x1400, $0x38;
	[tilespmem:$0x1F400] =	vst v63  }
0x36: {  	_ = 	snop  }
0x37: {  	[tilespmem:s8], [sflag:$0x2] =	stream.linear.gather [hbm4b:s26+s30], $0x1400, $0x38;
	[tilespmem:$0x1F400] =	vst v63  }
0x38: {  	_ = 	snop  }
0x39: {  	[spmem:s5] =	stream.linear.scatter [tilespmem:s14], [sflag:$0x3], $0x1000, $0x38;
	[tilespmem:$0x1F400] =	vst v63  }
0x3a: {  	_ =	swait.ge [sflag:s15], $0x1000  }
0x3b: {  	[sflag:s15] =	ssyncset.done $0x0  }
0x3c: {  	s31 =	rddreg [dreg:$0x5];
	[sflag:s15] =	ssyncadd.s32 $0xFFFFF000  }
0x3d: {  	[spmem:s31] =	stream.linear.scatter [tilespmem:s14], [sflag:$0x3], $0x1000, $0x38;
	[tilespmem:$0x1F400] =	vst v63  }
0x3e: {  	_ =	swait.ge [sflag:s15], $0x1000  }
0x3f: {  	[sflag:s15] =	ssyncset.done $0x0  }
0x40: {  	s7 =	rddreg [dreg:$0x6];
	[sflag:s15] =	ssyncadd.s32 $0xFFFFF000  }
0x41: {  	[spmem:s7] =	stream.linear.scatter [tilespmem:s14], [sflag:$0x3], $0x1000, $0x38;
	[tilespmem:$0x1F400] =	vst v63  }
0x42: {  	_ =	swait.ge [sflag:s15], $0x1000  }
0x43: {  	[sflag:s15] =	ssyncset.done $0x0  }
0x44: {  	s8 =	rddreg [dreg:$0x7];
	[sflag:s15] =	ssyncadd.s32 $0xFFFFF000  }
0x45: {  	[spmem:s8] =	stream.linear.scatter [tilespmem:s14], [sflag:$0x3], $0x1000, $0x38;
	[tilespmem:$0x1F400] =	vst v63  }
0x46: {  	_ =	swait.ge [sflag:s15], $0x1000  }
0x47: {  	[sflag:s15] =	ssyncset.done $0x0  }
0x48: {  	s9 =	rddreg [dreg:$0x8];
	[sflag:s15] =	ssyncadd.s32 $0xFFFFF000  }
0x49: {  	[spmem:s9] =	stream.linear.scatter [tilespmem:s14], [sflag:$0x3], $0x1000, $0x38;
	[tilespmem:$0x1F400] =	vst v63  }
0x4a: {  	_ =	swait.ge [sflag:s15], $0x1000  }
0x4b: {  	[sflag:s15] =	ssyncset.done $0x0  }
0x4c: {  	s10 =	rddreg [dreg:$0x9];
	[sflag:s15] =	ssyncadd.s32 $0xFFFFF000  }
0x4d: {  	[spmem:s10] =	stream.linear.scatter [tilespmem:s14], [sflag:$0x3], $0x1000, $0x38;
	[tilespmem:$0x1F400] =	vst v63  }
0x4e: {  	_ =	swait.ge [sflag:s15], $0x1000  }
0x4f: {  	[sflag:s15] =	ssyncset.done $0x0  }
0x50: {  	s12 =	rddreg [dreg:$0xa];
	[sflag:s15] =	ssyncadd.s32 $0xFFFFF000  }
0x51: {  	[spmem:s12] =	stream.linear.scatter [tilespmem:s14], [sflag:$0x3], $0x1000, $0x38;
	[tilespmem:$0x1F400] =	vst v63  }
0x52: {  	_ =	swait.ge [sflag:s15], $0x1000  }
0x53: {  	[sflag:s15] =	ssyncset.done $0x0  }
0x54: {  	s13 =	rddreg [dreg:$0xb];
	[sflag:s15] =	ssyncadd.s32 $0xFFFFF000  }
0x55: {  	[spmem:s13] =	stream.linear.scatter [tilespmem:s14], [sflag:$0x3], $0x1000, $0x38;
	[tilespmem:$0x1F400] =	vst v63  }
0x56: {  	_ =	swait.ge [sflag:s15], $0x1000  }
0x57: {  	[sflag:s15] =	ssyncset.done $0x0  }
0x58: {  	s21 =	rddreg [dreg:$0xc];
	[sflag:s15] =	ssyncadd.s32 $0xFFFFF000  }
0x59: {  	[spmem:s21] =	stream.linear.scatter [tilespmem:s14], [sflag:$0x3], $0x1000, $0x38;
	[tilespmem:$0x1F400] =	vst v63  }
0x5a: {  	_ =	swait.ge [sflag:s15], $0x1000  }
0x5b: {  	[sflag:s15] =	ssyncset.done $0x0  }
0x5c: {  	s26 =	rddreg [dreg:$0xf];
	[sflag:s15] =	ssyncadd.s32 $0xFFFFF000  }
0x5d: {  	[spmem:s26] =	stream.linear.scatter [tilespmem:s14], [sflag:$0x3], $0x1000, $0x38;
	[tilespmem:$0x1F400] =	vst v63  }
0x5e: {  	_ =	swait.ge [sflag:s15], $0x1000  }
0x5f: {  	[sflag:s15] =	ssyncset.done $0x0  }
0x60: {  	s29 =	rddreg [dreg:$0x10];
	[sflag:s15] =	ssyncadd.s32 $0xFFFFF000  }
0x61: {  	[spmem:s29] =	stream.linear.scatter [tilespmem:s14], [sflag:$0x3], $0x1000, $0x38;
	[tilespmem:$0x1F400] =	vst v63  }
0x62: {  	_ =	swait.ge [sflag:s15], $0x1000  }
0x63: {  	[sflag:s15] =	ssyncset.done $0x0  }
0x64: {  	s30 =	rddreg [dreg:$0x16];
	[sflag:s15] =	ssyncadd.s32 $0xFFFFF000  }
0x65: {  	[spmem:s30] =	stream.linear.scatter [tilespmem:s14], [sflag:$0x3], $0x1000, $0x38;
	[tilespmem:$0x1F400] =	vst v63  }
0x66: {  	_ =	swait.ge [sflag:s15], $0x1000  }
0x67: {  	[sflag:s15] =	ssyncset.done $0x0  }
0x68: {  	s31 =	rddreg [dreg:$0x17];
	[sflag:s15] =	ssyncadd.s32 $0xFFFFF000  }
0x69: {  	[spmem:s31] =	stream.linear.scatter [tilespmem:s14], [sflag:$0x3], $0x1000, $0x38;
	[tilespmem:$0x1F400] =	vst v63  }
0x6a: {  	_ =	swait.ge [sflag:s15], $0x1000  }
0x6b: {  	[sflag:s15] =	ssyncset.done $0x0  }
0x6c: {  	s7 =	rddreg [dreg:$0x18];
	[sflag:s15] =	ssyncadd.s32 $0xFFFFF000  }
0x6d: {  	[spmem:s7] =	stream.linear.scatter [tilespmem:s14], [sflag:$0x3], $0x1000, $0x38;
	[tilespmem:$0x1F400] =	vst v63  }
0x6e: {  	_ =	swait.ge [sflag:s15], $0x1000  }
0x6f: {  	[sflag:s15] =	ssyncset.done $0x0  }
0x70: {  	s8 =	rddreg [dreg:$0x19];
	[sflag:s15] =	ssyncadd.s32 $0xFFFFF000  }
0x71: {  	[spmem:s8] =	stream.linear.scatter [tilespmem:s14], [sflag:$0x3], $0x1000, $0x38;
	[tilespmem:$0x1F400] =	vst v63  }
0x72: {  	_ =	swait.ge [sflag:s15], $0x1000  }
0x73: {  	[sflag:s15] =	ssyncset.done $0x0  }
0x74: {  	s9 =	rddreg [dreg:$0x1a];
	[sflag:s15] =	ssyncadd.s32 $0xFFFFF000  }
0x75: {  	[spmem:s9] =	stream.linear.scatter [tilespmem:s14], [sflag:$0x3], $0x1000, $0x38;
	[tilespmem:$0x1F400] =	vst v63  }
0x76: {  	_ =	swait.ge [sflag:s15], $0x1000  }
0x77: {  	[sflag:s15] =	ssyncset.done $0x0  }
0x78: {  	s10 =	rddreg [dreg:$0x1b];
	[sflag:s15] =	ssyncadd.s32 $0xFFFFF000  }
0x79: {  	[spmem:s10] =	stream.linear.scatter [tilespmem:s14], [sflag:$0x3], $0x1000, $0x38;
	[tilespmem:$0x1F400] =	vst v63  }
0x7a: {  	_ =	swait.ge [sflag:s15], $0x1000  }
0x7b: {  	[sflag:s15] =	ssyncset.done $0x0  }
0x7c: {  	s12 =	rddreg [dreg:$0x1c];
	[sflag:s15] =	ssyncadd.s32 $0xFFFFF000  }
0x7d: {  	[spmem:s12] =	stream.linear.scatter [tilespmem:s14], [sflag:$0x3], $0x1000, $0x38;
	[tilespmem:$0x1F400] =	vst v63  }
0x7e: {  	_ =	swait.ge [sflag:s15], $0x1000  }
0x7f: {  	[sflag:s15] =	ssyncset.done $0x0  }
0x80: {  	s13 =	rddreg [dreg:$0x1d];
	[sflag:s15] =	ssyncadd.s32 $0xFFFFF000  }
0x81: {  	[spmem:s13] =	stream.linear.scatter [tilespmem:s14], [sflag:$0x3], $0x1000, $0x38;
	[tilespmem:$0x1F400] =	vst v63  }
0x82: {  	_ =	swait.ge [sflag:s15], $0x1000  }
0x83: {  	[sflag:s15] =	ssyncset.done $0x0  }
0x84: {  	s21 =	rddreg [dreg:$0x1e];
	[sflag:s15] =	ssyncadd.s32 $0xFFFFF000  }
0x85: {  	[spmem:s21] =	stream.linear.scatter [tilespmem:s14], [sflag:$0x3], $0xC00, $0x38;
	[tilespmem:$0x1F400] =	vst v63  }
0x86: {  	_ =	swait.ge [sflag:s15], $0xC00  }
0x87: {  	[sflag:s15] =	ssyncset.done $0x0  }
0x88: {  	[sflag:s15] =	ssyncadd.s32 $0xFFFFF400  }
0x89: {  	_ =	swait.ge [sflag:s17], $0x1400  }
0x8a: {  	[sflag:s17] =	ssyncset.done $0x0  }
0x8b: {  	[sflag:s17] =	ssyncadd.s32 $0xFFFFEC00  }
0x8c: {  	_ =	swait.ge [sflag:s19], $0x1400  }
0x8d: {  	[sflag:s19] =	ssyncset.done $0x0  }
0x8e: {  	[sflag:s19] =	ssyncadd.s32 $0xFFFFEC00  }
0x8f: {  	[bflag:$0x0] =	sbarrier.arrive $0xFFFF  }
0x90: {  	[tilespmem:s24], [sflag:$0x1] =	stream.indirect.gather [hbm4b:s20+s23], $0x80, s28, s23, $0xb8;
	[tilespmem:$0x1F400] =	vst v63  }
0x91: {  	s26 =	simm.s32 $0x1CC80  }
0x92: {  	[tilespmem:s25], [sflag:$0x2] =	stream.indirect.gather [hbm4b:s20+s23], $0x80, s26, s23, $0xb8;
	[tilespmem:$0x1F400] =	vst v63  }
0x93: {  	_ =	swait.ge [sflag:s17], $0x4000  }
0x94: {  	[sflag:s17] =	ssyncset.done $0x0  }
0x95: {  	s29 =	simm.s32 $0x1E000;
	[sflag:s17] =	ssyncadd.s32 $0xFFFFC000  }
0x96: {  	[spmem:s1] =	stream.indirect.scatter.add.f32 [tilespmem:s24], [sflag:$0x3], $0x80, s29, s23, $0xb8;
	[tilespmem:$0x1F400] =	vst v63  }
0x97: {  	_ =	swait.ge [sflag:s15], $0x4000  }
0x98: {  	[sflag:s15] =	ssyncset.done $0x0  }
0x99: {  	s30 =	simm.s32 $0x1CD00;
	[sflag:s15] =	ssyncadd.s32 $0xFFFFC000  }
0x9a: {  	[tilespmem:s24], [sflag:$0x1] =	stream.indirect.gather [hbm4b:s20+s23], $0x80, s30, s23, $0xb8;
	[tilespmem:$0x1F400] =	vst v63  }
0x9b: {  	_ =	swait.ge [sflag:s19], $0x4000  }
0x9c: {  	[sflag:s19] =	ssyncset.done $0x0  }
0x9d: {  	s31 =	simm.s32 $0x1E080;
	[sflag:s19] =	ssyncadd.s32 $0xFFFFC000  }
0x9e: {  	[spmem:s1] =	stream.indirect.scatter.add.f32 [tilespmem:s25], [sflag:$0x3], $0x80, s31, s23, $0xb8;
	[tilespmem:$0x1F400] =	vst v63  }
0x9f: {  	_ =	swait.ge [sflag:s15], $0x4000  }
0xa0: {  	s0 =	simm.s32 $0x100;
	s7 =	simm.s32 $0x800;
	[sflag:s15] =	ssyncset.done $0x0  }
.LBB2_4:
0xa1: {  	s8 =	sadd.s32 $0x1CC80, s0  }
0xa2: {  	[sflag:s15] =	ssyncadd.s32 $0xFFFFC000;
	s9 =	smov.u32 s7;
	s10 =	sadd.s32 $0x400, s7  }
0xa3: {  	[tilespmem:s25], [sflag:$0x2] =	stream.indirect.gather [hbm4b:s20+s23], $0x80, s8, s23, $0xb8;
	[tilespmem:$0x1F400] =	vst v63  }
0xa4: {  	p1 =	sne.s32 s7, $0x4800;
	_ =	swait.ge [sflag:s17], $0x4000  }
0xa5: {  	[sflag:s17] =	ssyncset.done $0x0  }
0xa6: {  	s7 =	sadd.s32 $0x1E000, s0;
	[sflag:s17] =	ssyncadd.s32 $0xFFFFC000  }
0xa7: {  	[spmem:s1] =	stream.indirect.scatter.add.f32 [tilespmem:s24], [sflag:$0x3], $0x80, s7, s23, $0xb8;
	[tilespmem:$0x1F400] =	vst v63  }
0xa8: {  	_ =	swait.ge [sflag:s15], $0x4000  }
0xa9: {  	[sflag:s15] =	ssyncset.done $0x0  }
0xaa: {  	s7 =	sadd.s32 $0x1CD00, s0;
	[sflag:s15] =	ssyncadd.s32 $0xFFFFC000  }
0xab: {  	[tilespmem:s24], [sflag:$0x1] =	stream.indirect.gather [hbm4b:s20+s23], $0x80, s7, s23, $0xb8;
	[tilespmem:$0x1F400] =	vst v63  }
0xac: {  	_ =	swait.ge [sflag:s19], $0x4000  }
.Ltmp1:
0xad: {  	[sflag:s19] =	ssyncset.done $0x0;
	(pc) =	sbr.rel @p1 .LBB2_4-.Ltmp1, $4  }
0xae: {  	s0 =	sadd.s32 $0x1E080, s0;
	[sflag:s19] =	ssyncadd.s32 $0xFFFFC000  }
0xaf: {  	[spmem:s1] =	stream.indirect.scatter.add.f32 [tilespmem:s25], [sflag:$0x3], $0x80, s0, s23, $0xb8;
	[tilespmem:$0x1F400] =	vst v63  }
0xb0: {  	_ =	swait.ge [sflag:s15], $0x4000  }
0xb1: {  	s7 =	smov.u32 s10;
	s0 =	sshra.s32 s9, $0x2;
	[sflag:s15] =	ssyncset.done $0x0  }
0xb2: {  	s7 =	sadd.s32 $0x1CC80, s0;
	[sflag:s15] =	ssyncadd.s32 $0xFFFFC000  }
0xb3: {  	[tilespmem:s25], [sflag:$0x2] =	stream.indirect.gather [hbm4b:s20+s23], $0x80, s7, s23, $0xb8;
	[tilespmem:$0x1F400] =	vst v63  }
0xb4: {  	_ =	swait.ge [sflag:s17], $0x4000  }
0xb5: {  	[sflag:s17] =	ssyncset.done $0x0  }
0xb6: {  	s13 =	sadd.s32 $0x1E000, s0;
	[sflag:s17] =	ssyncadd.s32 $0xFFFFC000  }
0xb7: {  	[spmem:s1] =	stream.indirect.scatter.add.f32 [tilespmem:s24], [sflag:$0x3], $0x80, s13, s23, $0xb8;
	[tilespmem:$0x1F400] =	vst v63  }
0xb8: {  	_ =	swait.ge [sflag:s15], $0x4000  }
0xb9: {  	[sflag:s15] =	ssyncset.done $0x0  }
0xba: {  	s21 =	sadd.s32 $0x1CD00, s0;
	[sflag:s15] =	ssyncadd.s32 $0xFFFFC000  }
0xbb: {  	[tilespmem:s24], [sflag:$0x1] =	stream.indirect.gather [hbm4b:s20+s23], $0x80, s21, s23, $0xb8;
	[tilespmem:$0x1F400] =	vst v63  }
0xbc: {  	_ =	swait.ge [sflag:s19], $0x4000  }
0xbd: {  	[sflag:s19] =	ssyncset.done $0x0  }
0xbe: {  	s26 =	sadd.s32 $0x1E080, s0;
	[sflag:s19] =	ssyncadd.s32 $0xFFFFC000  }
0xbf: {  	[spmem:s1] =	stream.indirect.scatter.add.f32 [tilespmem:s25], [sflag:$0x3], $0x80, s26, s23, $0xb8;
	[tilespmem:$0x1F400] =	vst v63  }
0xc0: {  	_ =	swait.ge [sflag:s15], $0x4000  }
0xc1: {  	[sflag:s15] =	ssyncset.done $0x0  }
0xc2: {  	[sflag:s15] =	ssyncadd.s32 $0xFFFFC000  }
0xc3: {  	[tilespmem:s25], [sflag:$0x2] =	stream.indirect.gather [hbm4b:s20+s23], $0x80, s4, s23, $0xb8;
	[tilespmem:$0x1F400] =	vst v63  }
0xc4: {  	_ =	swait.ge [sflag:s17], $0x4000  }
0xc5: {  	[sflag:s17] =	ssyncset.done $0x0  }
0xc6: {  	[sflag:s17] =	ssyncadd.s32 $0xFFFFC000  }
0xc7: {  	[spmem:s1] =	stream.indirect.scatter.add.f32 [tilespmem:s24], [sflag:$0x3], $0x80, s6, s23, $0xb8;
	[tilespmem:$0x1F400] =	vst v63  }
0xc8: {  	_ =	swait.ge [sflag:s15], $0x4000  }
0xc9: {  	[sflag:s15] =	ssyncset.done $0x0  }
0xca: {  	[sflag:s15] =	ssyncadd.s32 $0xFFFFC000  }
0xcb: {  	_ =	swait.ge [sflag:s19], $0x4000  }
0xcc: {  	[sflag:s19] =	ssyncset.done $0x0  }
0xcd: {  	[sflag:s19] =	ssyncadd.s32 $0xFFFFC000  }
0xce: {  	[spmem:s1] =	stream.indirect.scatter.add.f32 [tilespmem:s25], [sflag:$0x3], $0x80, s11, s23, $0xb8;
	[tilespmem:$0x1F400] =	vst v63  }
0xcf: {  	_ =	swait.ge [sflag:s15], $0x4000  }
0xd0: {  	s0 =	simm.s32 @p0 $0x0;
	[sflag:s15] =	ssyncset.done $0x0  }
0xd1: {  	s7 =	simm.s32 @p0 $0x1CC00;
	s4 =	rddreg [dreg:$0x13];
	[sflag:s15] =	ssyncadd.s32 $0xFFFFC000  }
0xd2: {  	[tilespmem:s7], [sflag:$0x1] =	stream.linear.gather @p0 [hbm4b:s4+s0], $0x500, $0x38;
	[tilespmem:$0x1F400] =	vst v63  }
0xd3: {  	s7 =	simm.s32 @p0 $0x1E000;
	s4 =	rddreg [dreg:$0x14]  }
0xd4: {  	[tilespmem:s7], [sflag:$0x2] =	stream.linear.gather @p0 [hbm4b:s4+s0], $0x500, $0x38;
	[tilespmem:$0x1F400] =	vst v63  }
0xd5: {  	s0 =	simm.s32 @p0 $0x1  }
0xd6: {  	_ =	swait.ge @p0 [sflag:s0], $0x500  }
0xd7: {  	[sflag:s0] =	ssyncset.done @p0 $0x0  }
0xd8: {  	[sflag:s0] =	ssyncadd.s32 @p0 $0xFFFFFB00;
	s0 =	simm.s32 @p0 $0x2  }
0xd9: {  	_ =	swait.ge @p0 [sflag:s0], $0x500  }
0xda: {  	s7 =	simm.s32 @!p0 $0x1CC00;
	[sflag:s0] =	ssyncset.done @p0 $0x0  }
0xdb: {  	s4 =	rddreg [dreg:$0xd];
	[sflag:s0] =	ssyncadd.s32 @p0 $0xFFFFFB00;
	s0 =	simm.s32 @!p0 $0x0  }
0xdc: {  	[tilespmem:s7], [sflag:$0x1] =	stream.linear.gather @!p0 [hbm4b:s4+s0], $0x1400, $0x38;
	[tilespmem:$0x1F400] =	vst v63  }
0xdd: {  	s7 =	simm.s32 @!p0 $0x1E000;
	s4 =	rddreg [dreg:$0xe]  }
0xde: {  	[tilespmem:s7], [sflag:$0x2] =	stream.linear.gather @!p0 [hbm4b:s4+s0], $0x1400, $0x38;
	[tilespmem:$0x1F400] =	vst v63  }
0xdf: {  	s0 =	simm.s32 @!p0 $0x1  }
0xe0: {  	_ =	swait.ge @!p0 [sflag:s0], $0x1400  }
0xe1: {  	[sflag:s0] =	ssyncset.done @!p0 $0x0  }
0xe2: {  	s13 =	simm.s32 @!p0 $0x28;
	[sflag:s0] =	ssyncadd.s32 @!p0 $0xFFFFEC00;
	s0 =	simm.s32 @!p0 $0x2  }
0xe3: {  	s13 =	simm.s32 @p0 $0xA;
	_ =	swait.ge @!p0 [sflag:s0], $0x1400  }
0xe4: {  	s29 =	sshrl.u32 s13, $0x1;
	[sflag:s0] =	ssyncset.done @!p0 $0x0  }
0xe5: {  	[sflag:s0] =	ssyncadd.s32 @!p0 $0xFFFFEC00;
	s0 =	sadd.s32 $0xFFFFFFFF, s29  }
0xe6: {  	p2 =	sne.s32 s0, $0x1  }
.Ltmp2:
0xe7: {  	_ = 	snop;
	(pc) =	sbr.rel @!p2 .LBB2_6-.Ltmp2, $4  }
0xe8: {  	_ = 	snop  }
0xe9: {  	s30 =	simm.s32 $0x2  }
0xea: {  	s31 =	simm.s32 $0x1E080;
	p1 =	por $0x0, $0x0;
	s21 =	simm.s32 $0x1CD00  }
0xeb: {  	[tilespmem:s24], [sflag:$0x1] =	stream.indirect.gather [hbm4b:s20+s23], $0x80, s28, s23, $0xb8;
	[tilespmem:$0x1F400] =	vst v63  }
0xec: {  	s7 =	simm.s32 $0x1CC80  }
0xed: {  	[tilespmem:s25], [sflag:$0x2] =	stream.indirect.gather [hbm4b:s20+s23], $0x80, s7, s23, $0xb8;
	[tilespmem:$0x1F400] =	vst v63  }
0xee: {  	_ =	swait.ge [sflag:s17], $0x4000  }
0xef: {  	[sflag:s17] =	ssyncset.done $0x0  }
0xf0: {  	s29 =	simm.s32 $0x1E000;
	[sflag:s17] =	ssyncadd.s32 $0xFFFFC000  }
0xf1: {  	[spmem:s1] =	stream.indirect.scatter.add.f32 [tilespmem:s24], [sflag:$0x3], $0x80, s29, s23, $0xb8;
	[tilespmem:$0x1F400] =	vst v63  }
0xf2: {  	_ =	swait.ge [sflag:s15], $0x4000  }
0xf3: {  	p1 =	sle.u32 s13, $0x2;
	[sflag:s15] =	ssyncset.done $0x0  }
0xf4: {  	s7 =	simm.s32 @!p1 $0x80;
	s8 =	simm.s32 @!p1 $0x14C00;
	[sflag:s15] =	ssyncadd.s32 $0xFFFFC000  }
0xf5: {  	[tilespmem:s8], [sflag:$0x1] =	stream.indirect.gather @!p1 [hbm4b:s20+s7], $0x80, s21, s7, $0xb8;
	[tilespmem:$0x1F400] =	vst v63  }
0xf6: {  	p2 =	sne.s32 s0, $0x2;
	_ =	swait.ge [sflag:s19], $0x4000  }
.Ltmp3:
0xf7: {  	[sflag:s19] =	ssyncset.done $0x0;
	(pc) =	sbr.rel @!p2 .LBB2_10-.Ltmp3, $4  }
0xf8: {  	s9 =	simm.s32 $0x2;
	s7 =	simm.s32 $0x2;
	[sflag:s19] =	ssyncadd.s32 $0xFFFFC000  }
0xf9: {  	[spmem:s1] =	stream.indirect.scatter.add.f32 [tilespmem:s25], [sflag:$0x3], $0x80, s31, s23, $0xb8;
	[tilespmem:$0x1F400] =	vst v63  }
0xfa: {  	s21 =	simm.s32 $0x1CE00;
	s8 =	simm.s32 $0x4;
	_ =	swait.ge [sflag:s15], $0x4000  }
0xfb: {  	p1 =	por $0x1, $0x1;
	s31 =	simm.s32 $0x1E180;
	[sflag:s15] =	ssyncset.done $0x0  }
.LBB2_8:
0xfc: {  	s7 =	sadd.s32 $0x1, s7;
	s2 =	sadd.s32 $0xFFFFFF80, s21;
	[sflag:s15] =	ssyncadd.s32 $0xFFFFC000  }
0xfd: {  	[tilespmem:s25], [sflag:$0x2] =	stream.indirect.gather [hbm4b:s20+s23], $0x80, s2, s23, $0xb8;
	[tilespmem:$0x1F400] =	vst v63  }
0xfe: {  	p2 =	sne.s32 s0, s7;
	_ =	swait.ge [sflag:s17], $0x4000  }
0xff: {  	[sflag:s17] =	ssyncset.done $0x0  }
0x100: {  	s2 =	sadd.s32 $0xFFFFFF80, s31;
	[sflag:s17] =	ssyncadd.s32 $0xFFFFC000  }
0x101: {  	[spmem:s1] =	stream.indirect.scatter.add.f32 [tilespmem:s24], [sflag:$0x3], $0x80, s2, s23, $0xb8;
	[tilespmem:$0x1F400] =	vst v63  }
0x102: {  	_ =	swait.ge [sflag:s15], $0x4000  }
0x103: {  	p3 =	sge.u32 s8, s13;
	[sflag:s15] =	ssyncset.done $0x0  }
0x104: {  	s10 =	simm.s32 @!p3 $0x14C00;
	s2 =	simm.s32 @!p3 $0x80;
	[sflag:s15] =	ssyncadd.s32 $0xFFFFC000  }
0x105: {  	[tilespmem:s10], [sflag:$0x1] =	stream.indirect.gather @!p3 [hbm4b:s20+s2], $0x80, s21, s2, $0xb8;
	[tilespmem:$0x1F400] =	vst v63  }
0x106: {  	_ =	swait.ge [sflag:s19], $0x4000  }
.Ltmp4:
0x107: {  	s16 =	sadd.s32 $0x100, s31;
	[sflag:s19] =	ssyncset.done $0x0;
	(pc) =	sbr.rel @p2 .LBB2_8-.Ltmp4, $4  }
0x108: {  	s18 =	sadd.s32 $0x1, s9;
	s8 =	sadd.s32 $0x2, s8;
	[sflag:s19] =	ssyncadd.s32 $0xFFFFC000  }
0x109: {  	[spmem:s1] =	stream.indirect.scatter.add.f32 [tilespmem:s25], [sflag:$0x3], $0x80, s31, s23, $0xb8;
	[tilespmem:$0x1F400] =	vst v63  }
0x10a: {  	s9 =	smov.u32 s18;
	s2 =	sadd.s32 $0x100, s21;
	_ =	swait.ge [sflag:s15], $0x4000  }
0x10b: {  	s21 =	smov.u32 s2;
	s31 =	smov.u32 s16;
	[sflag:s15] =	ssyncset.done $0x0  }
0x10c: {  	s21 =	smov.u32 s2;
	s31 =	smov.u32 s16  }
.LBB2_10:
0x10d: {  	s0 =	sadd.s32 $0xFFFFFF80, s21;
	[sflag:s15] =	ssyncadd.s32 @p1 $0xFFFFC000  }
0x10e: {  	[tilespmem:s25], [sflag:$0x2] =	stream.indirect.gather [hbm4b:s20+s23], $0x80, s0, s23, $0xb8;
	[tilespmem:$0x1F400] =	vst v63  }
0x10f: {  	_ =	swait.ge [sflag:s17], $0x4000  }
0x110: {  	[sflag:s17] =	ssyncset.done $0x0  }
0x111: {  	s9 =	sadd.s32 $0xFFFFFF80, s31;
	[sflag:s17] =	ssyncadd.s32 $0xFFFFC000  }
0x112: {  	[spmem:s1] =	stream.indirect.scatter.add.f32 [tilespmem:s24], [sflag:$0x3], $0x80, s9, s23, $0xb8;
	[tilespmem:$0x1F400] =	vst v63  }
0x113: {  	_ =	swait.ge [sflag:s15], $0x4000  }
0x114: {  	p1 =	sge.u32 s8, s13;
	[sflag:s15] =	ssyncset.done $0x0  }
0x115: {  	s0 =	simm.s32 @!p1 $0x80;
	s7 =	simm.s32 @!p1 $0x14C00;
	[sflag:s15] =	ssyncadd.s32 $0xFFFFC000  }
0x116: {  	[tilespmem:s7], [sflag:$0x1] =	stream.indirect.gather @!p1 [hbm4b:s20+s0], $0x80, s21, s0, $0xb8;
	[tilespmem:$0x1F400] =	vst v63  }
0x117: {  	_ =	swait.ge [sflag:s19], $0x4000  }
0x118: {  	[sflag:s19] =	ssyncset.done $0x0  }
0x119: {  	[sflag:s19] =	ssyncadd.s32 $0xFFFFC000  }
0x11a: {  	[spmem:s1] =	stream.indirect.scatter.add.f32 [tilespmem:s25], [sflag:$0x3], $0x80, s31, s23, $0xb8;
	[tilespmem:$0x1F400] =	vst v63  }
0x11b: {  	_ =	swait.ge [sflag:s15], $0x4000  }
0x11c: {  	[sflag:s15] =	ssyncset.done $0x0  }
0x11d: {  	s0 =	sadd.s32 $0x80, s2;
	[sflag:s15] =	ssyncadd.s32 $0xFFFFC000  }
0x11e: {  	[tilespmem:s25], [sflag:$0x2] =	stream.indirect.gather [hbm4b:s20+s23], $0x80, s0, s23, $0xb8;
	[tilespmem:$0x1F400] =	vst v63  }
0x11f: {  	_ =	swait.ge [sflag:s17], $0x4000  }
0x120: {  	[sflag:s17] =	ssyncset.done $0x0  }
0x121: {  	s7 =	sadd.s32 $0x80, s16;
	[sflag:s17] =	ssyncadd.s32 $0xFFFFC000  }
0x122: {  	[spmem:s1] =	stream.indirect.scatter.add.f32 [tilespmem:s24], [sflag:$0x3], $0x80, s7, s23, $0xb8;
	[tilespmem:$0x1F400] =	vst v63  }
0x123: {  	s10 =	sadd.s32 $0x2, s8;
	_ =	swait.ge [sflag:s15], $0x4000  }
0x124: {  	s21 =	sadd.s32 $0x100, s21;
	p1 =	sge.u32 s10, s13;
	[sflag:s15] =	ssyncset.done $0x0  }
0x125: {  	s8 =	simm.s32 @!p1 $0x80;
	s9 =	simm.s32 @!p1 $0x14C00;
	[sflag:s15] =	ssyncadd.s32 $0xFFFFC000  }
0x126: {  	[tilespmem:s9], [sflag:$0x1] =	stream.indirect.gather @!p1 [hbm4b:s20+s8], $0x80, s21, s8, $0xb8;
	[tilespmem:$0x1F400] =	vst v63  }
0x127: {  	_ =	swait.ge [sflag:s30], $0x4000  }
0x128: {  	[sflag:s30] =	ssyncset.done $0x0  }
0x129: {  	s10 =	sadd.s32 $0x100, s31;
	[sflag:s30] =	ssyncadd.s32 $0xFFFFC000  }
0x12a: {  	[spmem:s1] =	stream.indirect.scatter.add.f32 [tilespmem:s25], [sflag:$0x3], $0x80, s10, s23, $0xb8;
	[tilespmem:$0x1F400] =	vst v63  }
0x12b: {  	_ =	swait.ge [sflag:s15], $0x4000  }
0x12c: {  	[sflag:s15] =	ssyncset.done $0x0  }
0x12d: {  	s4 =	stileid.u32;
	[sflag:s15] =	ssyncadd.s32 $0xFFFFC000  }
0x12e: {  	s11 =	sshll.u32 s4, $0x6;
	[bflag:$0x0] =	sbarrier.arrive $0xFFFF  }
0x12f: {  	s31 =	sshrl.u32 s5, $0x3;
	s30 =	sor.u32 $0x1C03, s11;
	s11 =	rddreg [dreg:$0x11]  }
0x130: {  	[hbm:s11], [sflag:s30] =	dma.local [spmem:s31], $0x2780  }
0x131: {  	_ =	swait.ge [sflag:s15], $0x2780  }
0x132: {  	[sflag:s15] =	ssyncset.done $0x0  }
0x133: {  	[sflag:s15] =	ssyncadd.s32 $0xFFFFD880  }
0x134: {  	[bflag:$0x0] =	sbarrier.arrive $0xFFFF  }
0x135: {  	[tilespmem:s24], [sflag:$0x1] =	stream.indirect.gather [hbm4b:s22+s23], $0x80, s28, s23, $0xb8;
	[tilespmem:$0x1F400] =	vst v63  }
0x136: {  	s26 =	simm.s32 $0x1CC80  }
0x137: {  	[tilespmem:s25], [sflag:$0x2] =	stream.indirect.gather [hbm4b:s22+s23], $0x80, s26, s23, $0xb8;
	[tilespmem:$0x1F400] =	vst v63  }
0x138: {  	_ =	swait.ge [sflag:s17], $0x4000  }
0x139: {  	[sflag:s17] =	ssyncset.done $0x0  }
0x13a: {  	s11 =	simm.s32 $0x1E000;
	[sflag:s17] =	ssyncadd.s32 $0xFFFFC000  }
0x13b: {  	[spmem:s1] =	stream.indirect.scatter.add.f32 [tilespmem:s24], [sflag:$0x3], $0x80, s11, s23, $0xb8;
	[tilespmem:$0x1F400] =	vst v63  }
0x13c: {  	p2 =	sle.u32 s13, $0x2;
	_ =	swait.ge [sflag:s15], $0x4000  }
0x13d: {  	s29 =	simm.s32 @!p2 $0x14C00;
	[sflag:s15] =	ssyncset.done $0x0  }
0x13e: {  	s28 =	simm.s32 @!p2 $0x80;
	s26 =	simm.s32 @!p2 $0x1CD00;
	[sflag:s15] =	ssyncadd.s32 $0xFFFFC000  }
0x13f: {  	[tilespmem:s29], [sflag:$0x1] =	stream.indirect.gather @!p2 [hbm4b:s22+s28], $0x80, s26, s28, $0xb8;
	[tilespmem:$0x1F400] =	vst v63  }
0x140: {  	s26 =	sadd.s32 $0xFFFFFFFF, s18  }
0x141: {  	p2 =	sne.s32 s26, $0x0  }
.Ltmp5:
0x142: {  	_ =	swait.ge [sflag:s19], $0x4000;
	(pc) =	sbr.rel @!p2 .LBB2_12-.Ltmp5, $4  }
0x143: {  	[sflag:s19] =	ssyncset.done $0x0  }
0x144: {  	s12 =	smov.u32 s5;
	s28 =	simm.s32 $0x1E080;
	[sflag:s19] =	ssyncadd.s32 $0xFFFFC000  }
0x145: {  	[spmem:s1] =	stream.indirect.scatter.add.f32 [tilespmem:s25], [sflag:$0x3], $0x80, s28, s23, $0xb8;
	[tilespmem:$0x1F400] =	vst v63  }
0x146: {  	s29 =	simm.s32 $0x4;
	s28 =	simm.s32 $0x1CD80;
	_ =	swait.ge [sflag:s15], $0x4000  }
.LBB2_11:
0x147: {  	s26 =	sadd.s32 $0xFFFFFFFF, s26;
	[sflag:s15] =	ssyncset.done $0x0;
	s11 =	sadd.s32 $0x100, s11  }
0x148: {  	p2 =	sne.s32 s26, $0x0;
	[sflag:s15] =	ssyncadd.s32 $0xFFFFC000  }
0x149: {  	[tilespmem:s25], [sflag:$0x2] =	stream.indirect.gather [hbm4b:s22+s23], $0x80, s28, s23, $0xb8;
	[tilespmem:$0x1F400] =	vst v63  }
0x14a: {  	_ =	swait.ge [sflag:s17], $0x4000  }
0x14b: {  	[sflag:s17] =	ssyncset.done $0x0  }
0x14c: {  	[sflag:s17] =	ssyncadd.s32 $0xFFFFC000  }
0x14d: {  	[spmem:s1] =	stream.indirect.scatter.add.f32 [tilespmem:s24], [sflag:$0x3], $0x80, s11, s23, $0xb8;
	[tilespmem:$0x1F400] =	vst v63  }
0x14e: {  	p3 =	sge.u32 s29, s13;
	_ =	swait.ge [sflag:s15], $0x4000  }
0x14f: {  	s5 =	sadd.s32 @!p3 $0x80, s28;
	s6 =	simm.s32 @!p3 $0x80;
	[sflag:s15] =	ssyncset.done $0x0  }
0x150: {  	s4 =	simm.s32 @!p3 $0x14C00;
	[sflag:s15] =	ssyncadd.s32 $0xFFFFC000  }
0x151: {  	[tilespmem:s4], [sflag:$0x1] =	stream.indirect.gather @!p3 [hbm4b:s22+s6], $0x80, s5, s6, $0xb8;
	[tilespmem:$0x1F400] =	vst v63  }
.Ltmp6:
0x152: {  	_ =	swait.ge [sflag:s19], $0x4000;
	(pc) =	sbr.rel @p2 .LBB2_11-.Ltmp6, $4  }
0x153: {  	s4 =	sadd.s32 $0x80, s11;
	[sflag:s19] =	ssyncset.done $0x0  }
0x154: {  	[sflag:s19] =	ssyncadd.s32 $0xFFFFC000  }
0x155: {  	[spmem:s1] =	stream.indirect.scatter.add.f32 [tilespmem:s25], [sflag:$0x3], $0x80, s4, s23, $0xb8;
	[tilespmem:$0x1F400] =	vst v63  }
0x156: {  	s29 =	sadd.s32 $0x2, s29;
	s28 =	sadd.s32 $0x100, s28;
	_ =	swait.ge [sflag:s15], $0x4000  }
.LBB2_12:
0x157: {  	[sflag:s15] =	ssyncset.done $0x0  }
0x158: {  	[sflag:s15] =	ssyncadd.s32 $0xFFFFC000  }
0x159: {  	[tilespmem:s25], [sflag:$0x2] =	stream.indirect.gather [hbm4b:s22+s23], $0x80, s0, s23, $0xb8;
	[tilespmem:$0x1F400] =	vst v63  }
0x15a: {  	_ =	swait.ge [sflag:s17], $0x4000  }
0x15b: {  	[sflag:s17] =	ssyncset.done $0x0  }
0x15c: {  	[sflag:s17] =	ssyncadd.s32 $0xFFFFC000  }
0x15d: {  	[spmem:s1] =	stream.indirect.scatter.add.f32 [tilespmem:s24], [sflag:$0x3], $0x80, s7, s23, $0xb8;
	[tilespmem:$0x1F400] =	vst v63  }
0x15e: {  	_ =	swait.ge [sflag:s15], $0x4000  }
0x15f: {  	[sflag:s15] =	ssyncset.done $0x0  }
0x160: {  	[sflag:s15] =	ssyncadd.s32 $0xFFFFC000  }
0x161: {  	[tilespmem:s9], [sflag:$0x1] =	stream.indirect.gather @!p1 [hbm4b:s22+s8], $0x80, s21, s8, $0xb8;
	[tilespmem:$0x1F400] =	vst v63  }
0x162: {  	_ =	swait.ge [sflag:s19], $0x4000  }
0x163: {  	[sflag:s19] =	ssyncset.done $0x0  }
0x164: {  	[sflag:s19] =	ssyncadd.s32 $0xFFFFC000  }
0x165: {  	[spmem:s1] =	stream.indirect.scatter.add.f32 [tilespmem:s25], [sflag:$0x3], $0x80, s10, s23, $0xb8;
	[tilespmem:$0x1F400] =	vst v63  }
0x166: {  	_ =	swait.ge [sflag:s15], $0x4000  }
0x167: {  	s28 =	simm.s32 $0x1CC00;
	[sflag:s15] =	ssyncset.done $0x0  }
0x168: {  	s9 =	simm.s32 $0x0;
	s21 =	rddreg [dreg:$0x3];
	[sflag:s15] =	ssyncadd.s32 $0xFFFFC000  }
0x169: {  	[tilespmem:s28], [sflag:$0x1] =	stream.linear.gather [hbm4b:s21+s9], $0x1400, $0x38;
	[tilespmem:$0x1F400] =	vst v63  }
0x16a: {  	s8 =	simm.s32 $0x1E000;
	s26 =	rddreg [dreg:$0x4]  }
0x16b: {  	[tilespmem:s8], [sflag:$0x2] =	stream.linear.gather [hbm4b:s26+s9], $0x1400, $0x38;
	[tilespmem:$0x1F400] =	vst v63  }
0x16c: {  	_ =	swait.ge [sflag:s17], $0x1400  }
0x16d: {  	[sflag:s17] =	ssyncset.done $0x0  }
0x16e: {  	[sflag:s17] =	ssyncadd.s32 $0xFFFFEC00  }
0x16f: {  	_ =	swait.ge [sflag:s19], $0x1400  }
0x170: {  	[sflag:s19] =	ssyncset.done $0x0  }
0x171: {  	[sflag:s19] =	ssyncadd.s32 $0xFFFFEC00  }
0x172: {  	[tilespmem:s24], [sflag:$0x1] =	stream.indirect.gather [hbm4b:s22+s23], $0x80, s28, s23, $0xb8;
	[tilespmem:$0x1F400] =	vst v63  }
0x173: {  	s10 =	simm.s32 $0x1CC80  }
0x174: {  	[tilespmem:s25], [sflag:$0x2] =	stream.indirect.gather [hbm4b:s22+s23], $0x80, s10, s23, $0xb8;
	[tilespmem:$0x1F400] =	vst v63  }
0x175: {  	_ =	swait.ge [sflag:s17], $0x4000  }
0x176: {  	[sflag:s17] =	ssyncset.done $0x0  }
0x177: {  	s11 =	simm.s32 $0x1E000;
	[sflag:s17] =	ssyncadd.s32 $0xFFFFC000  }
0x178: {  	[spmem:s1] =	stream.indirect.scatter.add.f32 [tilespmem:s24], [sflag:$0x3], $0x80, s11, s23, $0xb8;
	[tilespmem:$0x1F400] =	vst v63  }
0x179: {  	_ =	swait.ge [sflag:s15], $0x4000  }
0x17a: {  	[sflag:s15] =	ssyncset.done $0x0  }
0x17b: {  	s13 =	simm.s32 $0x1CD00;
	[sflag:s15] =	ssyncadd.s32 $0xFFFFC000  }
0x17c: {  	[tilespmem:s24], [sflag:$0x1] =	stream.indirect.gather [hbm4b:s22+s23], $0x80, s13, s23, $0xb8;
	[tilespmem:$0x1F400] =	vst v63  }
0x17d: {  	_ =	swait.ge [sflag:s19], $0x4000  }
0x17e: {  	[sflag:s19] =	ssyncset.done $0x0  }
0x17f: {  	s29 =	simm.s32 $0x1E080;
	[sflag:s19] =	ssyncadd.s32 $0xFFFFC000  }
0x180: {  	[spmem:s1] =	stream.indirect.scatter.add.f32 [tilespmem:s25], [sflag:$0x3], $0x80, s29, s23, $0xb8;
	[tilespmem:$0x1F400] =	vst v63  }
0x181: {  	_ =	swait.ge [sflag:s15], $0x4000  }
0x182: {  	s0 =	simm.s32 $0x100;
	s7 =	simm.s32 $0x800;
	[sflag:s15] =	ssyncset.done $0x0  }
.LBB2_13:
0x183: {  	s4 =	sadd.s32 $0x1CC80, s0  }
0x184: {  	[sflag:s15] =	ssyncadd.s32 $0xFFFFC000;
	s5 =	smov.u32 s7;
	s6 =	sadd.s32 $0x400, s7  }
0x185: {  	[tilespmem:s25], [sflag:$0x2] =	stream.indirect.gather [hbm4b:s22+s23], $0x80, s4, s23, $0xb8;
	[tilespmem:$0x1F400] =	vst v63  }
0x186: {  	p1 =	sne.s32 s7, $0x4800;
	_ =	swait.ge [sflag:s17], $0x4000  }
0x187: {  	[sflag:s17] =	ssyncset.done $0x0  }
0x188: {  	s4 =	sadd.s32 $0x1E000, s0;
	[sflag:s17] =	ssyncadd.s32 $0xFFFFC000  }
0x189: {  	[spmem:s1] =	stream.indirect.scatter.add.f32 [tilespmem:s24], [sflag:$0x3], $0x80, s4, s23, $0xb8;
	[tilespmem:$0x1F400] =	vst v63  }
0x18a: {  	_ =	swait.ge [sflag:s15], $0x4000  }
0x18b: {  	[sflag:s15] =	ssyncset.done $0x0  }
0x18c: {  	s4 =	sadd.s32 $0x1CD00, s0;
	[sflag:s15] =	ssyncadd.s32 $0xFFFFC000  }
0x18d: {  	[tilespmem:s24], [sflag:$0x1] =	stream.indirect.gather [hbm4b:s22+s23], $0x80, s4, s23, $0xb8;
	[tilespmem:$0x1F400] =	vst v63  }
0x18e: {  	_ =	swait.ge [sflag:s19], $0x4000  }
.Ltmp7:
0x18f: {  	[sflag:s19] =	ssyncset.done $0x0;
	(pc) =	sbr.rel @p1 .LBB2_13-.Ltmp7, $4  }
0x190: {  	s0 =	sadd.s32 $0x1E080, s0;
	[sflag:s19] =	ssyncadd.s32 $0xFFFFC000  }
0x191: {  	[spmem:s1] =	stream.indirect.scatter.add.f32 [tilespmem:s25], [sflag:$0x3], $0x80, s0, s23, $0xb8;
	[tilespmem:$0x1F400] =	vst v63  }
0x192: {  	_ =	swait.ge [sflag:s15], $0x4000  }
0x193: {  	s7 =	smov.u32 s6;
	s0 =	sshra.s32 s5, $0x2;
	[sflag:s15] =	ssyncset.done $0x0  }
0x194: {  	s4 =	sadd.s32 $0x1CC80, s0;
	[sflag:s15] =	ssyncadd.s32 $0xFFFFC000  }
0x195: {  	[tilespmem:s25], [sflag:$0x2] =	stream.indirect.gather [hbm4b:s22+s23], $0x80, s4, s23, $0xb8;
	[tilespmem:$0x1F400] =	vst v63  }
0x196: {  	_ =	swait.ge [sflag:s17], $0x4000  }
0x197: {  	[sflag:s17] =	ssyncset.done $0x0  }
0x198: {  	s10 =	sadd.s32 $0x1E000, s0;
	[sflag:s17] =	ssyncadd.s32 $0xFFFFC000  }
0x199: {  	[spmem:s1] =	stream.indirect.scatter.add.f32 [tilespmem:s24], [sflag:$0x3], $0x80, s10, s23, $0xb8;
	[tilespmem:$0x1F400] =	vst v63  }
0x19a: {  	_ =	swait.ge [sflag:s15], $0x4000  }
0x19b: {  	[sflag:s15] =	ssyncset.done $0x0  }
0x19c: {  	s11 =	sadd.s32 $0x1CD00, s0;
	[sflag:s15] =	ssyncadd.s32 $0xFFFFC000  }
0x19d: {  	[tilespmem:s24], [sflag:$0x1] =	stream.indirect.gather [hbm4b:s22+s23], $0x80, s11, s23, $0xb8;
	[tilespmem:$0x1F400] =	vst v63  }
0x19e: {  	_ =	swait.ge [sflag:s19], $0x4000  }
0x19f: {  	[sflag:s19] =	ssyncset.done $0x0  }
0x1a0: {  	s13 =	sadd.s32 $0x1E080, s0;
	[sflag:s19] =	ssyncadd.s32 $0xFFFFC000  }
0x1a1: {  	[spmem:s1] =	stream.indirect.scatter.add.f32 [tilespmem:s25], [sflag:$0x3], $0x80, s13, s23, $0xb8;
	[tilespmem:$0x1F400] =	vst v63  }
0x1a2: {  	_ =	swait.ge [sflag:s15], $0x4000  }
0x1a3: {  	[sflag:s15] =	ssyncset.done $0x0  }
0x1a4: {  	s4 =	simm.s32 $0x1DF80;
	[sflag:s15] =	ssyncadd.s32 $0xFFFFC000  }
0x1a5: {  	[tilespmem:s25], [sflag:$0x2] =	stream.indirect.gather [hbm4b:s22+s23], $0x80, s4, s23, $0xb8;
	[tilespmem:$0x1F400] =	vst v63  }
0x1a6: {  	_ =	swait.ge [sflag:s17], $0x4000  }
0x1a7: {  	[sflag:s17] =	ssyncset.done $0x0  }
0x1a8: {  	s6 =	simm.s32 $0x1F300;
	[sflag:s17] =	ssyncadd.s32 $0xFFFFC000  }
0x1a9: {  	[spmem:s1] =	stream.indirect.scatter.add.f32 [tilespmem:s24], [sflag:$0x3], $0x80, s6, s23, $0xb8;
	[tilespmem:$0x1F400] =	vst v63  }
0x1aa: {  	_ =	swait.ge [sflag:s15], $0x4000  }
0x1ab: {  	[sflag:s15] =	ssyncset.done $0x0  }
0x1ac: {  	[sflag:s15] =	ssyncadd.s32 $0xFFFFC000  }
0x1ad: {  	_ =	swait.ge [sflag:s19], $0x4000  }
0x1ae: {  	[sflag:s19] =	ssyncset.done $0x0  }
0x1af: {  	s11 =	simm.s32 $0x1F380;
	[sflag:s19] =	ssyncadd.s32 $0xFFFFC000  }
0x1b0: {  	[spmem:s1] =	stream.indirect.scatter.add.f32 [tilespmem:s25], [sflag:$0x3], $0x80, s11, s23, $0xb8;
	[tilespmem:$0x1F400] =	vst v63  }
0x1b1: {  	_ =	swait.ge [sflag:s15], $0x4000  }
0x1b2: {  	[sflag:s15] =	ssyncset.done $0x0  }
0x1b3: {  	[sflag:s15] =	ssyncadd.s32 $0xFFFFC000  }
0x1b4: {  	[bflag:$0x0] =	sbarrier.arrive $0xFFFF  }
0x1b5: {  	s29 =	rddreg [dreg:$0x12]  }
0x1b6: {  	[hbm:s29], [sflag:s30] =	dma.local [spmem:s31], $0x2780  }
0x1b7: {  	_ =	swait.ge [sflag:s15], $0x2780  }
0x1b8: {  	s3 =	sadd.s32 $0x1, s3;
	s31 =	rddreg [dreg:$0x15]  }
0x1b9: {  	p1 =	sne.s32 s3, s31  }
.Ltmp8:
0x1ba: {  	_ = 	snop;
	(pc) =	sbr.rel @p1 .LBB2_1-.Ltmp8, $4  }
.Ltmp9:
0x1bb: {  	_ = 	snop;
	(pc) =	sbr.rel @!p1 .LBB2_15-.Ltmp9, $4  }
0x1bc: {  	_ = 	snop  }
0x1bd: {  	[sflag:s15] =	ssyncset.done $0x0  }
0x1be: {  	s5 =	smov.u32 s12;
	[sflag:s15] =	ssyncadd.s32 $0xFFFFD880  }
0x1bf: {  	_ = 	snop  }
.LBB2_6:
.Ltmp10:
0x1c0: {  	(pc) =	sbr.rel .LBB2_10-.Ltmp10, $2  }
0x1c1: {  	_ =	sdelay $0x2  }
0x1c2: {  	s8 =	simm.s32 $0x2  }
.LBB2_15:
0x1c3: {  	_ =	sfence.sel $0x180000  }
0x1c4: {  	[bflag:$0x0] =	sbarrier.arrive $0xFFFF  }
0x1c5: {  	_ =	strace $0x90000047  }
0x1c6: {  	s0 =	stileid.u32;
	[bflag:$0x2] =	sbarrier.arrive $0xFFFF  }
0x1c7: {  	p0 =	sne.s32 s0, $0x0;
	s0 =	rddreg [dreg:$0x2]  }
0x1c8: {  	s0 =	sadd.s32 @!p0 $0x100000, s0  }
0x1c9: {  	[sflag:s0] =	ssyncadd.tile.s32 @!p0 $0x1;
	_ =	shalt  }
.Lfunc_end2:
_tile_overlayer_lowered:
.L_overlay_start_2:
0x1ca: {  	(tag) =	ssettag $0x2  }
0x1cb: {  	s0 =	rddreg [dreg:$0x0];
	s2 =	stileid.u32  }
0x1cc: {  	s1 =	rddreg [dreg:$0x1];
	p0 =	sne.s32 s2, $0x0  }
0x1cd: {  	s3 =	rddreg [dreg:$0x2];
	[bflag:$0x3] =	sbarrier.arrive $0xFFFF;
	s2 =	simm.s32 @!p0 $0x1C03  }
0x1ce: {  	[timem:s3], [sflag:s2] =	dma.local @!p0 [hbm:s0], s1  }
0x1cf: {  	s0 =	simm.s32 @!p0 $0x3  }
0x1d0: {  	_ =	swait.ge @!p0 [sflag:s0], s1  }
0x1d1: {  	s1 =	ssub.s32 @!p0 $0x0, s1;
	[sflag:s0] =	ssyncset.done @!p0 $0x0  }
0x1d2: {  	[sflag:s0] =	ssyncadd.s32 @!p0 s1  }
0x1d3: {  	[bflag:$0x3] =	sbarrier.arrive $0xFFFF  }
0x1d4: {  	_ =	shalt  }

</sc_bundles>
